<compile_context>
chip_gen: v7x
topology: tpu7x:2x2x1
jax: 0.10.2.dev20260603
libtpu: 0.0.44.dev20260713+nightly
codegen_flags: <defaults>
</compile_context>

<pallas_src>
import functools

import jax
import jax.numpy as jnp
from jax import lax
from jax.experimental import pallas as pl
from jax.experimental.pallas import tpu as pltpu
from jax.experimental.pallas import tpu_sc as plsc

N = 10000
E = 320000
D = 128
A = 64

NC = 2
NS = 16
NW = NC * NS
CH = 128
K = 80
KB = 40
NKB = K // KB
NBUF = 2
E_PAD = NW * K * CH
N_ACC = 10240

ROWS_BLK = 2000
N_BLKS = N // ROWS_BLK

_sc_mesh = plsc.VectorSubcoreMesh(
    core_axis_name="c", subcore_axis_name="s", num_cores=NC, num_subcores=NS)


@functools.partial(
    pl.kernel,
    out_type=jax.ShapeDtypeStruct((NC, N_ACC, D), jnp.float32),
    mesh=_sc_mesh,
    scratch_types=[
        pltpu.MemorySpace.VMEM_SHARED((N_ACC, D), jnp.float32),
        pltpu.VMEM((KB, CH), jnp.int32),
        pltpu.VMEM((KB, CH), jnp.int32),
        pltpu.VMEM((CH, D), jnp.float32),
        pltpu.VMEM((CH, D), jnp.float32),
        pltpu.SemaphoreType.DMA,
        pltpu.SemaphoreType.DMA,
    ],
)
def _sc_segsum(table, src_idx, dst_idx, out, acc, src_v, dst_v, gbuf0, gbuf1,
               sem0, sem1):
    gbufs = (gbuf0, gbuf1)
    rows = gbuf0
    c = lax.axis_index("c")
    s = lax.axis_index("s")
    w = c * NS + s
    sems = (sem0, sem1)

    zero = jnp.zeros((16,), jnp.float32)

    def _zrow(i, carry):
        for jj in range(D // 16):
            rows[i, pl.ds(jj * 16, 16)] = zero
        return carry

    lax.fori_loop(0, CH, _zrow, 0)
    for b in range(640 // CH):
        pltpu.sync_copy(rows, acc.at[pl.ds(s * 640 + b * CH, CH)])
    plsc.subcore_barrier()

    def _wait(sem, q):
        pltpu.make_async_copy(table.at[pl.ds(0, CH)], gbufs[q], sem).wait()

    for kb in range(NKB):
        pltpu.sync_copy(src_idx.at[w].at[pl.ds(kb * KB, KB)], src_v)
        pltpu.sync_copy(dst_idx.at[w].at[pl.ds(kb * KB, KB)], dst_v)

        for q in range(NBUF):
            pltpu.async_copy(table.at[src_v.at[q]], gbufs[q], sems[q])

        def _round(t, carry2):
            j = t * NBUF
            for q in range(NBUF):
                _wait(sems[q], q)
                pltpu.sync_copy(gbufs[q], acc.at[dst_v.at[j + q]], add=True)

                @pl.when(j + q + NBUF < KB)
                def _arm(q=q):
                    pltpu.async_copy(table.at[src_v.at[j + q + NBUF]],
                                     gbufs[q], sems[q])
            return carry2

        lax.fori_loop(0, KB // NBUF, _round, 0)
    plsc.subcore_barrier()

    pltpu.sync_copy(acc.at[pl.ds(s * 640, 640)],
                    out.at[c].at[pl.ds(s * 640, 640)])


def _colsum3_body(x_ref, xi_ref, xl_ref, sx_ref, si_ref, sl_ref):
    @pl.when(pl.program_id(0) == 0)
    def _init():
        sx_ref[...] = jnp.zeros_like(sx_ref)
        si_ref[...] = jnp.zeros_like(si_ref)
        sl_ref[...] = jnp.zeros_like(sl_ref)

    sx_ref[...] += jnp.sum(x_ref[...], axis=0, keepdims=True)
    si_ref[...] += jnp.sum(xi_ref[...], axis=0, keepdims=True)
    sl_ref[...] += jnp.sum(xl_ref[...], axis=0, keepdims=True)


_row_spec = pl.BlockSpec((ROWS_BLK, D), lambda i: (i, 0))
_vec_spec = pl.BlockSpec((1, D), lambda i: (0, 0))
_mat_spec = pl.BlockSpec((D, D), lambda i: (0, 0))
_agg_spec = pl.BlockSpec((NC, ROWS_BLK, D), lambda i: (0, i, 0))

_colsum3 = pl.pallas_call(
    _colsum3_body,
    grid=(N_BLKS,),
    in_specs=[_row_spec, _row_spec, _row_spec],
    out_specs=[_vec_spec, _vec_spec, _vec_spec],
    out_shape=[jax.ShapeDtypeStruct((1, D), jnp.float32)] * 3,
)


def _dense_body(x_ref, agg_ref, hg_ref, hi_ref, hl_ref, Wn_ref, bn_ref,
                Wg_ref, Wi_ref, Wl_ref, h_ref, hsum_ref):
    rv = (bn_ref[...] + hg_ref[...] @ Wg_ref[...] + hi_ref[...] @ Wi_ref[...]
          + hl_ref[...] @ Wl_ref[...])
    t = x_ref[...] + agg_ref[0] + agg_ref[1]
    h = jnp.maximum(t @ Wn_ref[...] + rv, 0.0)
    h_ref[...] = h

    @pl.when(pl.program_id(0) == 0)
    def _init():
        hsum_ref[...] = jnp.zeros_like(hsum_ref)

    hsum_ref[...] += jnp.sum(h, axis=0, keepdims=True)


_dense = pl.pallas_call(
    _dense_body,
    grid=(N_BLKS,),
    in_specs=[_row_spec, _agg_spec, _vec_spec, _vec_spec, _vec_spec,
              _mat_spec, _vec_spec, _mat_spec, _mat_spec, _mat_spec],
    out_specs=[_row_spec, _vec_spec],
    out_shape=[jax.ShapeDtypeStruct((N, D), jnp.float32),
               jax.ShapeDtypeStruct((1, D), jnp.float32)],
)


def _dense3_body(x_ref, agg_ref, hg_ref, hi_ref, hl_ref, Wn_ref, bn_ref,
                 Wg_ref, Wi_ref, Wl_ref, Wfc1_ref, bfc1_ref, Wfc2_ref,
                 bfc2_ref, out_ref, hsum_ref):
    rv = (bn_ref[...] + hg_ref[...] @ Wg_ref[...] + hi_ref[...] @ Wi_ref[...]
          + hl_ref[...] @ Wl_ref[...])
    t = x_ref[...] + agg_ref[0] + agg_ref[1]
    h = jnp.maximum(t @ Wn_ref[...] + rv, 0.0)

    @pl.when(pl.program_id(0) == 0)
    def _init():
        hsum_ref[...] = jnp.zeros_like(hsum_ref)

    hsum_ref[...] += jnp.sum(h, axis=0, keepdims=True)

    @pl.when(pl.program_id(0) == N_BLKS - 1)
    def _head():
        z = jnp.maximum(hsum_ref[...] @ Wfc1_ref[...] + bfc1_ref[...], 0.0)
        out_ref[...] = z @ Wfc2_ref[...] + bfc2_ref[...]


_dense3 = pl.pallas_call(
    _dense3_body,
    grid=(N_BLKS,),
    in_specs=[_row_spec, _agg_spec, _vec_spec, _vec_spec, _vec_spec,
              _mat_spec, _vec_spec, _mat_spec, _mat_spec, _mat_spec,
              _mat_spec, _vec_spec, pl.BlockSpec((D, A), lambda i: (0, 0)),
              pl.BlockSpec((1, A), lambda i: (0, 0))],
    out_specs=pl.BlockSpec((1, A), lambda i: (0, 0)),
    out_shape=jax.ShapeDtypeStruct((1, A), jnp.float32),
    scratch_shapes=[pltpu.VMEM((1, D), jnp.float32)],
)


def kernel(x, edge_index, x_initial, x_lead, W1n, b1n, W1g, W1i, W1l, W2n,
           b2n, W2g, W2i, W2l, W3n, b3n, W3g, W3i, W3l, Wfc1, bfc1, Wfc2,
           bfc2):
    src = edge_index[0]
    dst = edge_index[1]
    pad = E_PAD - E
    src_p = jnp.concatenate([src, jnp.zeros((pad,), jnp.int32)])
    dst_p = jnp.concatenate([dst, jnp.full((pad,), N, jnp.int32)])
    src_p = src_p.reshape(NW, K, CH)
    dst_p = dst_p.reshape(NW, K, CH)

    b1n_ = b1n.reshape(1, D)
    b2n_ = b2n.reshape(1, D)
    b3n_ = b3n.reshape(1, D)
    bfc1_ = bfc1.reshape(1, D)
    bfc2_ = bfc2.reshape(1, A)

    sx, si, sl = _colsum3(x, x_initial, x_lead)

    agg1 = _sc_segsum(x, src_p, dst_p)
    h1, s1 = _dense(x, agg1, sx, si, sl, W1n, b1n_, W1g, W1i, W1l)
    agg2 = _sc_segsum(h1, src_p, dst_p)
    h2, s2 = _dense(h1, agg2, s1, si, sl, W2n, b2n_, W2g, W2i, W2l)
    agg3 = _sc_segsum(h2, src_p, dst_p)
    return _dense3(h2, agg3, s2, si, sl, W3n, b3n_, W3g, W3i, W3l, Wfc1,
                   bfc1_, Wfc2, bfc2_)

# --- scband reference (transcript-rebuilt; emitter-appended) ---
"""Pipeline reference for scband-dqnmodel-11665131176635 (READ-ONLY COPY).

The authoritative reference and input builder live on the scoring server;
editing this copy changes nothing except your own understanding.
"""

import jax, jax.numpy as jnp
import numpy as np

N = 10000
E = 320000
D = 128
A = 64

def _ggin(x, src, dst, hg, hi, hl, Wn, bn, Wg, Wi, Wl):
    # GIN-style neighborhood sum aggregation (scatter-add over edges)
    agg = jax.ops.segment_sum(x[src], dst, num_segments=x.shape[0])
    return (x + agg) @ Wn + bn + hg @ Wg + hi @ Wi + hl @ Wl

def setup_inputs(seed: int = 0):
    key = jax.random.key(seed)
    ks = jax.random.split(key, 32)
    s = 1.0 / np.sqrt(D)
    inp = {}
    inp["x"] = jax.random.normal(ks[0], (N, D), dtype=jnp.float32)
    inp["edge_index"] = jax.random.randint(ks[1], (2, E), 0, N, dtype=jnp.int32)
    inp["x_initial"] = jax.random.normal(ks[2], (N, D), dtype=jnp.float32)
    inp["x_lead"] = jax.random.normal(ks[3], (N, D), dtype=jnp.float32)
    i = 4
    for l in (1, 2, 3):
        inp["W%dn" % l] = jax.random.normal(ks[i], (D, D), dtype=jnp.float32) * s; i += 1
        inp["b%dn" % l] = jnp.zeros((D,), dtype=jnp.float32)
        inp["W%dg" % l] = jax.random.normal(ks[i], (D, D), dtype=jnp.float32) * s; i += 1
        inp["W%di" % l] = jax.random.normal(ks[i], (D, D), dtype=jnp.float32) * s; i += 1
        inp["W%dl" % l] = jax.random.normal(ks[i], (D, D), dtype=jnp.float32) * s; i += 1
    inp["Wfc1"] = jax.random.normal(ks[i], (D, D), dtype=jnp.float32) * s; i += 1
    inp["bfc1"] = jnp.zeros((D,), dtype=jnp.float32)
    inp["Wfc2"] = jax.random.normal(ks[i], (D, A), dtype=jnp.float32) * s; i += 1
    inp["bfc2"] = jnp.zeros((A,), dtype=jnp.float32)
    return inp

def reference(x, edge_index, x_initial, x_lead, W1n, b1n, W1g, W1i, W1l, W2n, b2n, W2g, W2i, W2l, W3n, b3n, W3g, W3i, W3l, Wfc1, bfc1, Wfc2, bfc2):
    src, dst = edge_index[0], edge_index[1]
    h_lead = jnp.sum(x_lead, axis=0, keepdims=True)      # SumPooling(g_lead)
    h_initial = jnp.sum(x_initial, axis=0, keepdims=True)  # SumPooling(g_initial)
    h = x
    hg = jnp.sum(h, axis=0, keepdims=True)
    h = jax.nn.relu(_ggin(h, src, dst, hg, h_initial, h_lead, W1n, b1n, W1g, W1i, W1l))
    hg = jnp.sum(h, axis=0, keepdims=True)
    h = jax.nn.relu(_ggin(h, src, dst, hg, h_initial, h_lead, W2n, b2n, W2g, W2i, W2l))
    hg = jnp.sum(h, axis=0, keepdims=True)
    h = jax.nn.relu(_ggin(h, src, dst, hg, h_initial, h_lead, W3n, b3n, W3g, W3i, W3l))
    hg = jnp.sum(h, axis=0, keepdims=True)
    h = jax.nn.relu(hg @ Wfc1 + bfc1)
    return h @ Wfc2 + bfc2

if __name__ == "__main__":
    import jax
    _d = setup_inputs()
    print(jax.jit(kernel)(*tuple(_d.values())))

</pallas_src>

<mosaic_0001>
#map = affine_map<(d0, d1) -> (0, 0)>
#map1 = affine_map<(d0, d1) -> (0, 0, 0)>
module attributes {stable_mosaic.version = 14 : i64} {
  func.func @_sc_segsum(%arg0: i32, %arg1: i32, %arg2: memref<10000x128xf32, #tpu.memory_space<hbm>>, %arg3: memref<32x80x128xi32, #tpu.memory_space<hbm>>, %arg4: memref<32x80x128xi32, #tpu.memory_space<hbm>>, %arg5: memref<2x10240x128xf32, #tpu.memory_space<hbm>>, %arg6: memref<10240x128xf32, #tpu.memory_space<vmem_shared>>, %arg7: memref<40x128xi32, #tpu.memory_space<vmem>>, %arg8: memref<40x128xi32, #tpu.memory_space<vmem>>, %arg9: memref<128x128xf32, #tpu.memory_space<vmem>>, %arg10: memref<128x128xf32, #tpu.memory_space<vmem>>, %arg11: memref<!tpu.dma_semaphore, #tpu.memory_space<semaphore_mem>>, %arg12: memref<!tpu.dma_semaphore, #tpu.memory_space<semaphore_mem>>) attributes {dimension_semantics = [#tpu.dimension_semantics<core_parallel>, #tpu.dimension_semantics<subcore_parallel>], iteration_bounds = array<i64: 2, 16>, scalar_prefetch = 0 : i64, scratch_operands = 7 : i64, tpu.core_type = #tpu.core_type<sc_vector_subcore>, window_params = [{transform_indices = #map}, {transform_indices = #map1}, {transform_indices = #map1}, {transform_indices = #map1}]} {
    %mul3A = arith.constant 16 : i32
    %mul3A_0 = arith.muli %arg0, %mul3A : i32
    %add3A = arith.addi %mul3A_0, %arg1 : i32
    %broadcast_in_dim3A = arith.constant 0.000000e+00 : f32
    %broadcast_in_dim3A_1 = vector.broadcast %broadcast_in_dim3A : f32 to vector<16xf32>
    %scan3A = arith.constant 0 : i32
    %scan3A_2 = arith.constant 0 : i32
    %scan3A_3 = arith.constant 128 : i32
    %scan3A_4 = arith.addi %scan3A_2, %scan3A_3 : i32
    %scan3A_5 = arith.constant 1 : i32
    scf.for %scan3A_71 = %scan3A_2 to %scan3A_4 step %scan3A_5  : i32 {
      %swap3A = arith.index_cast %scan3A_71 : i32 to index
      %swap3A_72 = arith.constant 0 : index
      %swap3A_73 = tpu.vector_load %arg9[%swap3A, %swap3A_72] {strides = array<i32>} : memref<128x128xf32, #tpu.memory_space<vmem>>, vector<1x16xf32>,
      %swap3A_74 = vector.shape_cast %swap3A_73 : vector<1x16xf32> to vector<16xf32>
      %swap3A_75 = vector.shape_cast %broadcast_in_dim3A_1 : vector<16xf32> to vector<1x16xf32>
      tpu.vector_store %arg9[%swap3A, %swap3A_72], %swap3A_75 {strides = array<i32>} : memref<128x128xf32, #tpu.memory_space<vmem>>, vector<1x16xf32>,
      %swap3A_76 = arith.index_cast %scan3A_71 : i32 to index
      %swap3A_77 = arith.constant 16 : index
      %swap3A_78 = tpu.vector_load %arg9[%swap3A_76, %swap3A_77] {strides = array<i32>} : memref<128x128xf32, #tpu.memory_space<vmem>>, vector<1x16xf32>,
      %swap3A_79 = vector.shape_cast %swap3A_78 : vector<1x16xf32> to vector<16xf32>
      %swap3A_80 = vector.shape_cast %broadcast_in_dim3A_1 : vector<16xf32> to vector<1x16xf32>
      tpu.vector_store %arg9[%swap3A_76, %swap3A_77], %swap3A_80 {strides = array<i32>} : memref<128x128xf32, #tpu.memory_space<vmem>>, vector<1x16xf32>,
      %swap3A_81 = arith.index_cast %scan3A_71 : i32 to index
      %swap3A_82 = arith.constant 32 : index
      %swap3A_83 = tpu.vector_load %arg9[%swap3A_81, %swap3A_82] {strides = array<i32>} : memref<128x128xf32, #tpu.memory_space<vmem>>, vector<1x16xf32>,
      %swap3A_84 = vector.shape_cast %swap3A_83 : vector<1x16xf32> to vector<16xf32>
      %swap3A_85 = vector.shape_cast %broadcast_in_dim3A_1 : vector<16xf32> to vector<1x16xf32>
      tpu.vector_store %arg9[%swap3A_81, %swap3A_82], %swap3A_85 {strides = array<i32>} : memref<128x128xf32, #tpu.memory_space<vmem>>, vector<1x16xf32>,
      %swap3A_86 = arith.index_cast %scan3A_71 : i32 to index
      %swap3A_87 = arith.constant 48 : index
      %swap3A_88 = tpu.vector_load %arg9[%swap3A_86, %swap3A_87] {strides = array<i32>} : memref<128x128xf32, #tpu.memory_space<vmem>>, vector<1x16xf32>,
      %swap3A_89 = vector.shape_cast %swap3A_88 : vector<1x16xf32> to vector<16xf32>
      %swap3A_90 = vector.shape_cast %broadcast_in_dim3A_1 : vector<16xf32> to vector<1x16xf32>
      tpu.vector_store %arg9[%swap3A_86, %swap3A_87], %swap3A_90 {strides = array<i32>} : memref<128x128xf32, #tpu.memory_space<vmem>>, vector<1x16xf32>,
      %swap3A_91 = arith.index_cast %scan3A_71 : i32 to index
      %swap3A_92 = arith.constant 64 : index
      %swap3A_93 = tpu.vector_load %arg9[%swap3A_91, %swap3A_92] {strides = array<i32>} : memref<128x128xf32, #tpu.memory_space<vmem>>, vector<1x16xf32>,
      %swap3A_94 = vector.shape_cast %swap3A_93 : vector<1x16xf32> to vector<16xf32>
      %swap3A_95 = vector.shape_cast %broadcast_in_dim3A_1 : vector<16xf32> to vector<1x16xf32>
      tpu.vector_store %arg9[%swap3A_91, %swap3A_92], %swap3A_95 {strides = array<i32>} : memref<128x128xf32, #tpu.memory_space<vmem>>, vector<1x16xf32>,
      %swap3A_96 = arith.index_cast %scan3A_71 : i32 to index
      %swap3A_97 = arith.constant 80 : index
      %swap3A_98 = tpu.vector_load %arg9[%swap3A_96, %swap3A_97] {strides = array<i32>} : memref<128x128xf32, #tpu.memory_space<vmem>>, vector<1x16xf32>,
      %swap3A_99 = vector.shape_cast %swap3A_98 : vector<1x16xf32> to vector<16xf32>
      %swap3A_100 = vector.shape_cast %broadcast_in_dim3A_1 : vector<16xf32> to vector<1x16xf32>
      tpu.vector_store %arg9[%swap3A_96, %swap3A_97], %swap3A_100 {strides = array<i32>} : memref<128x128xf32, #tpu.memory_space<vmem>>, vector<1x16xf32>,
      %swap3A_101 = arith.index_cast %scan3A_71 : i32 to index
      %swap3A_102 = arith.constant 96 : index
      %swap3A_103 = tpu.vector_load %arg9[%swap3A_101, %swap3A_102] {strides = array<i32>} : memref<128x128xf32, #tpu.memory_space<vmem>>, vector<1x16xf32>,
      %swap3A_104 = vector.shape_cast %swap3A_103 : vector<1x16xf32> to vector<16xf32>
      %swap3A_105 = vector.shape_cast %broadcast_in_dim3A_1 : vector<16xf32> to vector<1x16xf32>
      tpu.vector_store %arg9[%swap3A_101, %swap3A_102], %swap3A_105 {strides = array<i32>} : memref<128x128xf32, #tpu.memory_space<vmem>>, vector<1x16xf32>,
      %swap3A_106 = arith.index_cast %scan3A_71 : i32 to index
      %swap3A_107 = arith.constant 112 : index
      %swap3A_108 = tpu.vector_load %arg9[%swap3A_106, %swap3A_107] {strides = array<i32>} : memref<128x128xf32, #tpu.memory_space<vmem>>, vector<1x16xf32>,
      %swap3A_109 = vector.shape_cast %swap3A_108 : vector<1x16xf32> to vector<16xf32>
      %swap3A_110 = vector.shape_cast %broadcast_in_dim3A_1 : vector<16xf32> to vector<1x16xf32>
      tpu.vector_store %arg9[%swap3A_106, %swap3A_107], %swap3A_110 {strides = array<i32>} : memref<128x128xf32, #tpu.memory_space<vmem>>, vector<1x16xf32>,
    }
    %scan3A_6 = arith.constant 128 : i32
    %mul3A_7 = arith.constant 640 : i32
    %mul3A_8 = arith.muli %arg1, %mul3A_7 : i32
    %add3A_9 = arith.constant 0 : i32
    %add3A_10 = arith.addi %mul3A_8, %add3A_9 : i32
    "tpu.region"() ({
      %run_scoped3A = tpu.sem_alloc : memref<!tpu.dma_semaphore, #tpu.memory_space<semaphore_mem>>
      %dma_start3A_71 = arith.constant 0 : i32
      %dma_start3A_72 = tpu.memref_slice %arg6[%add3A_10, %dma_start3A_71] : memref<10240x128xf32, #tpu.memory_space<vmem_shared>> -> memref<128x128xf32, #tpu.memory_space<vmem_shared>>
      %dma_start3A_73 = arith.constant 0 : i32
      %dma_start3A_74 = tpu.memref_slice %arg6[%add3A_10, %dma_start3A_73] : memref<10240x128xf32, #tpu.memory_space<vmem_shared>> -> memref<128x128xf32, #tpu.memory_space<vmem_shared>>
      tpu.enqueue_dma source(%arg9 : memref<128x128xf32, #tpu.memory_space<vmem>>) target(%dma_start3A_74 : memref<128x128xf32, #tpu.memory_space<vmem_shared>>) target_semaphore(%run_scoped3A : memref<!tpu.dma_semaphore, #tpu.memory_space<semaphore_mem>>)
      %dma_wait3A = arith.constant 0 : i32
      %dma_wait3A_75 = tpu.memref_slice %arg6[%add3A_10, %dma_wait3A] : memref<10240x128xf32, #tpu.memory_space<vmem_shared>> -> memref<128x128xf32, #tpu.memory_space<vmem_shared>>
      %dma_wait3A_76 = arith.constant 0 : i32
      %dma_wait3A_77 = tpu.memref_slice %arg6[%add3A_10, %dma_wait3A_76] : memref<10240x128xf32, #tpu.memory_space<vmem_shared>> -> memref<128x128xf32, #tpu.memory_space<vmem_shared>>
      tpu.wait_dma2 semaphore(%run_scoped3A : memref<!tpu.dma_semaphore, #tpu.memory_space<semaphore_mem>>) src(%arg9 : memref<128x128xf32, #tpu.memory_space<vmem>>) dst(%dma_wait3A_77 : memref<128x128xf32, #tpu.memory_space<vmem_shared>>)
      tpu.yield
    }) : () -> ()
    %mul3A_11 = arith.constant 640 : i32
    %mul3A_12 = arith.muli %arg1, %mul3A_11 : i32
    %add3A_13 = arith.constant 128 : i32
    %add3A_14 = arith.addi %mul3A_12, %add3A_13 : i32
    "tpu.region"() ({
      %run_scoped3A = tpu.sem_alloc : memref<!tpu.dma_semaphore, #tpu.memory_space<semaphore_mem>>
      %dma_start3A_71 = arith.constant 0 : i32
      %dma_start3A_72 = tpu.memref_slice %arg6[%add3A_14, %dma_start3A_71] : memref<10240x128xf32, #tpu.memory_space<vmem_shared>> -> memref<128x128xf32, #tpu.memory_space<vmem_shared>>
      %dma_start3A_73 = arith.constant 0 : i32
      %dma_start3A_74 = tpu.memref_slice %arg6[%add3A_14, %dma_start3A_73] : memref<10240x128xf32, #tpu.memory_space<vmem_shared>> -> memref<128x128xf32, #tpu.memory_space<vmem_shared>>
      tpu.enqueue_dma source(%arg9 : memref<128x128xf32, #tpu.memory_space<vmem>>) target(%dma_start3A_74 : memref<128x128xf32, #tpu.memory_space<vmem_shared>>) target_semaphore(%run_scoped3A : memref<!tpu.dma_semaphore, #tpu.memory_space<semaphore_mem>>)
      %dma_wait3A = arith.constant 0 : i32
      %dma_wait3A_75 = tpu.memref_slice %arg6[%add3A_14, %dma_wait3A] : memref<10240x128xf32, #tpu.memory_space<vmem_shared>> -> memref<128x128xf32, #tpu.memory_space<vmem_shared>>
      %dma_wait3A_76 = arith.constant 0 : i32
      %dma_wait3A_77 = tpu.memref_slice %arg6[%add3A_14, %dma_wait3A_76] : memref<10240x128xf32, #tpu.memory_space<vmem_shared>> -> memref<128x128xf32, #tpu.memory_space<vmem_shared>>
      tpu.wait_dma2 semaphore(%run_scoped3A : memref<!tpu.dma_semaphore, #tpu.memory_space<semaphore_mem>>) src(%arg9 : memref<128x128xf32, #tpu.memory_space<vmem>>) dst(%dma_wait3A_77 : memref<128x128xf32, #tpu.memory_space<vmem_shared>>)
      tpu.yield
    }) : () -> ()
    %mul3A_15 = arith.constant 640 : i32
    %mul3A_16 = arith.muli %arg1, %mul3A_15 : i32
    %add3A_17 = arith.constant 256 : i32
    %add3A_18 = arith.addi %mul3A_16, %add3A_17 : i32
    "tpu.region"() ({
      %run_scoped3A = tpu.sem_alloc : memref<!tpu.dma_semaphore, #tpu.memory_space<semaphore_mem>>
      %dma_start3A_71 = arith.constant 0 : i32
      %dma_start3A_72 = tpu.memref_slice %arg6[%add3A_18, %dma_start3A_71] : memref<10240x128xf32, #tpu.memory_space<vmem_shared>> -> memref<128x128xf32, #tpu.memory_space<vmem_shared>>
      %dma_start3A_73 = arith.constant 0 : i32
      %dma_start3A_74 = tpu.memref_slice %arg6[%add3A_18, %dma_start3A_73] : memref<10240x128xf32, #tpu.memory_space<vmem_shared>> -> memref<128x128xf32, #tpu.memory_space<vmem_shared>>
      tpu.enqueue_dma source(%arg9 : memref<128x128xf32, #tpu.memory_space<vmem>>) target(%dma_start3A_74 : memref<128x128xf32, #tpu.memory_space<vmem_shared>>) target_semaphore(%run_scoped3A : memref<!tpu.dma_semaphore, #tpu.memory_space<semaphore_mem>>)
      %dma_wait3A = arith.constant 0 : i32
      %dma_wait3A_75 = tpu.memref_slice %arg6[%add3A_18, %dma_wait3A] : memref<10240x128xf32, #tpu.memory_space<vmem_shared>> -> memref<128x128xf32, #tpu.memory_space<vmem_shared>>
      %dma_wait3A_76 = arith.constant 0 : i32
      %dma_wait3A_77 = tpu.memref_slice %arg6[%add3A_18, %dma_wait3A_76] : memref<10240x128xf32, #tpu.memory_space<vmem_shared>> -> memref<128x128xf32, #tpu.memory_space<vmem_shared>>
      tpu.wait_dma2 semaphore(%run_scoped3A : memref<!tpu.dma_semaphore, #tpu.memory_space<semaphore_mem>>) src(%arg9 : memref<128x128xf32, #tpu.memory_space<vmem>>) dst(%dma_wait3A_77 : memref<128x128xf32, #tpu.memory_space<vmem_shared>>)
      tpu.yield
    }) : () -> ()
    %mul3A_19 = arith.constant 640 : i32
    %mul3A_20 = arith.muli %arg1, %mul3A_19 : i32
    %add3A_21 = arith.constant 384 : i32
    %add3A_22 = arith.addi %mul3A_20, %add3A_21 : i32
    "tpu.region"() ({
      %run_scoped3A = tpu.sem_alloc : memref<!tpu.dma_semaphore, #tpu.memory_space<semaphore_mem>>
      %dma_start3A_71 = arith.constant 0 : i32
      %dma_start3A_72 = tpu.memref_slice %arg6[%add3A_22, %dma_start3A_71] : memref<10240x128xf32, #tpu.memory_space<vmem_shared>> -> memref<128x128xf32, #tpu.memory_space<vmem_shared>>
      %dma_start3A_73 = arith.constant 0 : i32
      %dma_start3A_74 = tpu.memref_slice %arg6[%add3A_22, %dma_start3A_73] : memref<10240x128xf32, #tpu.memory_space<vmem_shared>> -> memref<128x128xf32, #tpu.memory_space<vmem_shared>>
      tpu.enqueue_dma source(%arg9 : memref<128x128xf32, #tpu.memory_space<vmem>>) target(%dma_start3A_74 : memref<128x128xf32, #tpu.memory_space<vmem_shared>>) target_semaphore(%run_scoped3A : memref<!tpu.dma_semaphore, #tpu.memory_space<semaphore_mem>>)
      %dma_wait3A = arith.constant 0 : i32
      %dma_wait3A_75 = tpu.memref_slice %arg6[%add3A_22, %dma_wait3A] : memref<10240x128xf32, #tpu.memory_space<vmem_shared>> -> memref<128x128xf32, #tpu.memory_space<vmem_shared>>
      %dma_wait3A_76 = arith.constant 0 : i32
      %dma_wait3A_77 = tpu.memref_slice %arg6[%add3A_22, %dma_wait3A_76] : memref<10240x128xf32, #tpu.memory_space<vmem_shared>> -> memref<128x128xf32, #tpu.memory_space<vmem_shared>>
      tpu.wait_dma2 semaphore(%run_scoped3A : memref<!tpu.dma_semaphore, #tpu.memory_space<semaphore_mem>>) src(%arg9 : memref<128x128xf32, #tpu.memory_space<vmem>>) dst(%dma_wait3A_77 : memref<128x128xf32, #tpu.memory_space<vmem_shared>>)
      tpu.yield
    }) : () -> ()
    %mul3A_23 = arith.constant 640 : i32
    %mul3A_24 = arith.muli %arg1, %mul3A_23 : i32
    %add3A_25 = arith.constant 512 : i32
    %add3A_26 = arith.addi %mul3A_24, %add3A_25 : i32
    "tpu.region"() ({
      %run_scoped3A = tpu.sem_alloc : memref<!tpu.dma_semaphore, #tpu.memory_space<semaphore_mem>>
      %dma_start3A_71 = arith.constant 0 : i32
      %dma_start3A_72 = tpu.memref_slice %arg6[%add3A_26, %dma_start3A_71] : memref<10240x128xf32, #tpu.memory_space<vmem_shared>> -> memref<128x128xf32, #tpu.memory_space<vmem_shared>>
      %dma_start3A_73 = arith.constant 0 : i32
      %dma_start3A_74 = tpu.memref_slice %arg6[%add3A_26, %dma_start3A_73] : memref<10240x128xf32, #tpu.memory_space<vmem_shared>> -> memref<128x128xf32, #tpu.memory_space<vmem_shared>>
      tpu.enqueue_dma source(%arg9 : memref<128x128xf32, #tpu.memory_space<vmem>>) target(%dma_start3A_74 : memref<128x128xf32, #tpu.memory_space<vmem_shared>>) target_semaphore(%run_scoped3A : memref<!tpu.dma_semaphore, #tpu.memory_space<semaphore_mem>>)
      %dma_wait3A = arith.constant 0 : i32
      %dma_wait3A_75 = tpu.memref_slice %arg6[%add3A_26, %dma_wait3A] : memref<10240x128xf32, #tpu.memory_space<vmem_shared>> -> memref<128x128xf32, #tpu.memory_space<vmem_shared>>
      %dma_wait3A_76 = arith.constant 0 : i32
      %dma_wait3A_77 = tpu.memref_slice %arg6[%add3A_26, %dma_wait3A_76] : memref<10240x128xf32, #tpu.memory_space<vmem_shared>> -> memref<128x128xf32, #tpu.memory_space<vmem_shared>>
      tpu.wait_dma2 semaphore(%run_scoped3A : memref<!tpu.dma_semaphore, #tpu.memory_space<semaphore_mem>>) src(%arg9 : memref<128x128xf32, #tpu.memory_space<vmem>>) dst(%dma_wait3A_77 : memref<128x128xf32, #tpu.memory_space<vmem_shared>>)
      tpu.yield
    }) : () -> ()
    %barrier3A = arith.constant 0 : index
    tpu.barrier barrier_id(%barrier3A)
    "tpu.region"() ({
      %run_scoped3A = tpu.sem_alloc : memref<!tpu.dma_semaphore, #tpu.memory_space<semaphore_mem>>
      %dma_start3A_71 = arith.constant 0 : i32
      %dma_start3A_72 = arith.constant 0 : i32
      %dma_start3A_73 = tpu.memref_slice %arg3[%add3A, %dma_start3A_71, %dma_start3A_72] : memref<32x80x128xi32, #tpu.memory_space<hbm>> -> memref<1x80x128xi32, #tpu.memory_space<hbm>>
      %dma_start3A_74 = tpu.memref_squeeze %dma_start3A_73 : memref<1x80x128xi32, #tpu.memory_space<hbm>> -> memref<80x128xi32, #tpu.memory_space<hbm>>
      %dma_start3A_75 = arith.constant 0 : i32
      %dma_start3A_76 = arith.constant 0 : i32
      %dma_start3A_77 = tpu.memref_slice %dma_start3A_74[%dma_start3A_75, %dma_start3A_76] : memref<80x128xi32, #tpu.memory_space<hbm>> -> memref<40x128xi32, #tpu.memory_space<hbm>>
      %dma_start3A_78 = arith.constant 0 : i32
      %dma_start3A_79 = arith.constant 0 : i32
      %dma_start3A_80 = tpu.memref_slice %arg3[%add3A, %dma_start3A_78, %dma_start3A_79] : memref<32x80x128xi32, #tpu.memory_space<hbm>> -> memref<1x80x128xi32, #tpu.memory_space<hbm>>
      %dma_start3A_81 = tpu.memref_squeeze %dma_start3A_80 : memref<1x80x128xi32, #tpu.memory_space<hbm>> -> memref<80x128xi32, #tpu.memory_space<hbm>>
      %dma_start3A_82 = arith.constant 0 : i32
      %dma_start3A_83 = arith.constant 0 : i32
      %dma_start3A_84 = tpu.memref_slice %dma_start3A_81[%dma_start3A_82, %dma_start3A_83] : memref<80x128xi32, #tpu.memory_space<hbm>> -> memref<40x128xi32, #tpu.memory_space<hbm>>
      tpu.enqueue_dma source(%dma_start3A_84 : memref<40x128xi32, #tpu.memory_space<hbm>>) target(%arg7 : memref<40x128xi32, #tpu.memory_space<vmem>>) target_semaphore(%run_scoped3A : memref<!tpu.dma_semaphore, #tpu.memory_space<semaphore_mem>>)
      %dma_wait3A = arith.constant 0 : i32
      %dma_wait3A_85 = arith.constant 0 : i32
      %dma_wait3A_86 = tpu.memref_slice %arg3[%add3A, %dma_wait3A, %dma_wait3A_85] : memref<32x80x128xi32, #tpu.memory_space<hbm>> -> memref<1x80x128xi32, #tpu.memory_space<hbm>>
      %dma_wait3A_87 = tpu.memref_squeeze %dma_wait3A_86 : memref<1x80x128xi32, #tpu.memory_space<hbm>> -> memref<80x128xi32, #tpu.memory_space<hbm>>
      %dma_wait3A_88 = arith.constant 0 : i32
      %dma_wait3A_89 = arith.constant 0 : i32
      %dma_wait3A_90 = tpu.memref_slice %dma_wait3A_87[%dma_wait3A_88, %dma_wait3A_89] : memref<80x128xi32, #tpu.memory_space<hbm>> -> memref<40x128xi32, #tpu.memory_space<hbm>>
      %dma_wait3A_91 = arith.constant 0 : i32
      %dma_wait3A_92 = arith.constant 0 : i32
      %dma_wait3A_93 = tpu.memref_slice %arg3[%add3A, %dma_wait3A_91, %dma_wait3A_92] : memref<32x80x128xi32, #tpu.memory_space<hbm>> -> memref<1x80x128xi32, #tpu.memory_space<hbm>>
      %dma_wait3A_94 = tpu.memref_squeeze %dma_wait3A_93 : memref<1x80x128xi32, #tpu.memory_space<hbm>> -> memref<80x128xi32, #tpu.memory_space<hbm>>
      %dma_wait3A_95 = arith.constant 0 : i32
      %dma_wait3A_96 = arith.constant 0 : i32
      %dma_wait3A_97 = tpu.memref_slice %dma_wait3A_94[%dma_wait3A_95, %dma_wait3A_96] : memref<80x128xi32, #tpu.memory_space<hbm>> -> memref<40x128xi32, #tpu.memory_space<hbm>>
      tpu.wait_dma2 semaphore(%run_scoped3A : memref<!tpu.dma_semaphore, #tpu.memory_space<semaphore_mem>>) src(%dma_wait3A_97 : memref<40x128xi32, #tpu.memory_space<hbm>>) dst(%arg7 : memref<40x128xi32, #tpu.memory_space<vmem>>)
      tpu.yield
    }) : () -> ()
    "tpu.region"() ({
      %run_scoped3A = tpu.sem_alloc : memref<!tpu.dma_semaphore, #tpu.memory_space<semaphore_mem>>
      %dma_start3A_71 = arith.constant 0 : i32
      %dma_start3A_72 = arith.constant 0 : i32
      %dma_start3A_73 = tpu.memref_slice %arg4[%add3A, %dma_start3A_71, %dma_start3A_72] : memref<32x80x128xi32, #tpu.memory_space<hbm>> -> memref<1x80x128xi32, #tpu.memory_space<hbm>>
      %dma_start3A_74 = tpu.memref_squeeze %dma_start3A_73 : memref<1x80x128xi32, #tpu.memory_space<hbm>> -> memref<80x128xi32, #tpu.memory_space<hbm>>
      %dma_start3A_75 = arith.constant 0 : i32
      %dma_start3A_76 = arith.constant 0 : i32
      %dma_start3A_77 = tpu.memref_slice %dma_start3A_74[%dma_start3A_75, %dma_start3A_76] : memref<80x128xi32, #tpu.memory_space<hbm>> -> memref<40x128xi32, #tpu.memory_space<hbm>>
      %dma_start3A_78 = arith.constant 0 : i32
      %dma_start3A_79 = arith.constant 0 : i32
      %dma_start3A_80 = tpu.memref_slice %arg4[%add3A, %dma_start3A_78, %dma_start3A_79] : memref<32x80x128xi32, #tpu.memory_space<hbm>> -> memref<1x80x128xi32, #tpu.memory_space<hbm>>
      %dma_start3A_81 = tpu.memref_squeeze %dma_start3A_80 : memref<1x80x128xi32, #tpu.memory_space<hbm>> -> memref<80x128xi32, #tpu.memory_space<hbm>>
      %dma_start3A_82 = arith.constant 0 : i32
      %dma_start3A_83 = arith.constant 0 : i32
      %dma_start3A_84 = tpu.memref_slice %dma_start3A_81[%dma_start3A_82, %dma_start3A_83] : memref<80x128xi32, #tpu.memory_space<hbm>> -> memref<40x128xi32, #tpu.memory_space<hbm>>
      tpu.enqueue_dma source(%dma_start3A_84 : memref<40x128xi32, #tpu.memory_space<hbm>>) target(%arg8 : memref<40x128xi32, #tpu.memory_space<vmem>>) target_semaphore(%run_scoped3A : memref<!tpu.dma_semaphore, #tpu.memory_space<semaphore_mem>>)
      %dma_wait3A = arith.constant 0 : i32
      %dma_wait3A_85 = arith.constant 0 : i32
      %dma_wait3A_86 = tpu.memref_slice %arg4[%add3A, %dma_wait3A, %dma_wait3A_85] : memref<32x80x128xi32, #tpu.memory_space<hbm>> -> memref<1x80x128xi32, #tpu.memory_space<hbm>>
      %dma_wait3A_87 = tpu.memref_squeeze %dma_wait3A_86 : memref<1x80x128xi32, #tpu.memory_space<hbm>> -> memref<80x128xi32, #tpu.memory_space<hbm>>
      %dma_wait3A_88 = arith.constant 0 : i32
      %dma_wait3A_89 = arith.constant 0 : i32
      %dma_wait3A_90 = tpu.memref_slice %dma_wait3A_87[%dma_wait3A_88, %dma_wait3A_89] : memref<80x128xi32, #tpu.memory_space<hbm>> -> memref<40x128xi32, #tpu.memory_space<hbm>>
      %dma_wait3A_91 = arith.constant 0 : i32
      %dma_wait3A_92 = arith.constant 0 : i32
      %dma_wait3A_93 = tpu.memref_slice %arg4[%add3A, %dma_wait3A_91, %dma_wait3A_92] : memref<32x80x128xi32, #tpu.memory_space<hbm>> -> memref<1x80x128xi32, #tpu.memory_space<hbm>>
      %dma_wait3A_94 = tpu.memref_squeeze %dma_wait3A_93 : memref<1x80x128xi32, #tpu.memory_space<hbm>> -> memref<80x128xi32, #tpu.memory_space<hbm>>
      %dma_wait3A_95 = arith.constant 0 : i32
      %dma_wait3A_96 = arith.constant 0 : i32
      %dma_wait3A_97 = tpu.memref_slice %dma_wait3A_94[%dma_wait3A_95, %dma_wait3A_96] : memref<80x128xi32, #tpu.memory_space<hbm>> -> memref<40x128xi32, #tpu.memory_space<hbm>>
      tpu.wait_dma2 semaphore(%run_scoped3A : memref<!tpu.dma_semaphore, #tpu.memory_space<semaphore_mem>>) src(%dma_wait3A_97 : memref<40x128xi32, #tpu.memory_space<hbm>>) dst(%arg8 : memref<40x128xi32, #tpu.memory_space<vmem>>)
      tpu.yield
    }) : () -> ()
    %dma_start3A = arith.constant 0 : i32
    %dma_start3A_27 = arith.constant 0 : i32
    %dma_start3A_28 = tpu.memref_slice %arg7[%dma_start3A, %dma_start3A_27] : memref<40x128xi32, #tpu.memory_space<vmem>> -> memref<1x128xi32, #tpu.memory_space<vmem>>
    %dma_start3A_29 = tpu.memref_squeeze %dma_start3A_28 : memref<1x128xi32, #tpu.memory_space<vmem>> -> memref<128xi32, #tpu.memory_space<vmem>>
    %dma_start3A_30 = arith.constant 0 : i32
    %dma_start3A_31 = arith.constant 0 : i32
    %dma_start3A_32 = tpu.memref_slice %arg2[%dma_start3A_30, %dma_start3A_31] : memref<10000x128xf32, #tpu.memory_space<hbm>> -> memref<10000x128xf32, #tpu.memory_space<hbm>>
    tpu.enqueue_indirect_dma source(%dma_start3A_32 : memref<10000x128xf32, #tpu.memory_space<hbm>>) target(%arg9 : memref<128x128xf32, #tpu.memory_space<vmem>>) offsets(%dma_start3A_29 : memref<128xi32, #tpu.memory_space<vmem>>) semaphore(%arg11 : memref<!tpu.dma_semaphore, #tpu.memory_space<semaphore_mem>>)
    %dma_start3A_33 = arith.constant 1 : i32
    %dma_start3A_34 = arith.constant 0 : i32
    %dma_start3A_35 = tpu.memref_slice %arg7[%dma_start3A_33, %dma_start3A_34] : memref<40x128xi32, #tpu.memory_space<vmem>> -> memref<1x128xi32, #tpu.memory_space<vmem>>
    %dma_start3A_36 = tpu.memref_squeeze %dma_start3A_35 : memref<1x128xi32, #tpu.memory_space<vmem>> -> memref<128xi32, #tpu.memory_space<vmem>>
    %dma_start3A_37 = arith.constant 0 : i32
    %dma_start3A_38 = arith.constant 0 : i32
    %dma_start3A_39 = tpu.memref_slice %arg2[%dma_start3A_37, %dma_start3A_38] : memref<10000x128xf32, #tpu.memory_space<hbm>> -> memref<10000x128xf32, #tpu.memory_space<hbm>>
    tpu.enqueue_indirect_dma source(%dma_start3A_39 : memref<10000x128xf32, #tpu.memory_space<hbm>>) target(%arg10 : memref<128x128xf32, #tpu.memory_space<vmem>>) offsets(%dma_start3A_36 : memref<128xi32, #tpu.memory_space<vmem>>) semaphore(%arg12 : memref<!tpu.dma_semaphore, #tpu.memory_space<semaphore_mem>>)
    %scan3A_40 = arith.constant 0 : i32
    %scan3A_41 = arith.constant 0 : i32
    %scan3A_42 = arith.constant 20 : i32
    %scan3A_43 = arith.addi %scan3A_41, %scan3A_42 : i32
    %scan3A_44 = arith.constant 1 : i32
    scf.for %scan3A_71 = %scan3A_41 to %scan3A_43 step %scan3A_44  : i32 {
      %mul3A_72 = arith.constant 2 : i32
      %mul3A_73 = arith.muli %scan3A_71, %mul3A_72 : i32
      %dma_wait3A = arith.constant 0 : i32
      %dma_wait3A_74 = arith.constant 0 : i32
      %dma_wait3A_75 = tpu.memref_slice %arg2[%dma_wait3A, %dma_wait3A_74] : memref<10000x128xf32, #tpu.memory_space<hbm>> -> memref<128x128xf32, #tpu.memory_space<hbm>>
      %dma_wait3A_76 = arith.constant 0 : i32
      %dma_wait3A_77 = arith.constant 0 : i32
      %dma_wait3A_78 = tpu.memref_slice %arg2[%dma_wait3A_76, %dma_wait3A_77] : memref<10000x128xf32, #tpu.memory_space<hbm>> -> memref<128x128xf32, #tpu.memory_space<hbm>>
      tpu.wait_dma2 semaphore(%arg11 : memref<!tpu.dma_semaphore, #tpu.memory_space<semaphore_mem>>) src(%dma_wait3A_78 : memref<128x128xf32, #tpu.memory_space<hbm>>) dst(%arg9 : memref<128x128xf32, #tpu.memory_space<vmem>>)
      %add3A_79 = arith.constant 0 : i32
      %add3A_80 = arith.addi %mul3A_73, %add3A_79 : i32
      "tpu.region"() ({
        %run_scoped3A = tpu.sem_alloc : memref<!tpu.dma_semaphore, #tpu.memory_space<semaphore_mem>>
        %dma_start3A_104 = arith.constant 0 : i32
        %dma_start3A_105 = tpu.memref_slice %arg8[%add3A_80, %dma_start3A_104] : memref<40x128xi32, #tpu.memory_space<vmem>> -> memref<1x128xi32, #tpu.memory_space<vmem>>
        %dma_start3A_106 = tpu.memref_squeeze %dma_start3A_105 : memref<1x128xi32, #tpu.memory_space<vmem>> -> memref<128xi32, #tpu.memory_space<vmem>>
        %dma_start3A_107 = arith.constant 0 : i32
        %dma_start3A_108 = arith.constant 0 : i32
        %dma_start3A_109 = tpu.memref_slice %arg6[%dma_start3A_107, %dma_start3A_108] : memref<10240x128xf32, #tpu.memory_space<vmem_shared>> -> memref<10240x128xf32, #tpu.memory_space<vmem_shared>>
        tpu.enqueue_indirect_dma source(%arg9 : memref<128x128xf32, #tpu.memory_space<vmem>>) target(%dma_start3A_109 : memref<10240x128xf32, #tpu.memory_space<vmem_shared>>) offsets(%dma_start3A_106 : memref<128xi32, #tpu.memory_space<vmem>>) semaphore(%run_scoped3A : memref<!tpu.dma_semaphore, #tpu.memory_space<semaphore_mem>>) {add = true}
        %dma_wait3A_110 = arith.constant 0 : i32
        %dma_wait3A_111 = tpu.memref_slice %arg8[%add3A_80, %dma_wait3A_110] : memref<40x128xi32, #tpu.memory_space<vmem>> -> memref<1x128xi32, #tpu.memory_space<vmem>>
        %dma_wait3A_112 = tpu.memref_squeeze %dma_wait3A_111 : memref<1x128xi32, #tpu.memory_space<vmem>> -> memref<128xi32, #tpu.memory_space<vmem>>
        %dma_wait3A_113 = arith.constant 0 : i32
        %dma_wait3A_114 = arith.constant 0 : i32
        %dma_wait3A_115 = tpu.memref_slice %arg6[%dma_wait3A_113, %dma_wait3A_114] : memref<10240x128xf32, #tpu.memory_space<vmem_shared>> -> memref<10240x128xf32, #tpu.memory_space<vmem_shared>>
        tpu.wait_indirect_dma semaphore(%run_scoped3A : memref<!tpu.dma_semaphore, #tpu.memory_space<semaphore_mem>>) src(%arg9 : memref<128x128xf32, #tpu.memory_space<vmem>>) dst(%dma_wait3A_115 : memref<10240x128xf32, #tpu.memory_space<vmem_shared>>)
        tpu.yield
      }) : () -> ()
      %add3A_81 = arith.constant 0 : i32
      %add3A_82 = arith.addi %mul3A_73, %add3A_81 : i32
      %add3A_83 = arith.constant 2 : i32
      %add3A_84 = arith.addi %add3A_82, %add3A_83 : i32
      %lt3A = arith.constant 40 : i32
      %lt3A_85 = arith.cmpi slt, %add3A_84, %lt3A : i32
      %convert_element_type3A = arith.extui %lt3A_85 : i1 to i32
      %cond3A = arith.constant 0 : i32
      %cond3A_86 = arith.cmpi ne, %convert_element_type3A, %cond3A : i32
      scf.if %cond3A_86 {
        %add3A_104 = arith.constant 0 : i32
        %add3A_105 = arith.addi %mul3A_73, %add3A_104 : i32
        %add3A_106 = arith.constant 2 : i32
        %add3A_107 = arith.addi %add3A_105, %add3A_106 : i32
        %dma_start3A_108 = arith.constant 0 : i32
        %dma_start3A_109 = tpu.memref_slice %arg7[%add3A_107, %dma_start3A_108] : memref<40x128xi32, #tpu.memory_space<vmem>> -> memref<1x128xi32, #tpu.memory_space<vmem>>
        %dma_start3A_110 = tpu.memref_squeeze %dma_start3A_109 : memref<1x128xi32, #tpu.memory_space<vmem>> -> memref<128xi32, #tpu.memory_space<vmem>>
        %dma_start3A_111 = arith.constant 0 : i32
        %dma_start3A_112 = arith.constant 0 : i32
        %dma_start3A_113 = tpu.memref_slice %arg2[%dma_start3A_111, %dma_start3A_112] : memref<10000x128xf32, #tpu.memory_space<hbm>> -> memref<10000x128xf32, #tpu.memory_space<hbm>>
        tpu.enqueue_indirect_dma source(%dma_start3A_113 : memref<10000x128xf32, #tpu.memory_space<hbm>>) target(%arg9 : memref<128x128xf32, #tpu.memory_space<vmem>>) offsets(%dma_start3A_110 : memref<128xi32, #tpu.memory_space<vmem>>) semaphore(%arg11 : memref<!tpu.dma_semaphore, #tpu.memory_space<semaphore_mem>>)
      } else {
      }
      %dma_wait3A_87 = arith.constant 0 : i32
      %dma_wait3A_88 = arith.constant 0 : i32
      %dma_wait3A_89 = tpu.memref_slice %arg2[%dma_wait3A_87, %dma_wait3A_88] : memref<10000x128xf32, #tpu.memory_space<hbm>> -> memref<128x128xf32, #tpu.memory_space<hbm>>
      %dma_wait3A_90 = arith.constant 0 : i32
      %dma_wait3A_91 = arith.constant 0 : i32
      %dma_wait3A_92 = tpu.memref_slice %arg2[%dma_wait3A_90, %dma_wait3A_91] : memref<10000x128xf32, #tpu.memory_space<hbm>> -> memref<128x128xf32, #tpu.memory_space<hbm>>
      tpu.wait_dma2 semaphore(%arg12 : memref<!tpu.dma_semaphore, #tpu.memory_space<semaphore_mem>>) src(%dma_wait3A_92 : memref<128x128xf32, #tpu.memory_space<hbm>>) dst(%arg10 : memref<128x128xf32, #tpu.memory_space<vmem>>)
      %add3A_93 = arith.constant 1 : i32
      %add3A_94 = arith.addi %mul3A_73, %add3A_93 : i32
      "tpu.region"() ({
        %run_scoped3A = tpu.sem_alloc : memref<!tpu.dma_semaphore, #tpu.memory_space<semaphore_mem>>
        %dma_start3A_104 = arith.constant 0 : i32
        %dma_start3A_105 = tpu.memref_slice %arg8[%add3A_94, %dma_start3A_104] : memref<40x128xi32, #tpu.memory_space<vmem>> -> memref<1x128xi32, #tpu.memory_space<vmem>>
        %dma_start3A_106 = tpu.memref_squeeze %dma_start3A_105 : memref<1x128xi32, #tpu.memory_space<vmem>> -> memref<128xi32, #tpu.memory_space<vmem>>
        %dma_start3A_107 = arith.constant 0 : i32
        %dma_start3A_108 = arith.constant 0 : i32
        %dma_start3A_109 = tpu.memref_slice %arg6[%dma_start3A_107, %dma_start3A_108] : memref<10240x128xf32, #tpu.memory_space<vmem_shared>> -> memref<10240x128xf32, #tpu.memory_space<vmem_shared>>
        tpu.enqueue_indirect_dma source(%arg10 : memref<128x128xf32, #tpu.memory_space<vmem>>) target(%dma_start3A_109 : memref<10240x128xf32, #tpu.memory_space<vmem_shared>>) offsets(%dma_start3A_106 : memref<128xi32, #tpu.memory_space<vmem>>) semaphore(%run_scoped3A : memref<!tpu.dma_semaphore, #tpu.memory_space<semaphore_mem>>) {add = true}
        %dma_wait3A_110 = arith.constant 0 : i32
        %dma_wait3A_111 = tpu.memref_slice %arg8[%add3A_94, %dma_wait3A_110] : memref<40x128xi32, #tpu.memory_space<vmem>> -> memref<1x128xi32, #tpu.memory_space<vmem>>
        %dma_wait3A_112 = tpu.memref_squeeze %dma_wait3A_111 : memref<1x128xi32, #tpu.memory_space<vmem>> -> memref<128xi32, #tpu.memory_space<vmem>>
        %dma_wait3A_113 = arith.constant 0 : i32
        %dma_wait3A_114 = arith.constant 0 : i32
        %dma_wait3A_115 = tpu.memref_slice %arg6[%dma_wait3A_113, %dma_wait3A_114] : memref<10240x128xf32, #tpu.memory_space<vmem_shared>> -> memref<10240x128xf32, #tpu.memory_space<vmem_shared>>
        tpu.wait_indirect_dma semaphore(%run_scoped3A : memref<!tpu.dma_semaphore, #tpu.memory_space<semaphore_mem>>) src(%arg10 : memref<128x128xf32, #tpu.memory_space<vmem>>) dst(%dma_wait3A_115 : memref<10240x128xf32, #tpu.memory_space<vmem_shared>>)
        tpu.yield
      }) : () -> ()
      %add3A_95 = arith.constant 1 : i32
      %add3A_96 = arith.addi %mul3A_73, %add3A_95 : i32
      %add3A_97 = arith.constant 2 : i32
      %add3A_98 = arith.addi %add3A_96, %add3A_97 : i32
      %lt3A_99 = arith.constant 40 : i32
      %lt3A_100 = arith.cmpi slt, %add3A_98, %lt3A_99 : i32
      %convert_element_type3A_101 = arith.extui %lt3A_100 : i1 to i32
      %cond3A_102 = arith.constant 0 : i32
      %cond3A_103 = arith.cmpi ne, %convert_element_type3A_101, %cond3A_102 : i32
      scf.if %cond3A_103 {
        %add3A_104 = arith.constant 1 : i32
        %add3A_105 = arith.addi %mul3A_73, %add3A_104 : i32
        %add3A_106 = arith.constant 2 : i32
        %add3A_107 = arith.addi %add3A_105, %add3A_106 : i32
        %dma_start3A_108 = arith.constant 0 : i32
        %dma_start3A_109 = tpu.memref_slice %arg7[%add3A_107, %dma_start3A_108] : memref<40x128xi32, #tpu.memory_space<vmem>> -> memref<1x128xi32, #tpu.memory_space<vmem>>
        %dma_start3A_110 = tpu.memref_squeeze %dma_start3A_109 : memref<1x128xi32, #tpu.memory_space<vmem>> -> memref<128xi32, #tpu.memory_space<vmem>>
        %dma_start3A_111 = arith.constant 0 : i32
        %dma_start3A_112 = arith.constant 0 : i32
        %dma_start3A_113 = tpu.memref_slice %arg2[%dma_start3A_111, %dma_start3A_112] : memref<10000x128xf32, #tpu.memory_space<hbm>> -> memref<10000x128xf32, #tpu.memory_space<hbm>>
        tpu.enqueue_indirect_dma source(%dma_start3A_113 : memref<10000x128xf32, #tpu.memory_space<hbm>>) target(%arg10 : memref<128x128xf32, #tpu.memory_space<vmem>>) offsets(%dma_start3A_110 : memref<128xi32, #tpu.memory_space<vmem>>) semaphore(%arg12 : memref<!tpu.dma_semaphore, #tpu.memory_space<semaphore_mem>>)
      } else {
      }
    }
    %scan3A_45 = arith.constant 20 : i32
    "tpu.region"() ({
      %run_scoped3A = tpu.sem_alloc : memref<!tpu.dma_semaphore, #tpu.memory_space<semaphore_mem>>
      %dma_start3A_71 = arith.constant 0 : i32
      %dma_start3A_72 = arith.constant 0 : i32
      %dma_start3A_73 = tpu.memref_slice %arg3[%add3A, %dma_start3A_71, %dma_start3A_72] : memref<32x80x128xi32, #tpu.memory_space<hbm>> -> memref<1x80x128xi32, #tpu.memory_space<hbm>>
      %dma_start3A_74 = tpu.memref_squeeze %dma_start3A_73 : memref<1x80x128xi32, #tpu.memory_space<hbm>> -> memref<80x128xi32, #tpu.memory_space<hbm>>
      %dma_start3A_75 = arith.constant 40 : i32
      %dma_start3A_76 = arith.constant 0 : i32
      %dma_start3A_77 = tpu.memref_slice %dma_start3A_74[%dma_start3A_75, %dma_start3A_76] : memref<80x128xi32, #tpu.memory_space<hbm>> -> memref<40x128xi32, #tpu.memory_space<hbm>>
      %dma_start3A_78 = arith.constant 0 : i32
      %dma_start3A_79 = arith.constant 0 : i32
      %dma_start3A_80 = tpu.memref_slice %arg3[%add3A, %dma_start3A_78, %dma_start3A_79] : memref<32x80x128xi32, #tpu.memory_space<hbm>> -> memref<1x80x128xi32, #tpu.memory_space<hbm>>
      %dma_start3A_81 = tpu.memref_squeeze %dma_start3A_80 : memref<1x80x128xi32, #tpu.memory_space<hbm>> -> memref<80x128xi32, #tpu.memory_space<hbm>>
      %dma_start3A_82 = arith.constant 40 : i32
      %dma_start3A_83 = arith.constant 0 : i32
      %dma_start3A_84 = tpu.memref_slice %dma_start3A_81[%dma_start3A_82, %dma_start3A_83] : memref<80x128xi32, #tpu.memory_space<hbm>> -> memref<40x128xi32, #tpu.memory_space<hbm>>
      tpu.enqueue_dma source(%dma_start3A_84 : memref<40x128xi32, #tpu.memory_space<hbm>>) target(%arg7 : memref<40x128xi32, #tpu.memory_space<vmem>>) target_semaphore(%run_scoped3A : memref<!tpu.dma_semaphore, #tpu.memory_space<semaphore_mem>>)
      %dma_wait3A = arith.constant 0 : i32
      %dma_wait3A_85 = arith.constant 0 : i32
      %dma_wait3A_86 = tpu.memref_slice %arg3[%add3A, %dma_wait3A, %dma_wait3A_85] : memref<32x80x128xi32, #tpu.memory_space<hbm>> -> memref<1x80x128xi32, #tpu.memory_space<hbm>>
      %dma_wait3A_87 = tpu.memref_squeeze %dma_wait3A_86 : memref<1x80x128xi32, #tpu.memory_space<hbm>> -> memref<80x128xi32, #tpu.memory_space<hbm>>
      %dma_wait3A_88 = arith.constant 40 : i32
      %dma_wait3A_89 = arith.constant 0 : i32
      %dma_wait3A_90 = tpu.memref_slice %dma_wait3A_87[%dma_wait3A_88, %dma_wait3A_89] : memref<80x128xi32, #tpu.memory_space<hbm>> -> memref<40x128xi32, #tpu.memory_space<hbm>>
      %dma_wait3A_91 = arith.constant 0 : i32
      %dma_wait3A_92 = arith.constant 0 : i32
      %dma_wait3A_93 = tpu.memref_slice %arg3[%add3A, %dma_wait3A_91, %dma_wait3A_92] : memref<32x80x128xi32, #tpu.memory_space<hbm>> -> memref<1x80x128xi32, #tpu.memory_space<hbm>>
      %dma_wait3A_94 = tpu.memref_squeeze %dma_wait3A_93 : memref<1x80x128xi32, #tpu.memory_space<hbm>> -> memref<80x128xi32, #tpu.memory_space<hbm>>
      %dma_wait3A_95 = arith.constant 40 : i32
      %dma_wait3A_96 = arith.constant 0 : i32
      %dma_wait3A_97 = tpu.memref_slice %dma_wait3A_94[%dma_wait3A_95, %dma_wait3A_96] : memref<80x128xi32, #tpu.memory_space<hbm>> -> memref<40x128xi32, #tpu.memory_space<hbm>>
      tpu.wait_dma2 semaphore(%run_scoped3A : memref<!tpu.dma_semaphore, #tpu.memory_space<semaphore_mem>>) src(%dma_wait3A_97 : memref<40x128xi32, #tpu.memory_space<hbm>>) dst(%arg7 : memref<40x128xi32, #tpu.memory_space<vmem>>)
      tpu.yield
    }) : () -> ()
    "tpu.region"() ({
      %run_scoped3A = tpu.sem_alloc : memref<!tpu.dma_semaphore, #tpu.memory_space<semaphore_mem>>
      %dma_start3A_71 = arith.constant 0 : i32
      %dma_start3A_72 = arith.constant 0 : i32
      %dma_start3A_73 = tpu.memref_slice %arg4[%add3A, %dma_start3A_71, %dma_start3A_72] : memref<32x80x128xi32, #tpu.memory_space<hbm>> -> memref<1x80x128xi32, #tpu.memory_space<hbm>>
      %dma_start3A_74 = tpu.memref_squeeze %dma_start3A_73 : memref<1x80x128xi32, #tpu.memory_space<hbm>> -> memref<80x128xi32, #tpu.memory_space<hbm>>
      %dma_start3A_75 = arith.constant 40 : i32
      %dma_start3A_76 = arith.constant 0 : i32
      %dma_start3A_77 = tpu.memref_slice %dma_start3A_74[%dma_start3A_75, %dma_start3A_76] : memref<80x128xi32, #tpu.memory_space<hbm>> -> memref<40x128xi32, #tpu.memory_space<hbm>>
      %dma_start3A_78 = arith.constant 0 : i32
      %dma_start3A_79 = arith.constant 0 : i32
      %dma_start3A_80 = tpu.memref_slice %arg4[%add3A, %dma_start3A_78, %dma_start3A_79] : memref<32x80x128xi32, #tpu.memory_space<hbm>> -> memref<1x80x128xi32, #tpu.memory_space<hbm>>
      %dma_start3A_81 = tpu.memref_squeeze %dma_start3A_80 : memref<1x80x128xi32, #tpu.memory_space<hbm>> -> memref<80x128xi32, #tpu.memory_space<hbm>>
      %dma_start3A_82 = arith.constant 40 : i32
      %dma_start3A_83 = arith.constant 0 : i32
      %dma_start3A_84 = tpu.memref_slice %dma_start3A_81[%dma_start3A_82, %dma_start3A_83] : memref<80x128xi32, #tpu.memory_space<hbm>> -> memref<40x128xi32, #tpu.memory_space<hbm>>
      tpu.enqueue_dma source(%dma_start3A_84 : memref<40x128xi32, #tpu.memory_space<hbm>>) target(%arg8 : memref<40x128xi32, #tpu.memory_space<vmem>>) target_semaphore(%run_scoped3A : memref<!tpu.dma_semaphore, #tpu.memory_space<semaphore_mem>>)
      %dma_wait3A = arith.constant 0 : i32
      %dma_wait3A_85 = arith.constant 0 : i32
      %dma_wait3A_86 = tpu.memref_slice %arg4[%add3A, %dma_wait3A, %dma_wait3A_85] : memref<32x80x128xi32, #tpu.memory_space<hbm>> -> memref<1x80x128xi32, #tpu.memory_space<hbm>>
      %dma_wait3A_87 = tpu.memref_squeeze %dma_wait3A_86 : memref<1x80x128xi32, #tpu.memory_space<hbm>> -> memref<80x128xi32, #tpu.memory_space<hbm>>
      %dma_wait3A_88 = arith.constant 40 : i32
      %dma_wait3A_89 = arith.constant 0 : i32
      %dma_wait3A_90 = tpu.memref_slice %dma_wait3A_87[%dma_wait3A_88, %dma_wait3A_89] : memref<80x128xi32, #tpu.memory_space<hbm>> -> memref<40x128xi32, #tpu.memory_space<hbm>>
      %dma_wait3A_91 = arith.constant 0 : i32
      %dma_wait3A_92 = arith.constant 0 : i32
      %dma_wait3A_93 = tpu.memref_slice %arg4[%add3A, %dma_wait3A_91, %dma_wait3A_92] : memref<32x80x128xi32, #tpu.memory_space<hbm>> -> memref<1x80x128xi32, #tpu.memory_space<hbm>>
      %dma_wait3A_94 = tpu.memref_squeeze %dma_wait3A_93 : memref<1x80x128xi32, #tpu.memory_space<hbm>> -> memref<80x128xi32, #tpu.memory_space<hbm>>
      %dma_wait3A_95 = arith.constant 40 : i32
      %dma_wait3A_96 = arith.constant 0 : i32
      %dma_wait3A_97 = tpu.memref_slice %dma_wait3A_94[%dma_wait3A_95, %dma_wait3A_96] : memref<80x128xi32, #tpu.memory_space<hbm>> -> memref<40x128xi32, #tpu.memory_space<hbm>>
      tpu.wait_dma2 semaphore(%run_scoped3A : memref<!tpu.dma_semaphore, #tpu.memory_space<semaphore_mem>>) src(%dma_wait3A_97 : memref<40x128xi32, #tpu.memory_space<hbm>>) dst(%arg8 : memref<40x128xi32, #tpu.memory_space<vmem>>)
      tpu.yield
    }) : () -> ()
    %dma_start3A_46 = arith.constant 0 : i32
    %dma_start3A_47 = arith.constant 0 : i32
    %dma_start3A_48 = tpu.memref_slice %arg7[%dma_start3A_46, %dma_start3A_47] : memref<40x128xi32, #tpu.memory_space<vmem>> -> memref<1x128xi32, #tpu.memory_space<vmem>>
    %dma_start3A_49 = tpu.memref_squeeze %dma_start3A_48 : memref<1x128xi32, #tpu.memory_space<vmem>> -> memref<128xi32, #tpu.memory_space<vmem>>
    %dma_start3A_50 = arith.constant 0 : i32
    %dma_start3A_51 = arith.constant 0 : i32
    %dma_start3A_52 = tpu.memref_slice %arg2[%dma_start3A_50, %dma_start3A_51] : memref<10000x128xf32, #tpu.memory_space<hbm>> -> memref<10000x128xf32, #tpu.memory_space<hbm>>
    tpu.enqueue_indirect_dma source(%dma_start3A_52 : memref<10000x128xf32, #tpu.memory_space<hbm>>) target(%arg9 : memref<128x128xf32, #tpu.memory_space<vmem>>) offsets(%dma_start3A_49 : memref<128xi32, #tpu.memory_space<vmem>>) semaphore(%arg11 : memref<!tpu.dma_semaphore, #tpu.memory_space<semaphore_mem>>)
    %dma_start3A_53 = arith.constant 1 : i32
    %dma_start3A_54 = arith.constant 0 : i32
    %dma_start3A_55 = tpu.memref_slice %arg7[%dma_start3A_53, %dma_start3A_54] : memref<40x128xi32, #tpu.memory_space<vmem>> -> memref<1x128xi32, #tpu.memory_space<vmem>>
    %dma_start3A_56 = tpu.memref_squeeze %dma_start3A_55 : memref<1x128xi32, #tpu.memory_space<vmem>> -> memref<128xi32, #tpu.memory_space<vmem>>
    %dma_start3A_57 = arith.constant 0 : i32
    %dma_start3A_58 = arith.constant 0 : i32
    %dma_start3A_59 = tpu.memref_slice %arg2[%dma_start3A_57, %dma_start3A_58] : memref<10000x128xf32, #tpu.memory_space<hbm>> -> memref<10000x128xf32, #tpu.memory_space<hbm>>
    tpu.enqueue_indirect_dma source(%dma_start3A_59 : memref<10000x128xf32, #tpu.memory_space<hbm>>) target(%arg10 : memref<128x128xf32, #tpu.memory_space<vmem>>) offsets(%dma_start3A_56 : memref<128xi32, #tpu.memory_space<vmem>>) semaphore(%arg12 : memref<!tpu.dma_semaphore, #tpu.memory_space<semaphore_mem>>)
    %scan3A_60 = arith.constant 0 : i32
    %scan3A_61 = arith.constant 0 : i32
    %scan3A_62 = arith.constant 20 : i32
    %scan3A_63 = arith.addi %scan3A_61, %scan3A_62 : i32
    %scan3A_64 = arith.constant 1 : i32
    scf.for %scan3A_71 = %scan3A_61 to %scan3A_63 step %scan3A_64  : i32 {
      %mul3A_72 = arith.constant 2 : i32
      %mul3A_73 = arith.muli %scan3A_71, %mul3A_72 : i32
      %dma_wait3A = arith.constant 0 : i32
      %dma_wait3A_74 = arith.constant 0 : i32
      %dma_wait3A_75 = tpu.memref_slice %arg2[%dma_wait3A, %dma_wait3A_74] : memref<10000x128xf32, #tpu.memory_space<hbm>> -> memref<128x128xf32, #tpu.memory_space<hbm>>
      %dma_wait3A_76 = arith.constant 0 : i32
      %dma_wait3A_77 = arith.constant 0 : i32
      %dma_wait3A_78 = tpu.memref_slice %arg2[%dma_wait3A_76, %dma_wait3A_77] : memref<10000x128xf32, #tpu.memory_space<hbm>> -> memref<128x128xf32, #tpu.memory_space<hbm>>
      tpu.wait_dma2 semaphore(%arg11 : memref<!tpu.dma_semaphore, #tpu.memory_space<semaphore_mem>>) src(%dma_wait3A_78 : memref<128x128xf32, #tpu.memory_space<hbm>>) dst(%arg9 : memref<128x128xf32, #tpu.memory_space<vmem>>)
      %add3A_79 = arith.constant 0 : i32
      %add3A_80 = arith.addi %mul3A_73, %add3A_79 : i32
      "tpu.region"() ({
        %run_scoped3A = tpu.sem_alloc : memref<!tpu.dma_semaphore, #tpu.memory_space<semaphore_mem>>
        %dma_start3A_104 = arith.constant 0 : i32
        %dma_start3A_105 = tpu.memref_slice %arg8[%add3A_80, %dma_start3A_104] : memref<40x128xi32, #tpu.memory_space<vmem>> -> memref<1x128xi32, #tpu.memory_space<vmem>>
        %dma_start3A_106 = tpu.memref_squeeze %dma_start3A_105 : memref<1x128xi32, #tpu.memory_space<vmem>> -> memref<128xi32, #tpu.memory_space<vmem>>
        %dma_start3A_107 = arith.constant 0 : i32
        %dma_start3A_108 = arith.constant 0 : i32
        %dma_start3A_109 = tpu.memref_slice %arg6[%dma_start3A_107, %dma_start3A_108] : memref<10240x128xf32, #tpu.memory_space<vmem_shared>> -> memref<10240x128xf32, #tpu.memory_space<vmem_shared>>
        tpu.enqueue_indirect_dma source(%arg9 : memref<128x128xf32, #tpu.memory_space<vmem>>) target(%dma_start3A_109 : memref<10240x128xf32, #tpu.memory_space<vmem_shared>>) offsets(%dma_start3A_106 : memref<128xi32, #tpu.memory_space<vmem>>) semaphore(%run_scoped3A : memref<!tpu.dma_semaphore, #tpu.memory_space<semaphore_mem>>) {add = true}
        %dma_wait3A_110 = arith.constant 0 : i32
        %dma_wait3A_111 = tpu.memref_slice %arg8[%add3A_80, %dma_wait3A_110] : memref<40x128xi32, #tpu.memory_space<vmem>> -> memref<1x128xi32, #tpu.memory_space<vmem>>
        %dma_wait3A_112 = tpu.memref_squeeze %dma_wait3A_111 : memref<1x128xi32, #tpu.memory_space<vmem>> -> memref<128xi32, #tpu.memory_space<vmem>>
        %dma_wait3A_113 = arith.constant 0 : i32
        %dma_wait3A_114 = arith.constant 0 : i32
        %dma_wait3A_115 = tpu.memref_slice %arg6[%dma_wait3A_113, %dma_wait3A_114] : memref<10240x128xf32, #tpu.memory_space<vmem_shared>> -> memref<10240x128xf32, #tpu.memory_space<vmem_shared>>
        tpu.wait_indirect_dma semaphore(%run_scoped3A : memref<!tpu.dma_semaphore, #tpu.memory_space<semaphore_mem>>) src(%arg9 : memref<128x128xf32, #tpu.memory_space<vmem>>) dst(%dma_wait3A_115 : memref<10240x128xf32, #tpu.memory_space<vmem_shared>>)
        tpu.yield
      }) : () -> ()
      %add3A_81 = arith.constant 0 : i32
      %add3A_82 = arith.addi %mul3A_73, %add3A_81 : i32
      %add3A_83 = arith.constant 2 : i32
      %add3A_84 = arith.addi %add3A_82, %add3A_83 : i32
      %lt3A = arith.constant 40 : i32
      %lt3A_85 = arith.cmpi slt, %add3A_84, %lt3A : i32
      %convert_element_type3A = arith.extui %lt3A_85 : i1 to i32
      %cond3A = arith.constant 0 : i32
      %cond3A_86 = arith.cmpi ne, %convert_element_type3A, %cond3A : i32
      scf.if %cond3A_86 {
        %add3A_104 = arith.constant 0 : i32
        %add3A_105 = arith.addi %mul3A_73, %add3A_104 : i32
        %add3A_106 = arith.constant 2 : i32
        %add3A_107 = arith.addi %add3A_105, %add3A_106 : i32
        %dma_start3A_108 = arith.constant 0 : i32
        %dma_start3A_109 = tpu.memref_slice %arg7[%add3A_107, %dma_start3A_108] : memref<40x128xi32, #tpu.memory_space<vmem>> -> memref<1x128xi32, #tpu.memory_space<vmem>>
        %dma_start3A_110 = tpu.memref_squeeze %dma_start3A_109 : memref<1x128xi32, #tpu.memory_space<vmem>> -> memref<128xi32, #tpu.memory_space<vmem>>
        %dma_start3A_111 = arith.constant 0 : i32
        %dma_start3A_112 = arith.constant 0 : i32
        %dma_start3A_113 = tpu.memref_slice %arg2[%dma_start3A_111, %dma_start3A_112] : memref<10000x128xf32, #tpu.memory_space<hbm>> -> memref<10000x128xf32, #tpu.memory_space<hbm>>
        tpu.enqueue_indirect_dma source(%dma_start3A_113 : memref<10000x128xf32, #tpu.memory_space<hbm>>) target(%arg9 : memref<128x128xf32, #tpu.memory_space<vmem>>) offsets(%dma_start3A_110 : memref<128xi32, #tpu.memory_space<vmem>>) semaphore(%arg11 : memref<!tpu.dma_semaphore, #tpu.memory_space<semaphore_mem>>)
      } else {
      }
      %dma_wait3A_87 = arith.constant 0 : i32
      %dma_wait3A_88 = arith.constant 0 : i32
      %dma_wait3A_89 = tpu.memref_slice %arg2[%dma_wait3A_87, %dma_wait3A_88] : memref<10000x128xf32, #tpu.memory_space<hbm>> -> memref<128x128xf32, #tpu.memory_space<hbm>>
      %dma_wait3A_90 = arith.constant 0 : i32
      %dma_wait3A_91 = arith.constant 0 : i32
      %dma_wait3A_92 = tpu.memref_slice %arg2[%dma_wait3A_90, %dma_wait3A_91] : memref<10000x128xf32, #tpu.memory_space<hbm>> -> memref<128x128xf32, #tpu.memory_space<hbm>>
      tpu.wait_dma2 semaphore(%arg12 : memref<!tpu.dma_semaphore, #tpu.memory_space<semaphore_mem>>) src(%dma_wait3A_92 : memref<128x128xf32, #tpu.memory_space<hbm>>) dst(%arg10 : memref<128x128xf32, #tpu.memory_space<vmem>>)
      %add3A_93 = arith.constant 1 : i32
      %add3A_94 = arith.addi %mul3A_73, %add3A_93 : i32
      "tpu.region"() ({
        %run_scoped3A = tpu.sem_alloc : memref<!tpu.dma_semaphore, #tpu.memory_space<semaphore_mem>>
        %dma_start3A_104 = arith.constant 0 : i32
        %dma_start3A_105 = tpu.memref_slice %arg8[%add3A_94, %dma_start3A_104] : memref<40x128xi32, #tpu.memory_space<vmem>> -> memref<1x128xi32, #tpu.memory_space<vmem>>
        %dma_start3A_106 = tpu.memref_squeeze %dma_start3A_105 : memref<1x128xi32, #tpu.memory_space<vmem>> -> memref<128xi32, #tpu.memory_space<vmem>>
        %dma_start3A_107 = arith.constant 0 : i32
        %dma_start3A_108 = arith.constant 0 : i32
        %dma_start3A_109 = tpu.memref_slice %arg6[%dma_start3A_107, %dma_start3A_108] : memref<10240x128xf32, #tpu.memory_space<vmem_shared>> -> memref<10240x128xf32, #tpu.memory_space<vmem_shared>>
        tpu.enqueue_indirect_dma source(%arg10 : memref<128x128xf32, #tpu.memory_space<vmem>>) target(%dma_start3A_109 : memref<10240x128xf32, #tpu.memory_space<vmem_shared>>) offsets(%dma_start3A_106 : memref<128xi32, #tpu.memory_space<vmem>>) semaphore(%run_scoped3A : memref<!tpu.dma_semaphore, #tpu.memory_space<semaphore_mem>>) {add = true}
        %dma_wait3A_110 = arith.constant 0 : i32
        %dma_wait3A_111 = tpu.memref_slice %arg8[%add3A_94, %dma_wait3A_110] : memref<40x128xi32, #tpu.memory_space<vmem>> -> memref<1x128xi32, #tpu.memory_space<vmem>>
        %dma_wait3A_112 = tpu.memref_squeeze %dma_wait3A_111 : memref<1x128xi32, #tpu.memory_space<vmem>> -> memref<128xi32, #tpu.memory_space<vmem>>
        %dma_wait3A_113 = arith.constant 0 : i32
        %dma_wait3A_114 = arith.constant 0 : i32
        %dma_wait3A_115 = tpu.memref_slice %arg6[%dma_wait3A_113, %dma_wait3A_114] : memref<10240x128xf32, #tpu.memory_space<vmem_shared>> -> memref<10240x128xf32, #tpu.memory_space<vmem_shared>>
        tpu.wait_indirect_dma semaphore(%run_scoped3A : memref<!tpu.dma_semaphore, #tpu.memory_space<semaphore_mem>>) src(%arg10 : memref<128x128xf32, #tpu.memory_space<vmem>>) dst(%dma_wait3A_115 : memref<10240x128xf32, #tpu.memory_space<vmem_shared>>)
        tpu.yield
      }) : () -> ()
      %add3A_95 = arith.constant 1 : i32
      %add3A_96 = arith.addi %mul3A_73, %add3A_95 : i32
      %add3A_97 = arith.constant 2 : i32
      %add3A_98 = arith.addi %add3A_96, %add3A_97 : i32
      %lt3A_99 = arith.constant 40 : i32
      %lt3A_100 = arith.cmpi slt, %add3A_98, %lt3A_99 : i32
      %convert_element_type3A_101 = arith.extui %lt3A_100 : i1 to i32
      %cond3A_102 = arith.constant 0 : i32
      %cond3A_103 = arith.cmpi ne, %convert_element_type3A_101, %cond3A_102 : i32
      scf.if %cond3A_103 {
        %add3A_104 = arith.constant 1 : i32
        %add3A_105 = arith.addi %mul3A_73, %add3A_104 : i32
        %add3A_106 = arith.constant 2 : i32
        %add3A_107 = arith.addi %add3A_105, %add3A_106 : i32
        %dma_start3A_108 = arith.constant 0 : i32
        %dma_start3A_109 = tpu.memref_slice %arg7[%add3A_107, %dma_start3A_108] : memref<40x128xi32, #tpu.memory_space<vmem>> -> memref<1x128xi32, #tpu.memory_space<vmem>>
        %dma_start3A_110 = tpu.memref_squeeze %dma_start3A_109 : memref<1x128xi32, #tpu.memory_space<vmem>> -> memref<128xi32, #tpu.memory_space<vmem>>
        %dma_start3A_111 = arith.constant 0 : i32
        %dma_start3A_112 = arith.constant 0 : i32
        %dma_start3A_113 = tpu.memref_slice %arg2[%dma_start3A_111, %dma_start3A_112] : memref<10000x128xf32, #tpu.memory_space<hbm>> -> memref<10000x128xf32, #tpu.memory_space<hbm>>
        tpu.enqueue_indirect_dma source(%dma_start3A_113 : memref<10000x128xf32, #tpu.memory_space<hbm>>) target(%arg10 : memref<128x128xf32, #tpu.memory_space<vmem>>) offsets(%dma_start3A_110 : memref<128xi32, #tpu.memory_space<vmem>>) semaphore(%arg12 : memref<!tpu.dma_semaphore, #tpu.memory_space<semaphore_mem>>)
      } else {
      }
    }
    %scan3A_65 = arith.constant 20 : i32
    %barrier3A_66 = arith.constant 0 : index
    tpu.barrier barrier_id(%barrier3A_66)
    %mul3A_67 = arith.constant 640 : i32
    %mul3A_68 = arith.muli %arg1, %mul3A_67 : i32
    %mul3A_69 = arith.constant 640 : i32
    %mul3A_70 = arith.muli %arg1, %mul3A_69 : i32
    "tpu.region"() ({
      %run_scoped3A = tpu.sem_alloc : memref<!tpu.dma_semaphore, #tpu.memory_space<semaphore_mem>>
      %dma_start3A_71 = arith.constant 0 : i32
      %dma_start3A_72 = arith.constant 0 : i32
      %dma_start3A_73 = tpu.memref_slice %arg5[%arg0, %dma_start3A_71, %dma_start3A_72] : memref<2x10240x128xf32, #tpu.memory_space<hbm>> -> memref<1x10240x128xf32, #tpu.memory_space<hbm>>
      %dma_start3A_74 = tpu.memref_squeeze %dma_start3A_73 : memref<1x10240x128xf32, #tpu.memory_space<hbm>> -> memref<10240x128xf32, #tpu.memory_space<hbm>>
      %dma_start3A_75 = arith.constant 0 : i32
      %dma_start3A_76 = tpu.memref_slice %dma_start3A_74[%mul3A_70, %dma_start3A_75] : memref<10240x128xf32, #tpu.memory_space<hbm>> -> memref<640x128xf32, #tpu.memory_space<hbm>>
      %dma_start3A_77 = arith.constant 0 : i32
      %dma_start3A_78 = tpu.memref_slice %arg6[%mul3A_68, %dma_start3A_77] : memref<10240x128xf32, #tpu.memory_space<vmem_shared>> -> memref<640x128xf32, #tpu.memory_space<vmem_shared>>
      tpu.enqueue_dma source(%dma_start3A_78 : memref<640x128xf32, #tpu.memory_space<vmem_shared>>) target(%dma_start3A_76 : memref<640x128xf32, #tpu.memory_space<hbm>>) target_semaphore(%run_scoped3A : memref<!tpu.dma_semaphore, #tpu.memory_space<semaphore_mem>>)
      %dma_wait3A = arith.constant 0 : i32
      %dma_wait3A_79 = arith.constant 0 : i32
      %dma_wait3A_80 = tpu.memref_slice %arg5[%arg0, %dma_wait3A, %dma_wait3A_79] : memref<2x10240x128xf32, #tpu.memory_space<hbm>> -> memref<1x10240x128xf32, #tpu.memory_space<hbm>>
      %dma_wait3A_81 = tpu.memref_squeeze %dma_wait3A_80 : memref<1x10240x128xf32, #tpu.memory_space<hbm>> -> memref<10240x128xf32, #tpu.memory_space<hbm>>
      %dma_wait3A_82 = arith.constant 0 : i32
      %dma_wait3A_83 = tpu.memref_slice %dma_wait3A_81[%mul3A_70, %dma_wait3A_82] : memref<10240x128xf32, #tpu.memory_space<hbm>> -> memref<640x128xf32, #tpu.memory_space<hbm>>
      %dma_wait3A_84 = arith.constant 0 : i32
      %dma_wait3A_85 = tpu.memref_slice %arg6[%mul3A_68, %dma_wait3A_84] : memref<10240x128xf32, #tpu.memory_space<vmem_shared>> -> memref<640x128xf32, #tpu.memory_space<vmem_shared>>
      tpu.wait_dma2 semaphore(%run_scoped3A : memref<!tpu.dma_semaphore, #tpu.memory_space<semaphore_mem>>) src(%dma_wait3A_85 : memref<640x128xf32, #tpu.memory_space<vmem_shared>>) dst(%dma_wait3A_83 : memref<640x128xf32, #tpu.memory_space<hbm>>)
      tpu.yield
    }) : () -> ()
    return
  }
}

#map = affine_map<(d0, d1) -> (0, 0)>
#map1 = affine_map<(d0, d1) -> (0, 0, 0)>
module attributes {stable_mosaic.version = 14 : i64} {
  func.func @_sc_segsum(%arg0: i32, %arg1: i32, %arg2: memref<10000x128xf32, #tpu.memory_space<hbm>>, %arg3: memref<32x80x128xi32, #tpu.memory_space<hbm>>, %arg4: memref<32x80x128xi32, #tpu.memory_space<hbm>>, %arg5: memref<2x10240x128xf32, #tpu.memory_space<hbm>>, %arg6: memref<10240x128xf32, #tpu.memory_space<vmem_shared>>, %arg7: memref<40x128xi32, #tpu.memory_space<vmem>>, %arg8: memref<40x128xi32, #tpu.memory_space<vmem>>, %arg9: memref<128x128xf32, #tpu.memory_space<vmem>>, %arg10: memref<128x128xf32, #tpu.memory_space<vmem>>, %arg11: memref<!tpu.dma_semaphore, #tpu.memory_space<semaphore_mem>>, %arg12: memref<!tpu.dma_semaphore, #tpu.memory_space<semaphore_mem>>) attributes {dimension_semantics = [#tpu.dimension_semantics<core_parallel>, #tpu.dimension_semantics<subcore_parallel>], iteration_bounds = array<i64: 2, 16>, scalar_prefetch = 0 : i64, scratch_operands = 7 : i64, tpu.core_type = #tpu.core_type<sc_vector_subcore>, window_params = [{transform_indices = #map}, {transform_indices = #map1}, {transform_indices = #map1}, {transform_indices = #map1}]} {
    %mul3A = arith.constant 16 : i32
    %mul3A_0 = arith.muli %arg0, %mul3A : i32
    %add3A = arith.addi %mul3A_0, %arg1 : i32
    %broadcast_in_dim3A = arith.constant 0.000000e+00 : f32
    %broadcast_in_dim3A_1 = vector.broadcast %broadcast_in_dim3A : f32 to vector<16xf32>
    %scan3A = arith.constant 0 : i32
    %scan3A_2 = arith.constant 0 : i32
    %scan3A_3 = arith.constant 128 : i32
    %scan3A_4 = arith.addi %scan3A_2, %scan3A_3 : i32
    %scan3A_5 = arith.constant 1 : i32
    scf.for %scan3A_71 = %scan3A_2 to %scan3A_4 step %scan3A_5  : i32 {
      %swap3A = arith.index_cast %scan3A_71 : i32 to index
      %swap3A_72 = arith.constant 0 : index
      %swap3A_73 = tpu.vector_load %arg9[%swap3A, %swap3A_72] {strides = array<i32>} : memref<128x128xf32, #tpu.memory_space<vmem>>, vector<1x16xf32>,
      %swap3A_74 = vector.shape_cast %swap3A_73 : vector<1x16xf32> to vector<16xf32>
      %swap3A_75 = vector.shape_cast %broadcast_in_dim3A_1 : vector<16xf32> to vector<1x16xf32>
      tpu.vector_store %arg9[%swap3A, %swap3A_72], %swap3A_75 {strides = array<i32>} : memref<128x128xf32, #tpu.memory_space<vmem>>, vector<1x16xf32>,
      %swap3A_76 = arith.index_cast %scan3A_71 : i32 to index
      %swap3A_77 = arith.constant 16 : index
      %swap3A_78 = tpu.vector_load %arg9[%swap3A_76, %swap3A_77] {strides = array<i32>} : memref<128x128xf32, #tpu.memory_space<vmem>>, vector<1x16xf32>,
      %swap3A_79 = vector.shape_cast %swap3A_78 : vector<1x16xf32> to vector<16xf32>
      %swap3A_80 = vector.shape_cast %broadcast_in_dim3A_1 : vector<16xf32> to vector<1x16xf32>
      tpu.vector_store %arg9[%swap3A_76, %swap3A_77], %swap3A_80 {strides = array<i32>} : memref<128x128xf32, #tpu.memory_space<vmem>>, vector<1x16xf32>,
      %swap3A_81 = arith.index_cast %scan3A_71 : i32 to index
      %swap3A_82 = arith.constant 32 : index
      %swap3A_83 = tpu.vector_load %arg9[%swap3A_81, %swap3A_82] {strides = array<i32>} : memref<128x128xf32, #tpu.memory_space<vmem>>, vector<1x16xf32>,
      %swap3A_84 = vector.shape_cast %swap3A_83 : vector<1x16xf32> to vector<16xf32>
      %swap3A_85 = vector.shape_cast %broadcast_in_dim3A_1 : vector<16xf32> to vector<1x16xf32>
      tpu.vector_store %arg9[%swap3A_81, %swap3A_82], %swap3A_85 {strides = array<i32>} : memref<128x128xf32, #tpu.memory_space<vmem>>, vector<1x16xf32>,
      %swap3A_86 = arith.index_cast %scan3A_71 : i32 to index
      %swap3A_87 = arith.constant 48 : index
      %swap3A_88 = tpu.vector_load %arg9[%swap3A_86, %swap3A_87] {strides = array<i32>} : memref<128x128xf32, #tpu.memory_space<vmem>>, vector<1x16xf32>,
      %swap3A_89 = vector.shape_cast %swap3A_88 : vector<1x16xf32> to vector<16xf32>
      %swap3A_90 = vector.shape_cast %broadcast_in_dim3A_1 : vector<16xf32> to vector<1x16xf32>
      tpu.vector_store %arg9[%swap3A_86, %swap3A_87], %swap3A_90 {strides = array<i32>} : memref<128x128xf32, #tpu.memory_space<vmem>>, vector<1x16xf32>,
      %swap3A_91 = arith.index_cast %scan3A_71 : i32 to index
      %swap3A_92 = arith.constant 64 : index
      %swap3A_93 = tpu.vector_load %arg9[%swap3A_91, %swap3A_92] {strides = array<i32>} : memref<128x128xf32, #tpu.memory_space<vmem>>, vector<1x16xf32>,
      %swap3A_94 = vector.shape_cast %swap3A_93 : vector<1x16xf32> to vector<16xf32>
      %swap3A_95 = vector.shape_cast %broadcast_in_dim3A_1 : vector<16xf32> to vector<1x16xf32>
      tpu.vector_store %arg9[%swap3A_91, %swap3A_92], %swap3A_95 {strides = array<i32>} : memref<128x128xf32, #tpu.memory_space<vmem>>, vector<1x16xf32>,
      %swap3A_96 = arith.index_cast %scan3A_71 : i32 to index
      %swap3A_97 = arith.constant 80 : index
      %swap3A_98 = tpu.vector_load %arg9[%swap3A_96, %swap3A_97] {strides = array<i32>} : memref<128x128xf32, #tpu.memory_space<vmem>>, vector<1x16xf32>,
      %swap3A_99 = vector.shape_cast %swap3A_98 : vector<1x16xf32> to vector<16xf32>
      %swap3A_100 = vector.shape_cast %broadcast_in_dim3A_1 : vector<16xf32> to vector<1x16xf32>
      tpu.vector_store %arg9[%swap3A_96, %swap3A_97], %swap3A_100 {strides = array<i32>} : memref<128x128xf32, #tpu.memory_space<vmem>>, vector<1x16xf32>,
      %swap3A_101 = arith.index_cast %scan3A_71 : i32 to index
      %swap3A_102 = arith.constant 96 : index
      %swap3A_103 = tpu.vector_load %arg9[%swap3A_101, %swap3A_102] {strides = array<i32>} : memref<128x128xf32, #tpu.memory_space<vmem>>, vector<1x16xf32>,
      %swap3A_104 = vector.shape_cast %swap3A_103 : vector<1x16xf32> to vector<16xf32>
      %swap3A_105 = vector.shape_cast %broadcast_in_dim3A_1 : vector<16xf32> to vector<1x16xf32>
      tpu.vector_store %arg9[%swap3A_101, %swap3A_102], %swap3A_105 {strides = array<i32>} : memref<128x128xf32, #tpu.memory_space<vmem>>, vector<1x16xf32>,
      %swap3A_106 = arith.index_cast %scan3A_71 : i32 to index
      %swap3A_107 = arith.constant 112 : index
      %swap3A_108 = tpu.vector_load %arg9[%swap3A_106, %swap3A_107] {strides = array<i32>} : memref<128x128xf32, #tpu.memory_space<vmem>>, vector<1x16xf32>,
      %swap3A_109 = vector.shape_cast %swap3A_108 : vector<1x16xf32> to vector<16xf32>
      %swap3A_110 = vector.shape_cast %broadcast_in_dim3A_1 : vector<16xf32> to vector<1x16xf32>
      tpu.vector_store %arg9[%swap3A_106, %swap3A_107], %swap3A_110 {strides = array<i32>} : memref<128x128xf32, #tpu.memory_space<vmem>>, vector<1x16xf32>,
    }
    %scan3A_6 = arith.constant 128 : i32
    %mul3A_7 = arith.constant 640 : i32
    %mul3A_8 = arith.muli %arg1, %mul3A_7 : i32
    %add3A_9 = arith.constant 0 : i32
    %add3A_10 = arith.addi %mul3A_8, %add3A_9 : i32
    "tpu.region"() ({
      %run_scoped3A = tpu.sem_alloc : memref<!tpu.dma_semaphore, #tpu.memory_space<semaphore_mem>>
      %dma_start3A_71 = arith.constant 0 : i32
      %dma_start3A_72 = tpu.memref_slice %arg6[%add3A_10, %dma_start3A_71] : memref<10240x128xf32, #tpu.memory_space<vmem_shared>> -> memref<128x128xf32, #tpu.memory_space<vmem_shared>>
      %dma_start3A_73 = arith.constant 0 : i32
      %dma_start3A_74 = tpu.memref_slice %arg6[%add3A_10, %dma_start3A_73] : memref<10240x128xf32, #tpu.memory_space<vmem_shared>> -> memref<128x128xf32, #tpu.memory_space<vmem_shared>>
      tpu.enqueue_dma source(%arg9 : memref<128x128xf32, #tpu.memory_space<vmem>>) target(%dma_start3A_74 : memref<128x128xf32, #tpu.memory_space<vmem_shared>>) target_semaphore(%run_scoped3A : memref<!tpu.dma_semaphore, #tpu.memory_space<semaphore_mem>>)
      %dma_wait3A = arith.constant 0 : i32
      %dma_wait3A_75 = tpu.memref_slice %arg6[%add3A_10, %dma_wait3A] : memref<10240x128xf32, #tpu.memory_space<vmem_shared>> -> memref<128x128xf32, #tpu.memory_space<vmem_shared>>
      %dma_wait3A_76 = arith.constant 0 : i32
      %dma_wait3A_77 = tpu.memref_slice %arg6[%add3A_10, %dma_wait3A_76] : memref<10240x128xf32, #tpu.memory_space<vmem_shared>> -> memref<128x128xf32, #tpu.memory_space<vmem_shared>>
      tpu.wait_dma2 semaphore(%run_scoped3A : memref<!tpu.dma_semaphore, #tpu.memory_space<semaphore_mem>>) src(%arg9 : memref<128x128xf32, #tpu.memory_space<vmem>>) dst(%dma_wait3A_77 : memref<128x128xf32, #tpu.memory_space<vmem_shared>>)
      tpu.yield
    }) : () -> ()
    %mul3A_11 = arith.constant 640 : i32
    %mul3A_12 = arith.muli %arg1, %mul3A_11 : i32
    %add3A_13 = arith.constant 128 : i32
    %add3A_14 = arith.addi %mul3A_12, %add3A_13 : i32
    "tpu.region"() ({
      %run_scoped3A = tpu.sem_alloc : memref<!tpu.dma_semaphore, #tpu.memory_space<semaphore_mem>>
      %dma_start3A_71 = arith.constant 0 : i32
      %dma_start3A_72 = tpu.memref_slice %arg6[%add3A_14, %dma_start3A_71] : memref<10240x128xf32, #tpu.memory_space<vmem_shared>> -> memref<128x128xf32, #tpu.memory_space<vmem_shared>>
      %dma_start3A_73 = arith.constant 0 : i32
      %dma_start3A_74 = tpu.memref_slice %arg6[%add3A_14, %dma_start3A_73] : memref<10240x128xf32, #tpu.memory_space<vmem_shared>> -> memref<128x128xf32, #tpu.memory_space<vmem_shared>>
      tpu.enqueue_dma source(%arg9 : memref<128x128xf32, #tpu.memory_space<vmem>>) target(%dma_start3A_74 : memref<128x128xf32, #tpu.memory_space<vmem_shared>>) target_semaphore(%run_scoped3A : memref<!tpu.dma_semaphore, #tpu.memory_space<semaphore_mem>>)
      %dma_wait3A = arith.constant 0 : i32
      %dma_wait3A_75 = tpu.memref_slice %arg6[%add3A_14, %dma_wait3A] : memref<10240x128xf32, #tpu.memory_space<vmem_shared>> -> memref<128x128xf32, #tpu.memory_space<vmem_shared>>
      %dma_wait3A_76 = arith.constant 0 : i32
      %dma_wait3A_77 = tpu.memref_slice %arg6[%add3A_14, %dma_wait3A_76] : memref<10240x128xf32, #tpu.memory_space<vmem_shared>> -> memref<128x128xf32, #tpu.memory_space<vmem_shared>>
      tpu.wait_dma2 semaphore(%run_scoped3A : memref<!tpu.dma_semaphore, #tpu.memory_space<semaphore_mem>>) src(%arg9 : memref<128x128xf32, #tpu.memory_space<vmem>>) dst(%dma_wait3A_77 : memref<128x128xf32, #tpu.memory_space<vmem_shared>>)
      tpu.yield
    }) : () -> ()
    %mul3A_15 = arith.constant 640 : i32
    %mul3A_16 = arith.muli %arg1, %mul3A_15 : i32
    %add3A_17 = arith.constant 256 : i32
    %add3A_18 = arith.addi %mul3A_16, %add3A_17 : i32
    "tpu.region"() ({
      %run_scoped3A = tpu.sem_alloc : memref<!tpu.dma_semaphore, #tpu.memory_space<semaphore_mem>>
      %dma_start3A_71 = arith.constant 0 : i32
      %dma_start3A_72 = tpu.memref_slice %arg6[%add3A_18, %dma_start3A_71] : memref<10240x128xf32, #tpu.memory_space<vmem_shared>> -> memref<128x128xf32, #tpu.memory_space<vmem_shared>>
      %dma_start3A_73 = arith.constant 0 : i32
      %dma_start3A_74 = tpu.memref_slice %arg6[%add3A_18, %dma_start3A_73] : memref<10240x128xf32, #tpu.memory_space<vmem_shared>> -> memref<128x128xf32, #tpu.memory_space<vmem_shared>>
      tpu.enqueue_dma source(%arg9 : memref<128x128xf32, #tpu.memory_space<vmem>>) target(%dma_start3A_74 : memref<128x128xf32, #tpu.memory_space<vmem_shared>>) target_semaphore(%run_scoped3A : memref<!tpu.dma_semaphore, #tpu.memory_space<semaphore_mem>>)
      %dma_wait3A = arith.constant 0 : i32
      %dma_wait3A_75 = tpu.memref_slice %arg6[%add3A_18, %dma_wait3A] : memref<10240x128xf32, #tpu.memory_space<vmem_shared>> -> memref<128x128xf32, #tpu.memory_space<vmem_shared>>
      %dma_wait3A_76 = arith.constant 0 : i32
      %dma_wait3A_77 = tpu.memref_slice %arg6[%add3A_18, %dma_wait3A_76] : memref<10240x128xf32, #tpu.memory_space<vmem_shared>> -> memref<128x128xf32, #tpu.memory_space<vmem_shared>>
      tpu.wait_dma2 semaphore(%run_scoped3A : memref<!tpu.dma_semaphore, #tpu.memory_space<semaphore_mem>>) src(%arg9 : memref<128x128xf32, #tpu.memory_space<vmem>>) dst(%dma_wait3A_77 : memref<128x128xf32, #tpu.memory_space<vmem_shared>>)
      tpu.yield
    }) : () -> ()
    %mul3A_19 = arith.constant 640 : i32
    %mul3A_20 = arith.muli %arg1, %mul3A_19 : i32
    %add3A_21 = arith.constant 384 : i32
    %add3A_22 = arith.addi %mul3A_20, %add3A_21 : i32
    "tpu.region"() ({
      %run_scoped3A = tpu.sem_alloc : memref<!tpu.dma_semaphore, #tpu.memory_space<semaphore_mem>>
      %dma_start3A_71 = arith.constant 0 : i32
      %dma_start3A_72 = tpu.memref_slice %arg6[%add3A_22, %dma_start3A_71] : memref<10240x128xf32, #tpu.memory_space<vmem_shared>> -> memref<128x128xf32, #tpu.memory_space<vmem_shared>>
      %dma_start3A_73 = arith.constant 0 : i32
      %dma_start3A_74 = tpu.memref_slice %arg6[%add3A_22, %dma_start3A_73] : memref<10240x128xf32, #tpu.memory_space<vmem_shared>> -> memref<128x128xf32, #tpu.memory_space<vmem_shared>>
      tpu.enqueue_dma source(%arg9 : memref<128x128xf32, #tpu.memory_space<vmem>>) target(%dma_start3A_74 : memref<128x128xf32, #tpu.memory_space<vmem_shared>>) target_semaphore(%run_scoped3A : memref<!tpu.dma_semaphore, #tpu.memory_space<semaphore_mem>>)
      %dma_wait3A = arith.constant 0 : i32
      %dma_wait3A_75 = tpu.memref_slice %arg6[%add3A_22, %dma_wait3A] : memref<10240x128xf32, #tpu.memory_space<vmem_shared>> -> memref<128x128xf32, #tpu.memory_space<vmem_shared>>
      %dma_wait3A_76 = arith.constant 0 : i32
      %dma_wait3A_77 = tpu.memref_slice %arg6[%add3A_22, %dma_wait3A_76] : memref<10240x128xf32, #tpu.memory_space<vmem_shared>> -> memref<128x128xf32, #tpu.memory_space<vmem_shared>>
      tpu.wait_dma2 semaphore(%run_scoped3A : memref<!tpu.dma_semaphore, #tpu.memory_space<semaphore_mem>>) src(%arg9 : memref<128x128xf32, #tpu.memory_space<vmem>>) dst(%dma_wait3A_77 : memref<128x128xf32, #tpu.memory_space<vmem_shared>>)
      tpu.yield
    }) : () -> ()
    %mul3A_23 = arith.constant 640 : i32
    %mul3A_24 = arith.muli %arg1, %mul3A_23 : i32
    %add3A_25 = arith.constant 512 : i32
    %add3A_26 = arith.addi %mul3A_24, %add3A_25 : i32
    "tpu.region"() ({
      %run_scoped3A = tpu.sem_alloc : memref<!tpu.dma_semaphore, #tpu.memory_space<semaphore_mem>>
      %dma_start3A_71 = arith.constant 0 : i32
      %dma_start3A_72 = tpu.memref_slice %arg6[%add3A_26, %dma_start3A_71] : memref<10240x128xf32, #tpu.memory_space<vmem_shared>> -> memref<128x128xf32, #tpu.memory_space<vmem_shared>>
      %dma_start3A_73 = arith.constant 0 : i32
      %dma_start3A_74 = tpu.memref_slice %arg6[%add3A_26, %dma_start3A_73] : memref<10240x128xf32, #tpu.memory_space<vmem_shared>> -> memref<128x128xf32, #tpu.memory_space<vmem_shared>>
      tpu.enqueue_dma source(%arg9 : memref<128x128xf32, #tpu.memory_space<vmem>>) target(%dma_start3A_74 : memref<128x128xf32, #tpu.memory_space<vmem_shared>>) target_semaphore(%run_scoped3A : memref<!tpu.dma_semaphore, #tpu.memory_space<semaphore_mem>>)
      %dma_wait3A = arith.constant 0 : i32
      %dma_wait3A_75 = tpu.memref_slice %arg6[%add3A_26, %dma_wait3A] : memref<10240x128xf32, #tpu.memory_space<vmem_shared>> -> memref<128x128xf32, #tpu.memory_space<vmem_shared>>
      %dma_wait3A_76 = arith.constant 0 : i32
      %dma_wait3A_77 = tpu.memref_slice %arg6[%add3A_26, %dma_wait3A_76] : memref<10240x128xf32, #tpu.memory_space<vmem_shared>> -> memref<128x128xf32, #tpu.memory_space<vmem_shared>>
      tpu.wait_dma2 semaphore(%run_scoped3A : memref<!tpu.dma_semaphore, #tpu.memory_space<semaphore_mem>>) src(%arg9 : memref<128x128xf32, #tpu.memory_space<vmem>>) dst(%dma_wait3A_77 : memref<128x128xf32, #tpu.memory_space<vmem_shared>>)
      tpu.yield
    }) : () -> ()
    %barrier3A = arith.constant 0 : index
    tpu.barrier barrier_id(%barrier3A)
    "tpu.region"() ({
      %run_scoped3A = tpu.sem_alloc : memref<!tpu.dma_semaphore, #tpu.memory_space<semaphore_mem>>
      %dma_start3A_71 = arith.constant 0 : i32
      %dma_start3A_72 = arith.constant 0 : i32
      %dma_start3A_73 = tpu.memref_slice %arg3[%add3A, %dma_start3A_71, %dma_start3A_72] : memref<32x80x128xi32, #tpu.memory_space<hbm>> -> memref<1x80x128xi32, #tpu.memory_space<hbm>>
      %dma_start3A_74 = tpu.memref_squeeze %dma_start3A_73 : memref<1x80x128xi32, #tpu.memory_space<hbm>> -> memref<80x128xi32, #tpu.memory_space<hbm>>
      %dma_start3A_75 = arith.constant 0 : i32
      %dma_start3A_76 = arith.constant 0 : i32
      %dma_start3A_77 = tpu.memref_slice %dma_start3A_74[%dma_start3A_75, %dma_start3A_76] : memref<80x128xi32, #tpu.memory_space<hbm>> -> memref<40x128xi32, #tpu.memory_space<hbm>>
      %dma_start3A_78 = arith.constant 0 : i32
      %dma_start3A_79 = arith.constant 0 : i32
      %dma_start3A_80 = tpu.memref_slice %arg3[%add3A, %dma_start3A_78, %dma_start3A_79] : memref<32x80x128xi32, #tpu.memory_space<hbm>> -> memref<1x80x128xi32, #tpu.memory_space<hbm>>
      %dma_start3A_81 = tpu.memref_squeeze %dma_start3A_80 : memref<1x80x128xi32, #tpu.memory_space<hbm>> -> memref<80x128xi32, #tpu.memory_space<hbm>>
      %dma_start3A_82 = arith.constant 0 : i32
      %dma_start3A_83 = arith.constant 0 : i32
      %dma_start3A_84 = tpu.memref_slice %dma_start3A_81[%dma_start3A_82, %dma_start3A_83] : memref<80x128xi32, #tpu.memory_space<hbm>> -> memref<40x128xi32, #tpu.memory_space<hbm>>
      tpu.enqueue_dma source(%dma_start3A_84 : memref<40x128xi32, #tpu.memory_space<hbm>>) target(%arg7 : memref<40x128xi32, #tpu.memory_space<vmem>>) target_semaphore(%run_scoped3A : memref<!tpu.dma_semaphore, #tpu.memory_space<semaphore_mem>>)
      %dma_wait3A = arith.constant 0 : i32
      %dma_wait3A_85 = arith.constant 0 : i32
      %dma_wait3A_86 = tpu.memref_slice %arg3[%add3A, %dma_wait3A, %dma_wait3A_85] : memref<32x80x128xi32, #tpu.memory_space<hbm>> -> memref<1x80x128xi32, #tpu.memory_space<hbm>>
      %dma_wait3A_87 = tpu.memref_squeeze %dma_wait3A_86 : memref<1x80x128xi32, #tpu.memory_space<hbm>> -> memref<80x128xi32, #tpu.memory_space<hbm>>
      %dma_wait3A_88 = arith.constant 0 : i32
      %dma_wait3A_89 = arith.constant 0 : i32
      %dma_wait3A_90 = tpu.memref_slice %dma_wait3A_87[%dma_wait3A_88, %dma_wait3A_89] : memref<80x128xi32, #tpu.memory_space<hbm>> -> memref<40x128xi32, #tpu.memory_space<hbm>>
      %dma_wait3A_91 = arith.constant 0 : i32
      %dma_wait3A_92 = arith.constant 0 : i32
      %dma_wait3A_93 = tpu.memref_slice %arg3[%add3A, %dma_wait3A_91, %dma_wait3A_92] : memref<32x80x128xi32, #tpu.memory_space<hbm>> -> memref<1x80x128xi32, #tpu.memory_space<hbm>>
      %dma_wait3A_94 = tpu.memref_squeeze %dma_wait3A_93 : memref<1x80x128xi32, #tpu.memory_space<hbm>> -> memref<80x128xi32, #tpu.memory_space<hbm>>
      %dma_wait3A_95 = arith.constant 0 : i32
      %dma_wait3A_96 = arith.constant 0 : i32
      %dma_wait3A_97 = tpu.memref_slice %dma_wait3A_94[%dma_wait3A_95, %dma_wait3A_96] : memref<80x128xi32, #tpu.memory_space<hbm>> -> memref<40x128xi32, #tpu.memory_space<hbm>>
      tpu.wait_dma2 semaphore(%run_scoped3A : memref<!tpu.dma_semaphore, #tpu.memory_space<semaphore_mem>>) src(%dma_wait3A_97 : memref<40x128xi32, #tpu.memory_space<hbm>>) dst(%arg7 : memref<40x128xi32, #tpu.memory_space<vmem>>)
      tpu.yield
    }) : () -> ()
    "tpu.region"() ({
      %run_scoped3A = tpu.sem_alloc : memref<!tpu.dma_semaphore, #tpu.memory_space<semaphore_mem>>
      %dma_start3A_71 = arith.constant 0 : i32
      %dma_start3A_72 = arith.constant 0 : i32
      %dma_start3A_73 = tpu.memref_slice %arg4[%add3A, %dma_start3A_71, %dma_start3A_72] : memref<32x80x128xi32, #tpu.memory_space<hbm>> -> memref<1x80x128xi32, #tpu.memory_space<hbm>>
      %dma_start3A_74 = tpu.memref_squeeze %dma_start3A_73 : memref<1x80x128xi32, #tpu.memory_space<hbm>> -> memref<80x128xi32, #tpu.memory_space<hbm>>
      %dma_start3A_75 = arith.constant 0 : i32
      %dma_start3A_76 = arith.constant 0 : i32
      %dma_start3A_77 = tpu.memref_slice %dma_start3A_74[%dma_start3A_75, %dma_start3A_76] : memref<80x128xi32, #tpu.memory_space<hbm>> -> memref<40x128xi32, #tpu.memory_space<hbm>>
      %dma_start3A_78 = arith.constant 0 : i32
      %dma_start3A_79 = arith.constant 0 : i32
      %dma_start3A_80 = tpu.memref_slice %arg4[%add3A, %dma_start3A_78, %dma_start3A_79] : memref<32x80x128xi32, #tpu.memory_space<hbm>> -> memref<1x80x128xi32, #tpu.memory_space<hbm>>
      %dma_start3A_81 = tpu.memref_squeeze %dma_start3A_80 : memref<1x80x128xi32, #tpu.memory_space<hbm>> -> memref<80x128xi32, #tpu.memory_space<hbm>>
      %dma_start3A_82 = arith.constant 0 : i32
      %dma_start3A_83 = arith.constant 0 : i32
      %dma_start3A_84 = tpu.memref_slice %dma_start3A_81[%dma_start3A_82, %dma_start3A_83] : memref<80x128xi32, #tpu.memory_space<hbm>> -> memref<40x128xi32, #tpu.memory_space<hbm>>
      tpu.enqueue_dma source(%dma_start3A_84 : memref<40x128xi32, #tpu.memory_space<hbm>>) target(%arg8 : memref<40x128xi32, #tpu.memory_space<vmem>>) target_semaphore(%run_scoped3A : memref<!tpu.dma_semaphore, #tpu.memory_space<semaphore_mem>>)
      %dma_wait3A = arith.constant 0 : i32
      %dma_wait3A_85 = arith.constant 0 : i32
      %dma_wait3A_86 = tpu.memref_slice %arg4[%add3A, %dma_wait3A, %dma_wait3A_85] : memref<32x80x128xi32, #tpu.memory_space<hbm>> -> memref<1x80x128xi32, #tpu.memory_space<hbm>>
      %dma_wait3A_87 = tpu.memref_squeeze %dma_wait3A_86 : memref<1x80x128xi32, #tpu.memory_space<hbm>> -> memref<80x128xi32, #tpu.memory_space<hbm>>
      %dma_wait3A_88 = arith.constant 0 : i32
      %dma_wait3A_89 = arith.constant 0 : i32
      %dma_wait3A_90 = tpu.memref_slice %dma_wait3A_87[%dma_wait3A_88, %dma_wait3A_89] : memref<80x128xi32, #tpu.memory_space<hbm>> -> memref<40x128xi32, #tpu.memory_space<hbm>>
      %dma_wait3A_91 = arith.constant 0 : i32
      %dma_wait3A_92 = arith.constant 0 : i32
      %dma_wait3A_93 = tpu.memref_slice %arg4[%add3A, %dma_wait3A_91, %dma_wait3A_92] : memref<32x80x128xi32, #tpu.memory_space<hbm>> -> memref<1x80x128xi32, #tpu.memory_space<hbm>>
      %dma_wait3A_94 = tpu.memref_squeeze %dma_wait3A_93 : memref<1x80x128xi32, #tpu.memory_space<hbm>> -> memref<80x128xi32, #tpu.memory_space<hbm>>
      %dma_wait3A_95 = arith.constant 0 : i32
      %dma_wait3A_96 = arith.constant 0 : i32
      %dma_wait3A_97 = tpu.memref_slice %dma_wait3A_94[%dma_wait3A_95, %dma_wait3A_96] : memref<80x128xi32, #tpu.memory_space<hbm>> -> memref<40x128xi32, #tpu.memory_space<hbm>>
      tpu.wait_dma2 semaphore(%run_scoped3A : memref<!tpu.dma_semaphore, #tpu.memory_space<semaphore_mem>>) src(%dma_wait3A_97 : memref<40x128xi32, #tpu.memory_space<hbm>>) dst(%arg8 : memref<40x128xi32, #tpu.memory_space<vmem>>)
      tpu.yield
    }) : () -> ()
    %dma_start3A = arith.constant 0 : i32
    %dma_start3A_27 = arith.constant 0 : i32
    %dma_start3A_28 = tpu.memref_slice %arg7[%dma_start3A, %dma_start3A_27] : memref<40x128xi32, #tpu.memory_space<vmem>> -> memref<1x128xi32, #tpu.memory_space<vmem>>
    %dma_start3A_29 = tpu.memref_squeeze %dma_start3A_28 : memref<1x128xi32, #tpu.memory_space<vmem>> -> memref<128xi32, #tpu.memory_space<vmem>>
    %dma_start3A_30 = arith.constant 0 : i32
    %dma_start3A_31 = arith.constant 0 : i32
    %dma_start3A_32 = tpu.memref_slice %arg2[%dma_start3A_30, %dma_start3A_31] : memref<10000x128xf32, #tpu.memory_space<hbm>> -> memref<10000x128xf32, #tpu.memory_space<hbm>>
    tpu.enqueue_indirect_dma source(%dma_start3A_32 : memref<10000x128xf32, #tpu.memory_space<hbm>>) target(%arg9 : memref<128x128xf32, #tpu.memory_space<vmem>>) offsets(%dma_start3A_29 : memref<128xi32, #tpu.memory_space<vmem>>) semaphore(%arg11 : memref<!tpu.dma_semaphore, #tpu.memory_space<semaphore_mem>>)
    %dma_start3A_33 = arith.constant 1 : i32
    %dma_start3A_34 = arith.constant 0 : i32
    %dma_start3A_35 = tpu.memref_slice %arg7[%dma_start3A_33, %dma_start3A_34] : memref<40x128xi32, #tpu.memory_space<vmem>> -> memref<1x128xi32, #tpu.memory_space<vmem>>
    %dma_start3A_36 = tpu.memref_squeeze %dma_start3A_35 : memref<1x128xi32, #tpu.memory_space<vmem>> -> memref<128xi32, #tpu.memory_space<vmem>>
    %dma_start3A_37 = arith.constant 0 : i32
    %dma_start3A_38 = arith.constant 0 : i32
    %dma_start3A_39 = tpu.memref_slice %arg2[%dma_start3A_37, %dma_start3A_38] : memref<10000x128xf32, #tpu.memory_space<hbm>> -> memref<10000x128xf32, #tpu.memory_space<hbm>>
    tpu.enqueue_indirect_dma source(%dma_start3A_39 : memref<10000x128xf32, #tpu.memory_space<hbm>>) target(%arg10 : memref<128x128xf32, #tpu.memory_space<vmem>>) offsets(%dma_start3A_36 : memref<128xi32, #tpu.memory_space<vmem>>) semaphore(%arg12 : memref<!tpu.dma_semaphore, #tpu.memory_space<semaphore_mem>>)
    %scan3A_40 = arith.constant 0 : i32
    %scan3A_41 = arith.constant 0 : i32
    %scan3A_42 = arith.constant 20 : i32
    %scan3A_43 = arith.addi %scan3A_41, %scan3A_42 : i32
    %scan3A_44 = arith.constant 1 : i32
    scf.for %scan3A_71 = %scan3A_41 to %scan3A_43 step %scan3A_44  : i32 {
      %mul3A_72 = arith.constant 2 : i32
      %mul3A_73 = arith.muli %scan3A_71, %mul3A_72 : i32
      %dma_wait3A = arith.constant 0 : i32
      %dma_wait3A_74 = arith.constant 0 : i32
      %dma_wait3A_75 = tpu.memref_slice %arg2[%dma_wait3A, %dma_wait3A_74] : memref<10000x128xf32, #tpu.memory_space<hbm>> -> memref<128x128xf32, #tpu.memory_space<hbm>>
      %dma_wait3A_76 = arith.constant 0 : i32
      %dma_wait3A_77 = arith.constant 0 : i32
      %dma_wait3A_78 = tpu.memref_slice %arg2[%dma_wait3A_76, %dma_wait3A_77] : memref<10000x128xf32, #tpu.memory_space<hbm>> -> memref<128x128xf32, #tpu.memory_space<hbm>>
      tpu.wait_dma2 semaphore(%arg11 : memref<!tpu.dma_semaphore, #tpu.memory_space<semaphore_mem>>) src(%dma_wait3A_78 : memref<128x128xf32, #tpu.memory_space<hbm>>) dst(%arg9 : memref<128x128xf32, #tpu.memory_space<vmem>>)
      %add3A_79 = arith.constant 0 : i32
      %add3A_80 = arith.addi %mul3A_73, %add3A_79 : i32
      "tpu.region"() ({
        %run_scoped3A = tpu.sem_alloc : memref<!tpu.dma_semaphore, #tpu.memory_space<semaphore_mem>>
        %dma_start3A_104 = arith.constant 0 : i32
        %dma_start3A_105 = tpu.memref_slice %arg8[%add3A_80, %dma_start3A_104] : memref<40x128xi32, #tpu.memory_space<vmem>> -> memref<1x128xi32, #tpu.memory_space<vmem>>
        %dma_start3A_106 = tpu.memref_squeeze %dma_start3A_105 : memref<1x128xi32, #tpu.memory_space<vmem>> -> memref<128xi32, #tpu.memory_space<vmem>>
        %dma_start3A_107 = arith.constant 0 : i32
        %dma_start3A_108 = arith.constant 0 : i32
        %dma_start3A_109 = tpu.memref_slice %arg6[%dma_start3A_107, %dma_start3A_108] : memref<10240x128xf32, #tpu.memory_space<vmem_shared>> -> memref<10240x128xf32, #tpu.memory_space<vmem_shared>>
        tpu.enqueue_indirect_dma source(%arg9 : memref<128x128xf32, #tpu.memory_space<vmem>>) target(%dma_start3A_109 : memref<10240x128xf32, #tpu.memory_space<vmem_shared>>) offsets(%dma_start3A_106 : memref<128xi32, #tpu.memory_space<vmem>>) semaphore(%run_scoped3A : memref<!tpu.dma_semaphore, #tpu.memory_space<semaphore_mem>>) {add = true}
        %dma_wait3A_110 = arith.constant 0 : i32
        %dma_wait3A_111 = tpu.memref_slice %arg8[%add3A_80, %dma_wait3A_110] : memref<40x128xi32, #tpu.memory_space<vmem>> -> memref<1x128xi32, #tpu.memory_space<vmem>>
        %dma_wait3A_112 = tpu.memref_squeeze %dma_wait3A_111 : memref<1x128xi32, #tpu.memory_space<vmem>> -> memref<128xi32, #tpu.memory_space<vmem>>
        %dma_wait3A_113 = arith.constant 0 : i32
        %dma_wait3A_114 = arith.constant 0 : i32
        %dma_wait3A_115 = tpu.memref_slice %arg6[%dma_wait3A_113, %dma_wait3A_114] : memref<10240x128xf32, #tpu.memory_space<vmem_shared>> -> memref<10240x128xf32, #tpu.memory_space<vmem_shared>>
        tpu.wait_indirect_dma semaphore(%run_scoped3A : memref<!tpu.dma_semaphore, #tpu.memory_space<semaphore_mem>>) src(%arg9 : memref<128x128xf32, #tpu.memory_space<vmem>>) dst(%dma_wait3A_115 : memref<10240x128xf32, #tpu.memory_space<vmem_shared>>)
        tpu.yield
      }) : () -> ()
      %add3A_81 = arith.constant 0 : i32
      %add3A_82 = arith.addi %mul3A_73, %add3A_81 : i32
      %add3A_83 = arith.constant 2 : i32
      %add3A_84 = arith.addi %add3A_82, %add3A_83 : i32
      %lt3A = arith.constant 40 : i32
      %lt3A_85 = arith.cmpi slt, %add3A_84, %lt3A : i32
      %convert_element_type3A = arith.extui %lt3A_85 : i1 to i32
      %cond3A = arith.constant 0 : i32
      %cond3A_86 = arith.cmpi ne, %convert_element_type3A, %cond3A : i32
      scf.if %cond3A_86 {
        %add3A_104 = arith.constant 0 : i32
        %add3A_105 = arith.addi %mul3A_73, %add3A_104 : i32
        %add3A_106 = arith.constant 2 : i32
        %add3A_107 = arith.addi %add3A_105, %add3A_106 : i32
        %dma_start3A_108 = arith.constant 0 : i32
        %dma_start3A_109 = tpu.memref_slice %arg7[%add3A_107, %dma_start3A_108] : memref<40x128xi32, #tpu.memory_space<vmem>> -> memref<1x128xi32, #tpu.memory_space<vmem>>
        %dma_start3A_110 = tpu.memref_squeeze %dma_start3A_109 : memref<1x128xi32, #tpu.memory_space<vmem>> -> memref<128xi32, #tpu.memory_space<vmem>>
        %dma_start3A_111 = arith.constant 0 : i32
        %dma_start3A_112 = arith.constant 0 : i32
        %dma_start3A_113 = tpu.memref_slice %arg2[%dma_start3A_111, %dma_start3A_112] : memref<10000x128xf32, #tpu.memory_space<hbm>> -> memref<10000x128xf32, #tpu.memory_space<hbm>>
        tpu.enqueue_indirect_dma source(%dma_start3A_113 : memref<10000x128xf32, #tpu.memory_space<hbm>>) target(%arg9 : memref<128x128xf32, #tpu.memory_space<vmem>>) offsets(%dma_start3A_110 : memref<128xi32, #tpu.memory_space<vmem>>) semaphore(%arg11 : memref<!tpu.dma_semaphore, #tpu.memory_space<semaphore_mem>>)
      } else {
      }
      %dma_wait3A_87 = arith.constant 0 : i32
      %dma_wait3A_88 = arith.constant 0 : i32
      %dma_wait3A_89 = tpu.memref_slice %arg2[%dma_wait3A_87, %dma_wait3A_88] : memref<10000x128xf32, #tpu.memory_space<hbm>> -> memref<128x128xf32, #tpu.memory_space<hbm>>
      %dma_wait3A_90 = arith.constant 0 : i32
      %dma_wait3A_91 = arith.constant 0 : i32
      %dma_wait3A_92 = tpu.memref_slice %arg2[%dma_wait3A_90, %dma_wait3A_91] : memref<10000x128xf32, #tpu.memory_space<hbm>> -> memref<128x128xf32, #tpu.memory_space<hbm>>
      tpu.wait_dma2 semaphore(%arg12 : memref<!tpu.dma_semaphore, #tpu.memory_space<semaphore_mem>>) src(%dma_wait3A_92 : memref<128x128xf32, #tpu.memory_space<hbm>>) dst(%arg10 : memref<128x128xf32, #tpu.memory_space<vmem>>)
      %add3A_93 = arith.constant 1 : i32
      %add3A_94 = arith.addi %mul3A_73, %add3A_93 : i32
      "tpu.region"() ({
        %run_scoped3A = tpu.sem_alloc : memref<!tpu.dma_semaphore, #tpu.memory_space<semaphore_mem>>
        %dma_start3A_104 = arith.constant 0 : i32
        %dma_start3A_105 = tpu.memref_slice %arg8[%add3A_94, %dma_start3A_104] : memref<40x128xi32, #tpu.memory_space<vmem>> -> memref<1x128xi32, #tpu.memory_space<vmem>>
        %dma_start3A_106 = tpu.memref_squeeze %dma_start3A_105 : memref<1x128xi32, #tpu.memory_space<vmem>> -> memref<128xi32, #tpu.memory_space<vmem>>
        %dma_start3A_107 = arith.constant 0 : i32
        %dma_start3A_108 = arith.constant 0 : i32
        %dma_start3A_109 = tpu.memref_slice %arg6[%dma_start3A_107, %dma_start3A_108] : memref<10240x128xf32, #tpu.memory_space<vmem_shared>> -> memref<10240x128xf32, #tpu.memory_space<vmem_shared>>
        tpu.enqueue_indirect_dma source(%arg10 : memref<128x128xf32, #tpu.memory_space<vmem>>) target(%dma_start3A_109 : memref<10240x128xf32, #tpu.memory_space<vmem_shared>>) offsets(%dma_start3A_106 : memref<128xi32, #tpu.memory_space<vmem>>) semaphore(%run_scoped3A : memref<!tpu.dma_semaphore, #tpu.memory_space<semaphore_mem>>) {add = true}
        %dma_wait3A_110 = arith.constant 0 : i32
        %dma_wait3A_111 = tpu.memref_slice %arg8[%add3A_94, %dma_wait3A_110] : memref<40x128xi32, #tpu.memory_space<vmem>> -> memref<1x128xi32, #tpu.memory_space<vmem>>
        %dma_wait3A_112 = tpu.memref_squeeze %dma_wait3A_111 : memref<1x128xi32, #tpu.memory_space<vmem>> -> memref<128xi32, #tpu.memory_space<vmem>>
        %dma_wait3A_113 = arith.constant 0 : i32
        %dma_wait3A_114 = arith.constant 0 : i32
        %dma_wait3A_115 = tpu.memref_slice %arg6[%dma_wait3A_113, %dma_wait3A_114] : memref<10240x128xf32, #tpu.memory_space<vmem_shared>> -> memref<10240x128xf32, #tpu.memory_space<vmem_shared>>
        tpu.wait_indirect_dma semaphore(%run_scoped3A : memref<!tpu.dma_semaphore, #tpu.memory_space<semaphore_mem>>) src(%arg10 : memref<128x128xf32, #tpu.memory_space<vmem>>) dst(%dma_wait3A_115 : memref<10240x128xf32, #tpu.memory_space<vmem_shared>>)
        tpu.yield
      }) : () -> ()
      %add3A_95 = arith.constant 1 : i32
      %add3A_96 = arith.addi %mul3A_73, %add3A_95 : i32
      %add3A_97 = arith.constant 2 : i32
      %add3A_98 = arith.addi %add3A_96, %add3A_97 : i32
      %lt3A_99 = arith.constant 40 : i32
      %lt3A_100 = arith.cmpi slt, %add3A_98, %lt3A_99 : i32
      %convert_element_type3A_101 = arith.extui %lt3A_100 : i1 to i32
      %cond3A_102 = arith.constant 0 : i32
      %cond3A_103 = arith.cmpi ne, %convert_element_type3A_101, %cond3A_102 : i32
      scf.if %cond3A_103 {
        %add3A_104 = arith.constant 1 : i32
        %add3A_105 = arith.addi %mul3A_73, %add3A_104 : i32
        %add3A_106 = arith.constant 2 : i32
        %add3A_107 = arith.addi %add3A_105, %add3A_106 : i32
        %dma_start3A_108 = arith.constant 0 : i32
        %dma_start3A_109 = tpu.memref_slice %arg7[%add3A_107, %dma_start3A_108] : memref<40x128xi32, #tpu.memory_space<vmem>> -> memref<1x128xi32, #tpu.memory_space<vmem>>
        %dma_start3A_110 = tpu.memref_squeeze %dma_start3A_109 : memref<1x128xi32, #tpu.memory_space<vmem>> -> memref<128xi32, #tpu.memory_space<vmem>>
        %dma_start3A_111 = arith.constant 0 : i32
        %dma_start3A_112 = arith.constant 0 : i32
        %dma_start3A_113 = tpu.memref_slice %arg2[%dma_start3A_111, %dma_start3A_112] : memref<10000x128xf32, #tpu.memory_space<hbm>> -> memref<10000x128xf32, #tpu.memory_space<hbm>>
        tpu.enqueue_indirect_dma source(%dma_start3A_113 : memref<10000x128xf32, #tpu.memory_space<hbm>>) target(%arg10 : memref<128x128xf32, #tpu.memory_space<vmem>>) offsets(%dma_start3A_110 : memref<128xi32, #tpu.memory_space<vmem>>) semaphore(%arg12 : memref<!tpu.dma_semaphore, #tpu.memory_space<semaphore_mem>>)
      } else {
      }
    }
    %scan3A_45 = arith.constant 20 : i32
    "tpu.region"() ({
      %run_scoped3A = tpu.sem_alloc : memref<!tpu.dma_semaphore, #tpu.memory_space<semaphore_mem>>
      %dma_start3A_71 = arith.constant 0 : i32
      %dma_start3A_72 = arith.constant 0 : i32
      %dma_start3A_73 = tpu.memref_slice %arg3[%add3A, %dma_start3A_71, %dma_start3A_72] : memref<32x80x128xi32, #tpu.memory_space<hbm>> -> memref<1x80x128xi32, #tpu.memory_space<hbm>>
      %dma_start3A_74 = tpu.memref_squeeze %dma_start3A_73 : memref<1x80x128xi32, #tpu.memory_space<hbm>> -> memref<80x128xi32, #tpu.memory_space<hbm>>
      %dma_start3A_75 = arith.constant 40 : i32
      %dma_start3A_76 = arith.constant 0 : i32
      %dma_start3A_77 = tpu.memref_slice %dma_start3A_74[%dma_start3A_75, %dma_start3A_76] : memref<80x128xi32, #tpu.memory_space<hbm>> -> memref<40x128xi32, #tpu.memory_space<hbm>>
      %dma_start3A_78 = arith.constant 0 : i32
      %dma_start3A_79 = arith.constant 0 : i32
      %dma_start3A_80 = tpu.memref_slice %arg3[%add3A, %dma_start3A_78, %dma_start3A_79] : memref<32x80x128xi32, #tpu.memory_space<hbm>> -> memref<1x80x128xi32, #tpu.memory_space<hbm>>
      %dma_start3A_81 = tpu.memref_squeeze %dma_start3A_80 : memref<1x80x128xi32, #tpu.memory_space<hbm>> -> memref<80x128xi32, #tpu.memory_space<hbm>>
      %dma_start3A_82 = arith.constant 40 : i32
      %dma_start3A_83 = arith.constant 0 : i32
      %dma_start3A_84 = tpu.memref_slice %dma_start3A_81[%dma_start3A_82, %dma_start3A_83] : memref<80x128xi32, #tpu.memory_space<hbm>> -> memref<40x128xi32, #tpu.memory_space<hbm>>
      tpu.enqueue_dma source(%dma_start3A_84 : memref<40x128xi32, #tpu.memory_space<hbm>>) target(%arg7 : memref<40x128xi32, #tpu.memory_space<vmem>>) target_semaphore(%run_scoped3A : memref<!tpu.dma_semaphore, #tpu.memory_space<semaphore_mem>>)
      %dma_wait3A = arith.constant 0 : i32
      %dma_wait3A_85 = arith.constant 0 : i32
      %dma_wait3A_86 = tpu.memref_slice %arg3[%add3A, %dma_wait3A, %dma_wait3A_85] : memref<32x80x128xi32, #tpu.memory_space<hbm>> -> memref<1x80x128xi32, #tpu.memory_space<hbm>>
      %dma_wait3A_87 = tpu.memref_squeeze %dma_wait3A_86 : memref<1x80x128xi32, #tpu.memory_space<hbm>> -> memref<80x128xi32, #tpu.memory_space<hbm>>
      %dma_wait3A_88 = arith.constant 40 : i32
      %dma_wait3A_89 = arith.constant 0 : i32
      %dma_wait3A_90 = tpu.memref_slice %dma_wait3A_87[%dma_wait3A_88, %dma_wait3A_89] : memref<80x128xi32, #tpu.memory_space<hbm>> -> memref<40x128xi32, #tpu.memory_space<hbm>>
      %dma_wait3A_91 = arith.constant 0 : i32
      %dma_wait3A_92 = arith.constant 0 : i32
      %dma_wait3A_93 = tpu.memref_slice %arg3[%add3A, %dma_wait3A_91, %dma_wait3A_92] : memref<32x80x128xi32, #tpu.memory_space<hbm>> -> memref<1x80x128xi32, #tpu.memory_space<hbm>>
      %dma_wait3A_94 = tpu.memref_squeeze %dma_wait3A_93 : memref<1x80x128xi32, #tpu.memory_space<hbm>> -> memref<80x128xi32, #tpu.memory_space<hbm>>
      %dma_wait3A_95 = arith.constant 40 : i32
      %dma_wait3A_96 = arith.constant 0 : i32
      %dma_wait3A_97 = tpu.memref_slice %dma_wait3A_94[%dma_wait3A_95, %dma_wait3A_96] : memref<80x128xi32, #tpu.memory_space<hbm>> -> memref<40x128xi32, #tpu.memory_space<hbm>>
      tpu.wait_dma2 semaphore(%run_scoped3A : memref<!tpu.dma_semaphore, #tpu.memory_space<semaphore_mem>>) src(%dma_wait3A_97 : memref<40x128xi32, #tpu.memory_space<hbm>>) dst(%arg7 : memref<40x128xi32, #tpu.memory_space<vmem>>)
      tpu.yield
    }) : () -> ()
    "tpu.region"() ({
      %run_scoped3A = tpu.sem_alloc : memref<!tpu.dma_semaphore, #tpu.memory_space<semaphore_mem>>
      %dma_start3A_71 = arith.constant 0 : i32
      %dma_start3A_72 = arith.constant 0 : i32
      %dma_start3A_73 = tpu.memref_slice %arg4[%add3A, %dma_start3A_71, %dma_start3A_72] : memref<32x80x128xi32, #tpu.memory_space<hbm>> -> memref<1x80x128xi32, #tpu.memory_space<hbm>>
      %dma_start3A_74 = tpu.memref_squeeze %dma_start3A_73 : memref<1x80x128xi32, #tpu.memory_space<hbm>> -> memref<80x128xi32, #tpu.memory_space<hbm>>
      %dma_start3A_75 = arith.constant 40 : i32
      %dma_start3A_76 = arith.constant 0 : i32
      %dma_start3A_77 = tpu.memref_slice %dma_start3A_74[%dma_start3A_75, %dma_start3A_76] : memref<80x128xi32, #tpu.memory_space<hbm>> -> memref<40x128xi32, #tpu.memory_space<hbm>>
      %dma_start3A_78 = arith.constant 0 : i32
      %dma_start3A_79 = arith.constant 0 : i32
      %dma_start3A_80 = tpu.memref_slice %arg4[%add3A, %dma_start3A_78, %dma_start3A_79] : memref<32x80x128xi32, #tpu.memory_space<hbm>> -> memref<1x80x128xi32, #tpu.memory_space<hbm>>
      %dma_start3A_81 = tpu.memref_squeeze %dma_start3A_80 : memref<1x80x128xi32, #tpu.memory_space<hbm>> -> memref<80x128xi32, #tpu.memory_space<hbm>>
      %dma_start3A_82 = arith.constant 40 : i32
      %dma_start3A_83 = arith.constant 0 : i32
      %dma_start3A_84 = tpu.memref_slice %dma_start3A_81[%dma_start3A_82, %dma_start3A_83] : memref<80x128xi32, #tpu.memory_space<hbm>> -> memref<40x128xi32, #tpu.memory_space<hbm>>
      tpu.enqueue_dma source(%dma_start3A_84 : memref<40x128xi32, #tpu.memory_space<hbm>>) target(%arg8 : memref<40x128xi32, #tpu.memory_space<vmem>>) target_semaphore(%run_scoped3A : memref<!tpu.dma_semaphore, #tpu.memory_space<semaphore_mem>>)
      %dma_wait3A = arith.constant 0 : i32
      %dma_wait3A_85 = arith.constant 0 : i32
      %dma_wait3A_86 = tpu.memref_slice %arg4[%add3A, %dma_wait3A, %dma_wait3A_85] : memref<32x80x128xi32, #tpu.memory_space<hbm>> -> memref<1x80x128xi32, #tpu.memory_space<hbm>>
      %dma_wait3A_87 = tpu.memref_squeeze %dma_wait3A_86 : memref<1x80x128xi32, #tpu.memory_space<hbm>> -> memref<80x128xi32, #tpu.memory_space<hbm>>
      %dma_wait3A_88 = arith.constant 40 : i32
      %dma_wait3A_89 = arith.constant 0 : i32
      %dma_wait3A_90 = tpu.memref_slice %dma_wait3A_87[%dma_wait3A_88, %dma_wait3A_89] : memref<80x128xi32, #tpu.memory_space<hbm>> -> memref<40x128xi32, #tpu.memory_space<hbm>>
      %dma_wait3A_91 = arith.constant 0 : i32
      %dma_wait3A_92 = arith.constant 0 : i32
      %dma_wait3A_93 = tpu.memref_slice %arg4[%add3A, %dma_wait3A_91, %dma_wait3A_92] : memref<32x80x128xi32, #tpu.memory_space<hbm>> -> memref<1x80x128xi32, #tpu.memory_space<hbm>>
      %dma_wait3A_94 = tpu.memref_squeeze %dma_wait3A_93 : memref<1x80x128xi32, #tpu.memory_space<hbm>> -> memref<80x128xi32, #tpu.memory_space<hbm>>
      %dma_wait3A_95 = arith.constant 40 : i32
      %dma_wait3A_96 = arith.constant 0 : i32
      %dma_wait3A_97 = tpu.memref_slice %dma_wait3A_94[%dma_wait3A_95, %dma_wait3A_96] : memref<80x128xi32, #tpu.memory_space<hbm>> -> memref<40x128xi32, #tpu.memory_space<hbm>>
      tpu.wait_dma2 semaphore(%run_scoped3A : memref<!tpu.dma_semaphore, #tpu.memory_space<semaphore_mem>>) src(%dma_wait3A_97 : memref<40x128xi32, #tpu.memory_space<hbm>>) dst(%arg8 : memref<40x128xi32, #tpu.memory_space<vmem>>)
      tpu.yield
    }) : () -> ()
    %dma_start3A_46 = arith.constant 0 : i32
    %dma_start3A_47 = arith.constant 0 : i32
    %dma_start3A_48 = tpu.memref_slice %arg7[%dma_start3A_46, %dma_start3A_47] : memref<40x128xi32, #tpu.memory_space<vmem>> -> memref<1x128xi32, #tpu.memory_space<vmem>>
    %dma_start3A_49 = tpu.memref_squeeze %dma_start3A_48 : memref<1x128xi32, #tpu.memory_space<vmem>> -> memref<128xi32, #tpu.memory_space<vmem>>
    %dma_start3A_50 = arith.constant 0 : i32
    %dma_start3A_51 = arith.constant 0 : i32
    %dma_start3A_52 = tpu.memref_slice %arg2[%dma_start3A_50, %dma_start3A_51] : memref<10000x128xf32, #tpu.memory_space<hbm>> -> memref<10000x128xf32, #tpu.memory_space<hbm>>
    tpu.enqueue_indirect_dma source(%dma_start3A_52 : memref<10000x128xf32, #tpu.memory_space<hbm>>) target(%arg9 : memref<128x128xf32, #tpu.memory_space<vmem>>) offsets(%dma_start3A_49 : memref<128xi32, #tpu.memory_space<vmem>>) semaphore(%arg11 : memref<!tpu.dma_semaphore, #tpu.memory_space<semaphore_mem>>)
    %dma_start3A_53 = arith.constant 1 : i32
    %dma_start3A_54 = arith.constant 0 : i32
    %dma_start3A_55 = tpu.memref_slice %arg7[%dma_start3A_53, %dma_start3A_54] : memref<40x128xi32, #tpu.memory_space<vmem>> -> memref<1x128xi32, #tpu.memory_space<vmem>>
    %dma_start3A_56 = tpu.memref_squeeze %dma_start3A_55 : memref<1x128xi32, #tpu.memory_space<vmem>> -> memref<128xi32, #tpu.memory_space<vmem>>
    %dma_start3A_57 = arith.constant 0 : i32
    %dma_start3A_58 = arith.constant 0 : i32
    %dma_start3A_59 = tpu.memref_slice %arg2[%dma_start3A_57, %dma_start3A_58] : memref<10000x128xf32, #tpu.memory_space<hbm>> -> memref<10000x128xf32, #tpu.memory_space<hbm>>
    tpu.enqueue_indirect_dma source(%dma_start3A_59 : memref<10000x128xf32, #tpu.memory_space<hbm>>) target(%arg10 : memref<128x128xf32, #tpu.memory_space<vmem>>) offsets(%dma_start3A_56 : memref<128xi32, #tpu.memory_space<vmem>>) semaphore(%arg12 : memref<!tpu.dma_semaphore, #tpu.memory_space<semaphore_mem>>)
    %scan3A_60 = arith.constant 0 : i32
    %scan3A_61 = arith.constant 0 : i32
    %scan3A_62 = arith.constant 20 : i32
    %scan3A_63 = arith.addi %scan3A_61, %scan3A_62 : i32
    %scan3A_64 = arith.constant 1 : i32
    scf.for %scan3A_71 = %scan3A_61 to %scan3A_63 step %scan3A_64  : i32 {
      %mul3A_72 = arith.constant 2 : i32
      %mul3A_73 = arith.muli %scan3A_71, %mul3A_72 : i32
      %dma_wait3A = arith.constant 0 : i32
      %dma_wait3A_74 = arith.constant 0 : i32
      %dma_wait3A_75 = tpu.memref_slice %arg2[%dma_wait3A, %dma_wait3A_74] : memref<10000x128xf32, #tpu.memory_space<hbm>> -> memref<128x128xf32, #tpu.memory_space<hbm>>
      %dma_wait3A_76 = arith.constant 0 : i32
      %dma_wait3A_77 = arith.constant 0 : i32
      %dma_wait3A_78 = tpu.memref_slice %arg2[%dma_wait3A_76, %dma_wait3A_77] : memref<10000x128xf32, #tpu.memory_space<hbm>> -> memref<128x128xf32, #tpu.memory_space<hbm>>
      tpu.wait_dma2 semaphore(%arg11 : memref<!tpu.dma_semaphore, #tpu.memory_space<semaphore_mem>>) src(%dma_wait3A_78 : memref<128x128xf32, #tpu.memory_space<hbm>>) dst(%arg9 : memref<128x128xf32, #tpu.memory_space<vmem>>)
      %add3A_79 = arith.constant 0 : i32
      %add3A_80 = arith.addi %mul3A_73, %add3A_79 : i32
      "tpu.region"() ({
        %run_scoped3A = tpu.sem_alloc : memref<!tpu.dma_semaphore, #tpu.memory_space<semaphore_mem>>
        %dma_start3A_104 = arith.constant 0 : i32
        %dma_start3A_105 = tpu.memref_slice %arg8[%add3A_80, %dma_start3A_104] : memref<40x128xi32, #tpu.memory_space<vmem>> -> memref<1x128xi32, #tpu.memory_space<vmem>>
        %dma_start3A_106 = tpu.memref_squeeze %dma_start3A_105 : memref<1x128xi32, #tpu.memory_space<vmem>> -> memref<128xi32, #tpu.memory_space<vmem>>
        %dma_start3A_107 = arith.constant 0 : i32
        %dma_start3A_108 = arith.constant 0 : i32
        %dma_start3A_109 = tpu.memref_slice %arg6[%dma_start3A_107, %dma_start3A_108] : memref<10240x128xf32, #tpu.memory_space<vmem_shared>> -> memref<10240x128xf32, #tpu.memory_space<vmem_shared>>
        tpu.enqueue_indirect_dma source(%arg9 : memref<128x128xf32, #tpu.memory_space<vmem>>) target(%dma_start3A_109 : memref<10240x128xf32, #tpu.memory_space<vmem_shared>>) offsets(%dma_start3A_106 : memref<128xi32, #tpu.memory_space<vmem>>) semaphore(%run_scoped3A : memref<!tpu.dma_semaphore, #tpu.memory_space<semaphore_mem>>) {add = true}
        %dma_wait3A_110 = arith.constant 0 : i32
        %dma_wait3A_111 = tpu.memref_slice %arg8[%add3A_80, %dma_wait3A_110] : memref<40x128xi32, #tpu.memory_space<vmem>> -> memref<1x128xi32, #tpu.memory_space<vmem>>
        %dma_wait3A_112 = tpu.memref_squeeze %dma_wait3A_111 : memref<1x128xi32, #tpu.memory_space<vmem>> -> memref<128xi32, #tpu.memory_space<vmem>>
        %dma_wait3A_113 = arith.constant 0 : i32
        %dma_wait3A_114 = arith.constant 0 : i32
        %dma_wait3A_115 = tpu.memref_slice %arg6[%dma_wait3A_113, %dma_wait3A_114] : memref<10240x128xf32, #tpu.memory_space<vmem_shared>> -> memref<10240x128xf32, #tpu.memory_space<vmem_shared>>
        tpu.wait_indirect_dma semaphore(%run_scoped3A : memref<!tpu.dma_semaphore, #tpu.memory_space<semaphore_mem>>) src(%arg9 : memref<128x128xf32, #tpu.memory_space<vmem>>) dst(%dma_wait3A_115 : memref<10240x128xf32, #tpu.memory_space<vmem_shared>>)
        tpu.yield
      }) : () -> ()
      %add3A_81 = arith.constant 0 : i32
      %add3A_82 = arith.addi %mul3A_73, %add3A_81 : i32
      %add3A_83 = arith.constant 2 : i32
      %add3A_84 = arith.addi %add3A_82, %add3A_83 : i32
      %lt3A = arith.constant 40 : i32
      %lt3A_85 = arith.cmpi slt, %add3A_84, %lt3A : i32
      %convert_element_type3A = arith.extui %lt3A_85 : i1 to i32
      %cond3A = arith.constant 0 : i32
      %cond3A_86 = arith.cmpi ne, %convert_element_type3A, %cond3A : i32
      scf.if %cond3A_86 {
        %add3A_104 = arith.constant 0 : i32
        %add3A_105 = arith.addi %mul3A_73, %add3A_104 : i32
        %add3A_106 = arith.constant 2 : i32
        %add3A_107 = arith.addi %add3A_105, %add3A_106 : i32
        %dma_start3A_108 = arith.constant 0 : i32
        %dma_start3A_109 = tpu.memref_slice %arg7[%add3A_107, %dma_start3A_108] : memref<40x128xi32, #tpu.memory_space<vmem>> -> memref<1x128xi32, #tpu.memory_space<vmem>>
        %dma_start3A_110 = tpu.memref_squeeze %dma_start3A_109 : memref<1x128xi32, #tpu.memory_space<vmem>> -> memref<128xi32, #tpu.memory_space<vmem>>
        %dma_start3A_111 = arith.constant 0 : i32
        %dma_start3A_112 = arith.constant 0 : i32
        %dma_start3A_113 = tpu.memref_slice %arg2[%dma_start3A_111, %dma_start3A_112] : memref<10000x128xf32, #tpu.memory_space<hbm>> -> memref<10000x128xf32, #tpu.memory_space<hbm>>
        tpu.enqueue_indirect_dma source(%dma_start3A_113 : memref<10000x128xf32, #tpu.memory_space<hbm>>) target(%arg9 : memref<128x128xf32, #tpu.memory_space<vmem>>) offsets(%dma_start3A_110 : memref<128xi32, #tpu.memory_space<vmem>>) semaphore(%arg11 : memref<!tpu.dma_semaphore, #tpu.memory_space<semaphore_mem>>)
      } else {
      }
      %dma_wait3A_87 = arith.constant 0 : i32
      %dma_wait3A_88 = arith.constant 0 : i32
      %dma_wait3A_89 = tpu.memref_slice %arg2[%dma_wait3A_87, %dma_wait3A_88] : memref<10000x128xf32, #tpu.memory_space<hbm>> -> memref<128x128xf32, #tpu.memory_space<hbm>>
      %dma_wait3A_90 = arith.constant 0 : i32
      %dma_wait3A_91 = arith.constant 0 : i32
      %dma_wait3A_92 = tpu.memref_slice %arg2[%dma_wait3A_90, %dma_wait3A_91] : memref<10000x128xf32, #tpu.memory_space<hbm>> -> memref<128x128xf32, #tpu.memory_space<hbm>>
      tpu.wait_dma2 semaphore(%arg12 : memref<!tpu.dma_semaphore, #tpu.memory_space<semaphore_mem>>) src(%dma_wait3A_92 : memref<128x128xf32, #tpu.memory_space<hbm>>) dst(%arg10 : memref<128x128xf32, #tpu.memory_space<vmem>>)
      %add3A_93 = arith.constant 1 : i32
      %add3A_94 = arith.addi %mul3A_73, %add3A_93 : i32
      "tpu.region"() ({
        %run_scoped3A = tpu.sem_alloc : memref<!tpu.dma_semaphore, #tpu.memory_space<semaphore_mem>>
        %dma_start3A_104 = arith.constant 0 : i32
        %dma_start3A_105 = tpu.memref_slice %arg8[%add3A_94, %dma_start3A_104] : memref<40x128xi32, #tpu.memory_space<vmem>> -> memref<1x128xi32, #tpu.memory_space<vmem>>
        %dma_start3A_106 = tpu.memref_squeeze %dma_start3A_105 : memref<1x128xi32, #tpu.memory_space<vmem>> -> memref<128xi32, #tpu.memory_space<vmem>>
        %dma_start3A_107 = arith.constant 0 : i32
        %dma_start3A_108 = arith.constant 0 : i32
        %dma_start3A_109 = tpu.memref_slice %arg6[%dma_start3A_107, %dma_start3A_108] : memref<10240x128xf32, #tpu.memory_space<vmem_shared>> -> memref<10240x128xf32, #tpu.memory_space<vmem_shared>>
        tpu.enqueue_indirect_dma source(%arg10 : memref<128x128xf32, #tpu.memory_space<vmem>>) target(%dma_start3A_109 : memref<10240x128xf32, #tpu.memory_space<vmem_shared>>) offsets(%dma_start3A_106 : memref<128xi32, #tpu.memory_space<vmem>>) semaphore(%run_scoped3A : memref<!tpu.dma_semaphore, #tpu.memory_space<semaphore_mem>>) {add = true}
        %dma_wait3A_110 = arith.constant 0 : i32
        %dma_wait3A_111 = tpu.memref_slice %arg8[%add3A_94, %dma_wait3A_110] : memref<40x128xi32, #tpu.memory_space<vmem>> -> memref<1x128xi32, #tpu.memory_space<vmem>>
        %dma_wait3A_112 = tpu.memref_squeeze %dma_wait3A_111 : memref<1x128xi32, #tpu.memory_space<vmem>> -> memref<128xi32, #tpu.memory_space<vmem>>
        %dma_wait3A_113 = arith.constant 0 : i32
        %dma_wait3A_114 = arith.constant 0 : i32
        %dma_wait3A_115 = tpu.memref_slice %arg6[%dma_wait3A_113, %dma_wait3A_114] : memref<10240x128xf32, #tpu.memory_space<vmem_shared>> -> memref<10240x128xf32, #tpu.memory_space<vmem_shared>>
        tpu.wait_indirect_dma semaphore(%run_scoped3A : memref<!tpu.dma_semaphore, #tpu.memory_space<semaphore_mem>>) src(%arg10 : memref<128x128xf32, #tpu.memory_space<vmem>>) dst(%dma_wait3A_115 : memref<10240x128xf32, #tpu.memory_space<vmem_shared>>)
        tpu.yield
      }) : () -> ()
      %add3A_95 = arith.constant 1 : i32
      %add3A_96 = arith.addi %mul3A_73, %add3A_95 : i32
      %add3A_97 = arith.constant 2 : i32
      %add3A_98 = arith.addi %add3A_96, %add3A_97 : i32
      %lt3A_99 = arith.constant 40 : i32
      %lt3A_100 = arith.cmpi slt, %add3A_98, %lt3A_99 : i32
      %convert_element_type3A_101 = arith.extui %lt3A_100 : i1 to i32
      %cond3A_102 = arith.constant 0 : i32
      %cond3A_103 = arith.cmpi ne, %convert_element_type3A_101, %cond3A_102 : i32
      scf.if %cond3A_103 {
        %add3A_104 = arith.constant 1 : i32
        %add3A_105 = arith.addi %mul3A_73, %add3A_104 : i32
        %add3A_106 = arith.constant 2 : i32
        %add3A_107 = arith.addi %add3A_105, %add3A_106 : i32
        %dma_start3A_108 = arith.constant 0 : i32
        %dma_start3A_109 = tpu.memref_slice %arg7[%add3A_107, %dma_start3A_108] : memref<40x128xi32, #tpu.memory_space<vmem>> -> memref<1x128xi32, #tpu.memory_space<vmem>>
        %dma_start3A_110 = tpu.memref_squeeze %dma_start3A_109 : memref<1x128xi32, #tpu.memory_space<vmem>> -> memref<128xi32, #tpu.memory_space<vmem>>
        %dma_start3A_111 = arith.constant 0 : i32
        %dma_start3A_112 = arith.constant 0 : i32
        %dma_start3A_113 = tpu.memref_slice %arg2[%dma_start3A_111, %dma_start3A_112] : memref<10000x128xf32, #tpu.memory_space<hbm>> -> memref<10000x128xf32, #tpu.memory_space<hbm>>
        tpu.enqueue_indirect_dma source(%dma_start3A_113 : memref<10000x128xf32, #tpu.memory_space<hbm>>) target(%arg10 : memref<128x128xf32, #tpu.memory_space<vmem>>) offsets(%dma_start3A_110 : memref<128xi32, #tpu.memory_space<vmem>>) semaphore(%arg12 : memref<!tpu.dma_semaphore, #tpu.memory_space<semaphore_mem>>)
      } else {
      }
    }
    %scan3A_65 = arith.constant 20 : i32
    %barrier3A_66 = arith.constant 0 : index
    tpu.barrier barrier_id(%barrier3A_66)
    %mul3A_67 = arith.constant 640 : i32
    %mul3A_68 = arith.muli %arg1, %mul3A_67 : i32
    %mul3A_69 = arith.constant 640 : i32
    %mul3A_70 = arith.muli %arg1, %mul3A_69 : i32
    "tpu.region"() ({
      %run_scoped3A = tpu.sem_alloc : memref<!tpu.dma_semaphore, #tpu.memory_space<semaphore_mem>>
      %dma_start3A_71 = arith.constant 0 : i32
      %dma_start3A_72 = arith.constant 0 : i32
      %dma_start3A_73 = tpu.memref_slice %arg5[%arg0, %dma_start3A_71, %dma_start3A_72] : memref<2x10240x128xf32, #tpu.memory_space<hbm>> -> memref<1x10240x128xf32, #tpu.memory_space<hbm>>
      %dma_start3A_74 = tpu.memref_squeeze %dma_start3A_73 : memref<1x10240x128xf32, #tpu.memory_space<hbm>> -> memref<10240x128xf32, #tpu.memory_space<hbm>>
      %dma_start3A_75 = arith.constant 0 : i32
      %dma_start3A_76 = tpu.memref_slice %dma_start3A_74[%mul3A_70, %dma_start3A_75] : memref<10240x128xf32, #tpu.memory_space<hbm>> -> memref<640x128xf32, #tpu.memory_space<hbm>>
      %dma_start3A_77 = arith.constant 0 : i32
      %dma_start3A_78 = tpu.memref_slice %arg6[%mul3A_68, %dma_start3A_77] : memref<10240x128xf32, #tpu.memory_space<vmem_shared>> -> memref<640x128xf32, #tpu.memory_space<vmem_shared>>
      tpu.enqueue_dma source(%dma_start3A_78 : memref<640x128xf32, #tpu.memory_space<vmem_shared>>) target(%dma_start3A_76 : memref<640x128xf32, #tpu.memory_space<hbm>>) target_semaphore(%run_scoped3A : memref<!tpu.dma_semaphore, #tpu.memory_space<semaphore_mem>>)
      %dma_wait3A = arith.constant 0 : i32
      %dma_wait3A_79 = arith.constant 0 : i32
      %dma_wait3A_80 = tpu.memref_slice %arg5[%arg0, %dma_wait3A, %dma_wait3A_79] : memref<2x10240x128xf32, #tpu.memory_space<hbm>> -> memref<1x10240x128xf32, #tpu.memory_space<hbm>>
      %dma_wait3A_81 = tpu.memref_squeeze %dma_wait3A_80 : memref<1x10240x128xf32, #tpu.memory_space<hbm>> -> memref<10240x128xf32, #tpu.memory_space<hbm>>
      %dma_wait3A_82 = arith.constant 0 : i32
      %dma_wait3A_83 = tpu.memref_slice %dma_wait3A_81[%mul3A_70, %dma_wait3A_82] : memref<10240x128xf32, #tpu.memory_space<hbm>> -> memref<640x128xf32, #tpu.memory_space<hbm>>
      %dma_wait3A_84 = arith.constant 0 : i32
      %dma_wait3A_85 = tpu.memref_slice %arg6[%mul3A_68, %dma_wait3A_84] : memref<10240x128xf32, #tpu.memory_space<vmem_shared>> -> memref<640x128xf32, #tpu.memory_space<vmem_shared>>
      tpu.wait_dma2 semaphore(%run_scoped3A : memref<!tpu.dma_semaphore, #tpu.memory_space<semaphore_mem>>) src(%dma_wait3A_85 : memref<640x128xf32, #tpu.memory_space<vmem_shared>>) dst(%dma_wait3A_83 : memref<640x128xf32, #tpu.memory_space<hbm>>)
      tpu.yield
    }) : () -> ()
    return
  }
}

#map = affine_map<(d0, d1) -> (0, 0)>
#map1 = affine_map<(d0, d1) -> (0, 0, 0)>
module attributes {stable_mosaic.version = 14 : i64} {
  func.func @_sc_segsum(%arg0: i32, %arg1: i32, %arg2: memref<10000x128xf32, #tpu.memory_space<hbm>>, %arg3: memref<32x80x128xi32, #tpu.memory_space<hbm>>, %arg4: memref<32x80x128xi32, #tpu.memory_space<hbm>>, %arg5: memref<2x10240x128xf32, #tpu.memory_space<hbm>>, %arg6: memref<10240x128xf32, #tpu.memory_space<vmem_shared>>, %arg7: memref<40x128xi32, #tpu.memory_space<vmem>>, %arg8: memref<40x128xi32, #tpu.memory_space<vmem>>, %arg9: memref<128x128xf32, #tpu.memory_space<vmem>>, %arg10: memref<128x128xf32, #tpu.memory_space<vmem>>, %arg11: memref<!tpu.dma_semaphore, #tpu.memory_space<semaphore_mem>>, %arg12: memref<!tpu.dma_semaphore, #tpu.memory_space<semaphore_mem>>) attributes {dimension_semantics = [#tpu.dimension_semantics<core_parallel>, #tpu.dimension_semantics<subcore_parallel>], iteration_bounds = array<i64: 2, 16>, scalar_prefetch = 0 : i64, scratch_operands = 7 : i64, tpu.core_type = #tpu.core_type<sc_vector_subcore>, window_params = [{transform_indices = #map}, {transform_indices = #map1}, {transform_indices = #map1}, {transform_indices = #map1}]} {
    %mul3A = arith.constant 16 : i32
    %mul3A_0 = arith.muli %arg0, %mul3A : i32
    %add3A = arith.addi %mul3A_0, %arg1 : i32
    %broadcast_in_dim3A = arith.constant 0.000000e+00 : f32
    %broadcast_in_dim3A_1 = vector.broadcast %broadcast_in_dim3A : f32 to vector<16xf32>
    %scan3A = arith.constant 0 : i32
    %scan3A_2 = arith.constant 0 : i32
    %scan3A_3 = arith.constant 128 : i32
    %scan3A_4 = arith.addi %scan3A_2, %scan3A_3 : i32
    %scan3A_5 = arith.constant 1 : i32
    scf.for %scan3A_71 = %scan3A_2 to %scan3A_4 step %scan3A_5  : i32 {
      %swap3A = arith.index_cast %scan3A_71 : i32 to index
      %swap3A_72 = arith.constant 0 : index
      %swap3A_73 = tpu.vector_load %arg9[%swap3A, %swap3A_72] {strides = array<i32>} : memref<128x128xf32, #tpu.memory_space<vmem>>, vector<1x16xf32>,
      %swap3A_74 = vector.shape_cast %swap3A_73 : vector<1x16xf32> to vector<16xf32>
      %swap3A_75 = vector.shape_cast %broadcast_in_dim3A_1 : vector<16xf32> to vector<1x16xf32>
      tpu.vector_store %arg9[%swap3A, %swap3A_72], %swap3A_75 {strides = array<i32>} : memref<128x128xf32, #tpu.memory_space<vmem>>, vector<1x16xf32>,
      %swap3A_76 = arith.index_cast %scan3A_71 : i32 to index
      %swap3A_77 = arith.constant 16 : index
      %swap3A_78 = tpu.vector_load %arg9[%swap3A_76, %swap3A_77] {strides = array<i32>} : memref<128x128xf32, #tpu.memory_space<vmem>>, vector<1x16xf32>,
      %swap3A_79 = vector.shape_cast %swap3A_78 : vector<1x16xf32> to vector<16xf32>
      %swap3A_80 = vector.shape_cast %broadcast_in_dim3A_1 : vector<16xf32> to vector<1x16xf32>
      tpu.vector_store %arg9[%swap3A_76, %swap3A_77], %swap3A_80 {strides = array<i32>} : memref<128x128xf32, #tpu.memory_space<vmem>>, vector<1x16xf32>,
      %swap3A_81 = arith.index_cast %scan3A_71 : i32 to index
      %swap3A_82 = arith.constant 32 : index
      %swap3A_83 = tpu.vector_load %arg9[%swap3A_81, %swap3A_82] {strides = array<i32>} : memref<128x128xf32, #tpu.memory_space<vmem>>, vector<1x16xf32>,
      %swap3A_84 = vector.shape_cast %swap3A_83 : vector<1x16xf32> to vector<16xf32>
      %swap3A_85 = vector.shape_cast %broadcast_in_dim3A_1 : vector<16xf32> to vector<1x16xf32>
      tpu.vector_store %arg9[%swap3A_81, %swap3A_82], %swap3A_85 {strides = array<i32>} : memref<128x128xf32, #tpu.memory_space<vmem>>, vector<1x16xf32>,
      %swap3A_86 = arith.index_cast %scan3A_71 : i32 to index
      %swap3A_87 = arith.constant 48 : index
      %swap3A_88 = tpu.vector_load %arg9[%swap3A_86, %swap3A_87] {strides = array<i32>} : memref<128x128xf32, #tpu.memory_space<vmem>>, vector<1x16xf32>,
      %swap3A_89 = vector.shape_cast %swap3A_88 : vector<1x16xf32> to vector<16xf32>
      %swap3A_90 = vector.shape_cast %broadcast_in_dim3A_1 : vector<16xf32> to vector<1x16xf32>
      tpu.vector_store %arg9[%swap3A_86, %swap3A_87], %swap3A_90 {strides = array<i32>} : memref<128x128xf32, #tpu.memory_space<vmem>>, vector<1x16xf32>,
      %swap3A_91 = arith.index_cast %scan3A_71 : i32 to index
      %swap3A_92 = arith.constant 64 : index
      %swap3A_93 = tpu.vector_load %arg9[%swap3A_91, %swap3A_92] {strides = array<i32>} : memref<128x128xf32, #tpu.memory_space<vmem>>, vector<1x16xf32>,
      %swap3A_94 = vector.shape_cast %swap3A_93 : vector<1x16xf32> to vector<16xf32>
      %swap3A_95 = vector.shape_cast %broadcast_in_dim3A_1 : vector<16xf32> to vector<1x16xf32>
      tpu.vector_store %arg9[%swap3A_91, %swap3A_92], %swap3A_95 {strides = array<i32>} : memref<128x128xf32, #tpu.memory_space<vmem>>, vector<1x16xf32>,
      %swap3A_96 = arith.index_cast %scan3A_71 : i32 to index
      %swap3A_97 = arith.constant 80 : index
      %swap3A_98 = tpu.vector_load %arg9[%swap3A_96, %swap3A_97] {strides = array<i32>} : memref<128x128xf32, #tpu.memory_space<vmem>>, vector<1x16xf32>,
      %swap3A_99 = vector.shape_cast %swap3A_98 : vector<1x16xf32> to vector<16xf32>
      %swap3A_100 = vector.shape_cast %broadcast_in_dim3A_1 : vector<16xf32> to vector<1x16xf32>
      tpu.vector_store %arg9[%swap3A_96, %swap3A_97], %swap3A_100 {strides = array<i32>} : memref<128x128xf32, #tpu.memory_space<vmem>>, vector<1x16xf32>,
      %swap3A_101 = arith.index_cast %scan3A_71 : i32 to index
      %swap3A_102 = arith.constant 96 : index
      %swap3A_103 = tpu.vector_load %arg9[%swap3A_101, %swap3A_102] {strides = array<i32>} : memref<128x128xf32, #tpu.memory_space<vmem>>, vector<1x16xf32>,
      %swap3A_104 = vector.shape_cast %swap3A_103 : vector<1x16xf32> to vector<16xf32>
      %swap3A_105 = vector.shape_cast %broadcast_in_dim3A_1 : vector<16xf32> to vector<1x16xf32>
      tpu.vector_store %arg9[%swap3A_101, %swap3A_102], %swap3A_105 {strides = array<i32>} : memref<128x128xf32, #tpu.memory_space<vmem>>, vector<1x16xf32>,
      %swap3A_106 = arith.index_cast %scan3A_71 : i32 to index
      %swap3A_107 = arith.constant 112 : index
      %swap3A_108 = tpu.vector_load %arg9[%swap3A_106, %swap3A_107] {strides = array<i32>} : memref<128x128xf32, #tpu.memory_space<vmem>>, vector<1x16xf32>,
      %swap3A_109 = vector.shape_cast %swap3A_108 : vector<1x16xf32> to vector<16xf32>
      %swap3A_110 = vector.shape_cast %broadcast_in_dim3A_1 : vector<16xf32> to vector<1x16xf32>
      tpu.vector_store %arg9[%swap3A_106, %swap3A_107], %swap3A_110 {strides = array<i32>} : memref<128x128xf32, #tpu.memory_space<vmem>>, vector<1x16xf32>,
    }
    %scan3A_6 = arith.constant 128 : i32
    %mul3A_7 = arith.constant 640 : i32
    %mul3A_8 = arith.muli %arg1, %mul3A_7 : i32
    %add3A_9 = arith.constant 0 : i32
    %add3A_10 = arith.addi %mul3A_8, %add3A_9 : i32
    "tpu.region"() ({
      %run_scoped3A = tpu.sem_alloc : memref<!tpu.dma_semaphore, #tpu.memory_space<semaphore_mem>>
      %dma_start3A_71 = arith.constant 0 : i32
      %dma_start3A_72 = tpu.memref_slice %arg6[%add3A_10, %dma_start3A_71] : memref<10240x128xf32, #tpu.memory_space<vmem_shared>> -> memref<128x128xf32, #tpu.memory_space<vmem_shared>>
      %dma_start3A_73 = arith.constant 0 : i32
      %dma_start3A_74 = tpu.memref_slice %arg6[%add3A_10, %dma_start3A_73] : memref<10240x128xf32, #tpu.memory_space<vmem_shared>> -> memref<128x128xf32, #tpu.memory_space<vmem_shared>>
      tpu.enqueue_dma source(%arg9 : memref<128x128xf32, #tpu.memory_space<vmem>>) target(%dma_start3A_74 : memref<128x128xf32, #tpu.memory_space<vmem_shared>>) target_semaphore(%run_scoped3A : memref<!tpu.dma_semaphore, #tpu.memory_space<semaphore_mem>>)
      %dma_wait3A = arith.constant 0 : i32
      %dma_wait3A_75 = tpu.memref_slice %arg6[%add3A_10, %dma_wait3A] : memref<10240x128xf32, #tpu.memory_space<vmem_shared>> -> memref<128x128xf32, #tpu.memory_space<vmem_shared>>
      %dma_wait3A_76 = arith.constant 0 : i32
      %dma_wait3A_77 = tpu.memref_slice %arg6[%add3A_10, %dma_wait3A_76] : memref<10240x128xf32, #tpu.memory_space<vmem_shared>> -> memref<128x128xf32, #tpu.memory_space<vmem_shared>>
      tpu.wait_dma2 semaphore(%run_scoped3A : memref<!tpu.dma_semaphore, #tpu.memory_space<semaphore_mem>>) src(%arg9 : memref<128x128xf32, #tpu.memory_space<vmem>>) dst(%dma_wait3A_77 : memref<128x128xf32, #tpu.memory_space<vmem_shared>>)
      tpu.yield
    }) : () -> ()
    %mul3A_11 = arith.constant 640 : i32
    %mul3A_12 = arith.muli %arg1, %mul3A_11 : i32
    %add3A_13 = arith.constant 128 : i32
    %add3A_14 = arith.addi %mul3A_12, %add3A_13 : i32
    "tpu.region"() ({
      %run_scoped3A = tpu.sem_alloc : memref<!tpu.dma_semaphore, #tpu.memory_space<semaphore_mem>>
      %dma_start3A_71 = arith.constant 0 : i32
      %dma_start3A_72 = tpu.memref_slice %arg6[%add3A_14, %dma_start3A_71] : memref<10240x128xf32, #tpu.memory_space<vmem_shared>> -> memref<128x128xf32, #tpu.memory_space<vmem_shared>>
      %dma_start3A_73 = arith.constant 0 : i32
      %dma_start3A_74 = tpu.memref_slice %arg6[%add3A_14, %dma_start3A_73] : memref<10240x128xf32, #tpu.memory_space<vmem_shared>> -> memref<128x128xf32, #tpu.memory_space<vmem_shared>>
      tpu.enqueue_dma source(%arg9 : memref<128x128xf32, #tpu.memory_space<vmem>>) target(%dma_start3A_74 : memref<128x128xf32, #tpu.memory_space<vmem_shared>>) target_semaphore(%run_scoped3A : memref<!tpu.dma_semaphore, #tpu.memory_space<semaphore_mem>>)
      %dma_wait3A = arith.constant 0 : i32
      %dma_wait3A_75 = tpu.memref_slice %arg6[%add3A_14, %dma_wait3A] : memref<10240x128xf32, #tpu.memory_space<vmem_shared>> -> memref<128x128xf32, #tpu.memory_space<vmem_shared>>
      %dma_wait3A_76 = arith.constant 0 : i32
      %dma_wait3A_77 = tpu.memref_slice %arg6[%add3A_14, %dma_wait3A_76] : memref<10240x128xf32, #tpu.memory_space<vmem_shared>> -> memref<128x128xf32, #tpu.memory_space<vmem_shared>>
      tpu.wait_dma2 semaphore(%run_scoped3A : memref<!tpu.dma_semaphore, #tpu.memory_space<semaphore_mem>>) src(%arg9 : memref<128x128xf32, #tpu.memory_space<vmem>>) dst(%dma_wait3A_77 : memref<128x128xf32, #tpu.memory_space<vmem_shared>>)
      tpu.yield
    }) : () -> ()
    %mul3A_15 = arith.constant 640 : i32
    %mul3A_16 = arith.muli %arg1, %mul3A_15 : i32
    %add3A_17 = arith.constant 256 : i32
    %add3A_18 = arith.addi %mul3A_16, %add3A_17 : i32
    "tpu.region"() ({
      %run_scoped3A = tpu.sem_alloc : memref<!tpu.dma_semaphore, #tpu.memory_space<semaphore_mem>>
      %dma_start3A_71 = arith.constant 0 : i32
      %dma_start3A_72 = tpu.memref_slice %arg6[%add3A_18, %dma_start3A_71] : memref<10240x128xf32, #tpu.memory_space<vmem_shared>> -> memref<128x128xf32, #tpu.memory_space<vmem_shared>>
      %dma_start3A_73 = arith.constant 0 : i32
      %dma_start3A_74 = tpu.memref_slice %arg6[%add3A_18, %dma_start3A_73] : memref<10240x128xf32, #tpu.memory_space<vmem_shared>> -> memref<128x128xf32, #tpu.memory_space<vmem_shared>>
      tpu.enqueue_dma source(%arg9 : memref<128x128xf32, #tpu.memory_space<vmem>>) target(%dma_start3A_74 : memref<128x128xf32, #tpu.memory_space<vmem_shared>>) target_semaphore(%run_scoped3A : memref<!tpu.dma_semaphore, #tpu.memory_space<semaphore_mem>>)
      %dma_wait3A = arith.constant 0 : i32
      %dma_wait3A_75 = tpu.memref_slice %arg6[%add3A_18, %dma_wait3A] : memref<10240x128xf32, #tpu.memory_space<vmem_shared>> -> memref<128x128xf32, #tpu.memory_space<vmem_shared>>
      %dma_wait3A_76 = arith.constant 0 : i32
      %dma_wait3A_77 = tpu.memref_slice %arg6[%add3A_18, %dma_wait3A_76] : memref<10240x128xf32, #tpu.memory_space<vmem_shared>> -> memref<128x128xf32, #tpu.memory_space<vmem_shared>>
      tpu.wait_dma2 semaphore(%run_scoped3A : memref<!tpu.dma_semaphore, #tpu.memory_space<semaphore_mem>>) src(%arg9 : memref<128x128xf32, #tpu.memory_space<vmem>>) dst(%dma_wait3A_77 : memref<128x128xf32, #tpu.memory_space<vmem_shared>>)
      tpu.yield
    }) : () -> ()
    %mul3A_19 = arith.constant 640 : i32
    %mul3A_20 = arith.muli %arg1, %mul3A_19 : i32
    %add3A_21 = arith.constant 384 : i32
    %add3A_22 = arith.addi %mul3A_20, %add3A_21 : i32
    "tpu.region"() ({
      %run_scoped3A = tpu.sem_alloc : memref<!tpu.dma_semaphore, #tpu.memory_space<semaphore_mem>>
      %dma_start3A_71 = arith.constant 0 : i32
      %dma_start3A_72 = tpu.memref_slice %arg6[%add3A_22, %dma_start3A_71] : memref<10240x128xf32, #tpu.memory_space<vmem_shared>> -> memref<128x128xf32, #tpu.memory_space<vmem_shared>>
      %dma_start3A_73 = arith.constant 0 : i32
      %dma_start3A_74 = tpu.memref_slice %arg6[%add3A_22, %dma_start3A_73] : memref<10240x128xf32, #tpu.memory_space<vmem_shared>> -> memref<128x128xf32, #tpu.memory_space<vmem_shared>>
      tpu.enqueue_dma source(%arg9 : memref<128x128xf32, #tpu.memory_space<vmem>>) target(%dma_start3A_74 : memref<128x128xf32, #tpu.memory_space<vmem_shared>>) target_semaphore(%run_scoped3A : memref<!tpu.dma_semaphore, #tpu.memory_space<semaphore_mem>>)
      %dma_wait3A = arith.constant 0 : i32
      %dma_wait3A_75 = tpu.memref_slice %arg6[%add3A_22, %dma_wait3A] : memref<10240x128xf32, #tpu.memory_space<vmem_shared>> -> memref<128x128xf32, #tpu.memory_space<vmem_shared>>
      %dma_wait3A_76 = arith.constant 0 : i32
      %dma_wait3A_77 = tpu.memref_slice %arg6[%add3A_22, %dma_wait3A_76] : memref<10240x128xf32, #tpu.memory_space<vmem_shared>> -> memref<128x128xf32, #tpu.memory_space<vmem_shared>>
      tpu.wait_dma2 semaphore(%run_scoped3A : memref<!tpu.dma_semaphore, #tpu.memory_space<semaphore_mem>>) src(%arg9 : memref<128x128xf32, #tpu.memory_space<vmem>>) dst(%dma_wait3A_77 : memref<128x128xf32, #tpu.memory_space<vmem_shared>>)
      tpu.yield
    }) : () -> ()
    %mul3A_23 = arith.constant 640 : i32
    %mul3A_24 = arith.muli %arg1, %mul3A_23 : i32
    %add3A_25 = arith.constant 512 : i32
    %add3A_26 = arith.addi %mul3A_24, %add3A_25 : i32
    "tpu.region"() ({
      %run_scoped3A = tpu.sem_alloc : memref<!tpu.dma_semaphore, #tpu.memory_space<semaphore_mem>>
      %dma_start3A_71 = arith.constant 0 : i32
      %dma_start3A_72 = tpu.memref_slice %arg6[%add3A_26, %dma_start3A_71] : memref<10240x128xf32, #tpu.memory_space<vmem_shared>> -> memref<128x128xf32, #tpu.memory_space<vmem_shared>>
      %dma_start3A_73 = arith.constant 0 : i32
      %dma_start3A_74 = tpu.memref_slice %arg6[%add3A_26, %dma_start3A_73] : memref<10240x128xf32, #tpu.memory_space<vmem_shared>> -> memref<128x128xf32, #tpu.memory_space<vmem_shared>>
      tpu.enqueue_dma source(%arg9 : memref<128x128xf32, #tpu.memory_space<vmem>>) target(%dma_start3A_74 : memref<128x128xf32, #tpu.memory_space<vmem_shared>>) target_semaphore(%run_scoped3A : memref<!tpu.dma_semaphore, #tpu.memory_space<semaphore_mem>>)
      %dma_wait3A = arith.constant 0 : i32
      %dma_wait3A_75 = tpu.memref_slice %arg6[%add3A_26, %dma_wait3A] : memref<10240x128xf32, #tpu.memory_space<vmem_shared>> -> memref<128x128xf32, #tpu.memory_space<vmem_shared>>
      %dma_wait3A_76 = arith.constant 0 : i32
      %dma_wait3A_77 = tpu.memref_slice %arg6[%add3A_26, %dma_wait3A_76] : memref<10240x128xf32, #tpu.memory_space<vmem_shared>> -> memref<128x128xf32, #tpu.memory_space<vmem_shared>>
      tpu.wait_dma2 semaphore(%run_scoped3A : memref<!tpu.dma_semaphore, #tpu.memory_space<semaphore_mem>>) src(%arg9 : memref<128x128xf32, #tpu.memory_space<vmem>>) dst(%dma_wait3A_77 : memref<128x128xf32, #tpu.memory_space<vmem_shared>>)
      tpu.yield
    }) : () -> ()
    %barrier3A = arith.constant 0 : index
    tpu.barrier barrier_id(%barrier3A)
    "tpu.region"() ({
      %run_scoped3A = tpu.sem_alloc : memref<!tpu.dma_semaphore, #tpu.memory_space<semaphore_mem>>
      %dma_start3A_71 = arith.constant 0 : i32
      %dma_start3A_72 = arith.constant 0 : i32
      %dma_start3A_73 = tpu.memref_slice %arg3[%add3A, %dma_start3A_71, %dma_start3A_72] : memref<32x80x128xi32, #tpu.memory_space<hbm>> -> memref<1x80x128xi32, #tpu.memory_space<hbm>>
      %dma_start3A_74 = tpu.memref_squeeze %dma_start3A_73 : memref<1x80x128xi32, #tpu.memory_space<hbm>> -> memref<80x128xi32, #tpu.memory_space<hbm>>
      %dma_start3A_75 = arith.constant 0 : i32
      %dma_start3A_76 = arith.constant 0 : i32
      %dma_start3A_77 = tpu.memref_slice %dma_start3A_74[%dma_start3A_75, %dma_start3A_76] : memref<80x128xi32, #tpu.memory_space<hbm>> -> memref<40x128xi32, #tpu.memory_space<hbm>>
      %dma_start3A_78 = arith.constant 0 : i32
      %dma_start3A_79 = arith.constant 0 : i32
      %dma_start3A_80 = tpu.memref_slice %arg3[%add3A, %dma_start3A_78, %dma_start3A_79] : memref<32x80x128xi32, #tpu.memory_space<hbm>> -> memref<1x80x128xi32, #tpu.memory_space<hbm>>
      %dma_start3A_81 = tpu.memref_squeeze %dma_start3A_80 : memref<1x80x128xi32, #tpu.memory_space<hbm>> -> memref<80x128xi32, #tpu.memory_space<hbm>>
      %dma_start3A_82 = arith.constant 0 : i32
      %dma_start3A_83 = arith.constant 0 : i32
      %dma_start3A_84 = tpu.memref_slice %dma_start3A_81[%dma_start3A_82, %dma_start3A_83] : memref<80x128xi32, #tpu.memory_space<hbm>> -> memref<40x128xi32, #tpu.memory_space<hbm>>
      tpu.enqueue_dma source(%dma_start3A_84 : memref<40x128xi32, #tpu.memory_space<hbm>>) target(%arg7 : memref<40x128xi32, #tpu.memory_space<vmem>>) target_semaphore(%run_scoped3A : memref<!tpu.dma_semaphore, #tpu.memory_space<semaphore_mem>>)
      %dma_wait3A = arith.constant 0 : i32
      %dma_wait3A_85 = arith.constant 0 : i32
      %dma_wait3A_86 = tpu.memref_slice %arg3[%add3A, %dma_wait3A, %dma_wait3A_85] : memref<32x80x128xi32, #tpu.memory_space<hbm>> -> memref<1x80x128xi32, #tpu.memory_space<hbm>>
      %dma_wait3A_87 = tpu.memref_squeeze %dma_wait3A_86 : memref<1x80x128xi32, #tpu.memory_space<hbm>> -> memref<80x128xi32, #tpu.memory_space<hbm>>
      %dma_wait3A_88 = arith.constant 0 : i32
      %dma_wait3A_89 = arith.constant 0 : i32
      %dma_wait3A_90 = tpu.memref_slice %dma_wait3A_87[%dma_wait3A_88, %dma_wait3A_89] : memref<80x128xi32, #tpu.memory_space<hbm>> -> memref<40x128xi32, #tpu.memory_space<hbm>>
      %dma_wait3A_91 = arith.constant 0 : i32
      %dma_wait3A_92 = arith.constant 0 : i32
      %dma_wait3A_93 = tpu.memref_slice %arg3[%add3A, %dma_wait3A_91, %dma_wait3A_92] : memref<32x80x128xi32, #tpu.memory_space<hbm>> -> memref<1x80x128xi32, #tpu.memory_space<hbm>>
      %dma_wait3A_94 = tpu.memref_squeeze %dma_wait3A_93 : memref<1x80x128xi32, #tpu.memory_space<hbm>> -> memref<80x128xi32, #tpu.memory_space<hbm>>
      %dma_wait3A_95 = arith.constant 0 : i32
      %dma_wait3A_96 = arith.constant 0 : i32
      %dma_wait3A_97 = tpu.memref_slice %dma_wait3A_94[%dma_wait3A_95, %dma_wait3A_96] : memref<80x128xi32, #tpu.memory_space<hbm>> -> memref<40x128xi32, #tpu.memory_space<hbm>>
      tpu.wait_dma2 semaphore(%run_scoped3A : memref<!tpu.dma_semaphore, #tpu.memory_space<semaphore_mem>>) src(%dma_wait3A_97 : memref<40x128xi32, #tpu.memory_space<hbm>>) dst(%arg7 : memref<40x128xi32, #tpu.memory_space<vmem>>)
      tpu.yield
    }) : () -> ()
    "tpu.region"() ({
      %run_scoped3A = tpu.sem_alloc : memref<!tpu.dma_semaphore, #tpu.memory_space<semaphore_mem>>
      %dma_start3A_71 = arith.constant 0 : i32
      %dma_start3A_72 = arith.constant 0 : i32
      %dma_start3A_73 = tpu.memref_slice %arg4[%add3A, %dma_start3A_71, %dma_start3A_72] : memref<32x80x128xi32, #tpu.memory_space<hbm>> -> memref<1x80x128xi32, #tpu.memory_space<hbm>>
      %dma_start3A_74 = tpu.memref_squeeze %dma_start3A_73 : memref<1x80x128xi32, #tpu.memory_space<hbm>> -> memref<80x128xi32, #tpu.memory_space<hbm>>
      %dma_start3A_75 = arith.constant 0 : i32
      %dma_start3A_76 = arith.constant 0 : i32
      %dma_start3A_77 = tpu.memref_slice %dma_start3A_74[%dma_start3A_75, %dma_start3A_76] : memref<80x128xi32, #tpu.memory_space<hbm>> -> memref<40x128xi32, #tpu.memory_space<hbm>>
      %dma_start3A_78 = arith.constant 0 : i32
      %dma_start3A_79 = arith.constant 0 : i32
      %dma_start3A_80 = tpu.memref_slice %arg4[%add3A, %dma_start3A_78, %dma_start3A_79] : memref<32x80x128xi32, #tpu.memory_space<hbm>> -> memref<1x80x128xi32, #tpu.memory_space<hbm>>
      %dma_start3A_81 = tpu.memref_squeeze %dma_start3A_80 : memref<1x80x128xi32, #tpu.memory_space<hbm>> -> memref<80x128xi32, #tpu.memory_space<hbm>>
      %dma_start3A_82 = arith.constant 0 : i32
      %dma_start3A_83 = arith.constant 0 : i32
      %dma_start3A_84 = tpu.memref_slice %dma_start3A_81[%dma_start3A_82, %dma_start3A_83] : memref<80x128xi32, #tpu.memory_space<hbm>> -> memref<40x128xi32, #tpu.memory_space<hbm>>
      tpu.enqueue_dma source(%dma_start3A_84 : memref<40x128xi32, #tpu.memory_space<hbm>>) target(%arg8 : memref<40x128xi32, #tpu.memory_space<vmem>>) target_semaphore(%run_scoped3A : memref<!tpu.dma_semaphore, #tpu.memory_space<semaphore_mem>>)
      %dma_wait3A = arith.constant 0 : i32
      %dma_wait3A_85 = arith.constant 0 : i32
      %dma_wait3A_86 = tpu.memref_slice %arg4[%add3A, %dma_wait3A, %dma_wait3A_85] : memref<32x80x128xi32, #tpu.memory_space<hbm>> -> memref<1x80x128xi32, #tpu.memory_space<hbm>>
      %dma_wait3A_87 = tpu.memref_squeeze %dma_wait3A_86 : memref<1x80x128xi32, #tpu.memory_space<hbm>> -> memref<80x128xi32, #tpu.memory_space<hbm>>
      %dma_wait3A_88 = arith.constant 0 : i32
      %dma_wait3A_89 = arith.constant 0 : i32
      %dma_wait3A_90 = tpu.memref_slice %dma_wait3A_87[%dma_wait3A_88, %dma_wait3A_89] : memref<80x128xi32, #tpu.memory_space<hbm>> -> memref<40x128xi32, #tpu.memory_space<hbm>>
      %dma_wait3A_91 = arith.constant 0 : i32
      %dma_wait3A_92 = arith.constant 0 : i32
      %dma_wait3A_93 = tpu.memref_slice %arg4[%add3A, %dma_wait3A_91, %dma_wait3A_92] : memref<32x80x128xi32, #tpu.memory_space<hbm>> -> memref<1x80x128xi32, #tpu.memory_space<hbm>>
      %dma_wait3A_94 = tpu.memref_squeeze %dma_wait3A_93 : memref<1x80x128xi32, #tpu.memory_space<hbm>> -> memref<80x128xi32, #tpu.memory_space<hbm>>
      %dma_wait3A_95 = arith.constant 0 : i32
      %dma_wait3A_96 = arith.constant 0 : i32
      %dma_wait3A_97 = tpu.memref_slice %dma_wait3A_94[%dma_wait3A_95, %dma_wait3A_96] : memref<80x128xi32, #tpu.memory_space<hbm>> -> memref<40x128xi32, #tpu.memory_space<hbm>>
      tpu.wait_dma2 semaphore(%run_scoped3A : memref<!tpu.dma_semaphore, #tpu.memory_space<semaphore_mem>>) src(%dma_wait3A_97 : memref<40x128xi32, #tpu.memory_space<hbm>>) dst(%arg8 : memref<40x128xi32, #tpu.memory_space<vmem>>)
      tpu.yield
    }) : () -> ()
    %dma_start3A = arith.constant 0 : i32
    %dma_start3A_27 = arith.constant 0 : i32
    %dma_start3A_28 = tpu.memref_slice %arg7[%dma_start3A, %dma_start3A_27] : memref<40x128xi32, #tpu.memory_space<vmem>> -> memref<1x128xi32, #tpu.memory_space<vmem>>
    %dma_start3A_29 = tpu.memref_squeeze %dma_start3A_28 : memref<1x128xi32, #tpu.memory_space<vmem>> -> memref<128xi32, #tpu.memory_space<vmem>>
    %dma_start3A_30 = arith.constant 0 : i32
    %dma_start3A_31 = arith.constant 0 : i32
    %dma_start3A_32 = tpu.memref_slice %arg2[%dma_start3A_30, %dma_start3A_31] : memref<10000x128xf32, #tpu.memory_space<hbm>> -> memref<10000x128xf32, #tpu.memory_space<hbm>>
    tpu.enqueue_indirect_dma source(%dma_start3A_32 : memref<10000x128xf32, #tpu.memory_space<hbm>>) target(%arg9 : memref<128x128xf32, #tpu.memory_space<vmem>>) offsets(%dma_start3A_29 : memref<128xi32, #tpu.memory_space<vmem>>) semaphore(%arg11 : memref<!tpu.dma_semaphore, #tpu.memory_space<semaphore_mem>>)
    %dma_start3A_33 = arith.constant 1 : i32
    %dma_start3A_34 = arith.constant 0 : i32
    %dma_start3A_35 = tpu.memref_slice %arg7[%dma_start3A_33, %dma_start3A_34] : memref<40x128xi32, #tpu.memory_space<vmem>> -> memref<1x128xi32, #tpu.memory_space<vmem>>
    %dma_start3A_36 = tpu.memref_squeeze %dma_start3A_35 : memref<1x128xi32, #tpu.memory_space<vmem>> -> memref<128xi32, #tpu.memory_space<vmem>>
    %dma_start3A_37 = arith.constant 0 : i32
    %dma_start3A_38 = arith.constant 0 : i32
    %dma_start3A_39 = tpu.memref_slice %arg2[%dma_start3A_37, %dma_start3A_38] : memref<10000x128xf32, #tpu.memory_space<hbm>> -> memref<10000x128xf32, #tpu.memory_space<hbm>>
    tpu.enqueue_indirect_dma source(%dma_start3A_39 : memref<10000x128xf32, #tpu.memory_space<hbm>>) target(%arg10 : memref<128x128xf32, #tpu.memory_space<vmem>>) offsets(%dma_start3A_36 : memref<128xi32, #tpu.memory_space<vmem>>) semaphore(%arg12 : memref<!tpu.dma_semaphore, #tpu.memory_space<semaphore_mem>>)
    %scan3A_40 = arith.constant 0 : i32
    %scan3A_41 = arith.constant 0 : i32
    %scan3A_42 = arith.constant 20 : i32
    %scan3A_43 = arith.addi %scan3A_41, %scan3A_42 : i32
    %scan3A_44 = arith.constant 1 : i32
    scf.for %scan3A_71 = %scan3A_41 to %scan3A_43 step %scan3A_44  : i32 {
      %mul3A_72 = arith.constant 2 : i32
      %mul3A_73 = arith.muli %scan3A_71, %mul3A_72 : i32
      %dma_wait3A = arith.constant 0 : i32
      %dma_wait3A_74 = arith.constant 0 : i32
      %dma_wait3A_75 = tpu.memref_slice %arg2[%dma_wait3A, %dma_wait3A_74] : memref<10000x128xf32, #tpu.memory_space<hbm>> -> memref<128x128xf32, #tpu.memory_space<hbm>>
      %dma_wait3A_76 = arith.constant 0 : i32
      %dma_wait3A_77 = arith.constant 0 : i32
      %dma_wait3A_78 = tpu.memref_slice %arg2[%dma_wait3A_76, %dma_wait3A_77] : memref<10000x128xf32, #tpu.memory_space<hbm>> -> memref<128x128xf32, #tpu.memory_space<hbm>>
      tpu.wait_dma2 semaphore(%arg11 : memref<!tpu.dma_semaphore, #tpu.memory_space<semaphore_mem>>) src(%dma_wait3A_78 : memref<128x128xf32, #tpu.memory_space<hbm>>) dst(%arg9 : memref<128x128xf32, #tpu.memory_space<vmem>>)
      %add3A_79 = arith.constant 0 : i32
      %add3A_80 = arith.addi %mul3A_73, %add3A_79 : i32
      "tpu.region"() ({
        %run_scoped3A = tpu.sem_alloc : memref<!tpu.dma_semaphore, #tpu.memory_space<semaphore_mem>>
        %dma_start3A_104 = arith.constant 0 : i32
        %dma_start3A_105 = tpu.memref_slice %arg8[%add3A_80, %dma_start3A_104] : memref<40x128xi32, #tpu.memory_space<vmem>> -> memref<1x128xi32, #tpu.memory_space<vmem>>
        %dma_start3A_106 = tpu.memref_squeeze %dma_start3A_105 : memref<1x128xi32, #tpu.memory_space<vmem>> -> memref<128xi32, #tpu.memory_space<vmem>>
        %dma_start3A_107 = arith.constant 0 : i32
        %dma_start3A_108 = arith.constant 0 : i32
        %dma_start3A_109 = tpu.memref_slice %arg6[%dma_start3A_107, %dma_start3A_108] : memref<10240x128xf32, #tpu.memory_space<vmem_shared>> -> memref<10240x128xf32, #tpu.memory_space<vmem_shared>>
        tpu.enqueue_indirect_dma source(%arg9 : memref<128x128xf32, #tpu.memory_space<vmem>>) target(%dma_start3A_109 : memref<10240x128xf32, #tpu.memory_space<vmem_shared>>) offsets(%dma_start3A_106 : memref<128xi32, #tpu.memory_space<vmem>>) semaphore(%run_scoped3A : memref<!tpu.dma_semaphore, #tpu.memory_space<semaphore_mem>>) {add = true}
        %dma_wait3A_110 = arith.constant 0 : i32
        %dma_wait3A_111 = tpu.memref_slice %arg8[%add3A_80, %dma_wait3A_110] : memref<40x128xi32, #tpu.memory_space<vmem>> -> memref<1x128xi32, #tpu.memory_space<vmem>>
        %dma_wait3A_112 = tpu.memref_squeeze %dma_wait3A_111 : memref<1x128xi32, #tpu.memory_space<vmem>> -> memref<128xi32, #tpu.memory_space<vmem>>
        %dma_wait3A_113 = arith.constant 0 : i32
        %dma_wait3A_114 = arith.constant 0 : i32
        %dma_wait3A_115 = tpu.memref_slice %arg6[%dma_wait3A_113, %dma_wait3A_114] : memref<10240x128xf32, #tpu.memory_space<vmem_shared>> -> memref<10240x128xf32, #tpu.memory_space<vmem_shared>>
        tpu.wait_indirect_dma semaphore(%run_scoped3A : memref<!tpu.dma_semaphore, #tpu.memory_space<semaphore_mem>>) src(%arg9 : memref<128x128xf32, #tpu.memory_space<vmem>>) dst(%dma_wait3A_115 : memref<10240x128xf32, #tpu.memory_space<vmem_shared>>)
        tpu.yield
      }) : () -> ()
      %add3A_81 = arith.constant 0 : i32
      %add3A_82 = arith.addi %mul3A_73, %add3A_81 : i32
      %add3A_83 = arith.constant 2 : i32
      %add3A_84 = arith.addi %add3A_82, %add3A_83 : i32
      %lt3A = arith.constant 40 : i32
      %lt3A_85 = arith.cmpi slt, %add3A_84, %lt3A : i32
      %convert_element_type3A = arith.extui %lt3A_85 : i1 to i32
      %cond3A = arith.constant 0 : i32
      %cond3A_86 = arith.cmpi ne, %convert_element_type3A, %cond3A : i32
      scf.if %cond3A_86 {
        %add3A_104 = arith.constant 0 : i32
        %add3A_105 = arith.addi %mul3A_73, %add3A_104 : i32
        %add3A_106 = arith.constant 2 : i32
        %add3A_107 = arith.addi %add3A_105, %add3A_106 : i32
        %dma_start3A_108 = arith.constant 0 : i32
        %dma_start3A_109 = tpu.memref_slice %arg7[%add3A_107, %dma_start3A_108] : memref<40x128xi32, #tpu.memory_space<vmem>> -> memref<1x128xi32, #tpu.memory_space<vmem>>
        %dma_start3A_110 = tpu.memref_squeeze %dma_start3A_109 : memref<1x128xi32, #tpu.memory_space<vmem>> -> memref<128xi32, #tpu.memory_space<vmem>>
        %dma_start3A_111 = arith.constant 0 : i32
        %dma_start3A_112 = arith.constant 0 : i32
        %dma_start3A_113 = tpu.memref_slice %arg2[%dma_start3A_111, %dma_start3A_112] : memref<10000x128xf32, #tpu.memory_space<hbm>> -> memref<10000x128xf32, #tpu.memory_space<hbm>>
        tpu.enqueue_indirect_dma source(%dma_start3A_113 : memref<10000x128xf32, #tpu.memory_space<hbm>>) target(%arg9 : memref<128x128xf32, #tpu.memory_space<vmem>>) offsets(%dma_start3A_110 : memref<128xi32, #tpu.memory_space<vmem>>) semaphore(%arg11 : memref<!tpu.dma_semaphore, #tpu.memory_space<semaphore_mem>>)
      } else {
      }
      %dma_wait3A_87 = arith.constant 0 : i32
      %dma_wait3A_88 = arith.constant 0 : i32
      %dma_wait3A_89 = tpu.memref_slice %arg2[%dma_wait3A_87, %dma_wait3A_88] : memref<10000x128xf32, #tpu.memory_space<hbm>> -> memref<128x128xf32, #tpu.memory_space<hbm>>
      %dma_wait3A_90 = arith.constant 0 : i32
      %dma_wait3A_91 = arith.constant 0 : i32
      %dma_wait3A_92 = tpu.memref_slice %arg2[%dma_wait3A_90, %dma_wait3A_91] : memref<10000x128xf32, #tpu.memory_space<hbm>> -> memref<128x128xf32, #tpu.memory_space<hbm>>
      tpu.wait_dma2 semaphore(%arg12 : memref<!tpu.dma_semaphore, #tpu.memory_space<semaphore_mem>>) src(%dma_wait3A_92 : memref<128x128xf32, #tpu.memory_space<hbm>>) dst(%arg10 : memref<128x128xf32, #tpu.memory_space<vmem>>)
      %add3A_93 = arith.constant 1 : i32
      %add3A_94 = arith.addi %mul3A_73, %add3A_93 : i32
      "tpu.region"() ({
        %run_scoped3A = tpu.sem_alloc : memref<!tpu.dma_semaphore, #tpu.memory_space<semaphore_mem>>
        %dma_start3A_104 = arith.constant 0 : i32
        %dma_start3A_105 = tpu.memref_slice %arg8[%add3A_94, %dma_start3A_104] : memref<40x128xi32, #tpu.memory_space<vmem>> -> memref<1x128xi32, #tpu.memory_space<vmem>>
        %dma_start3A_106 = tpu.memref_squeeze %dma_start3A_105 : memref<1x128xi32, #tpu.memory_space<vmem>> -> memref<128xi32, #tpu.memory_space<vmem>>
        %dma_start3A_107 = arith.constant 0 : i32
        %dma_start3A_108 = arith.constant 0 : i32
        %dma_start3A_109 = tpu.memref_slice %arg6[%dma_start3A_107, %dma_start3A_108] : memref<10240x128xf32, #tpu.memory_space<vmem_shared>> -> memref<10240x128xf32, #tpu.memory_space<vmem_shared>>
        tpu.enqueue_indirect_dma source(%arg10 : memref<128x128xf32, #tpu.memory_space<vmem>>) target(%dma_start3A_109 : memref<10240x128xf32, #tpu.memory_space<vmem_shared>>) offsets(%dma_start3A_106 : memref<128xi32, #tpu.memory_space<vmem>>) semaphore(%run_scoped3A : memref<!tpu.dma_semaphore, #tpu.memory_space<semaphore_mem>>) {add = true}
        %dma_wait3A_110 = arith.constant 0 : i32
        %dma_wait3A_111 = tpu.memref_slice %arg8[%add3A_94, %dma_wait3A_110] : memref<40x128xi32, #tpu.memory_space<vmem>> -> memref<1x128xi32, #tpu.memory_space<vmem>>
        %dma_wait3A_112 = tpu.memref_squeeze %dma_wait3A_111 : memref<1x128xi32, #tpu.memory_space<vmem>> -> memref<128xi32, #tpu.memory_space<vmem>>
        %dma_wait3A_113 = arith.constant 0 : i32
        %dma_wait3A_114 = arith.constant 0 : i32
        %dma_wait3A_115 = tpu.memref_slice %arg6[%dma_wait3A_113, %dma_wait3A_114] : memref<10240x128xf32, #tpu.memory_space<vmem_shared>> -> memref<10240x128xf32, #tpu.memory_space<vmem_shared>>
        tpu.wait_indirect_dma semaphore(%run_scoped3A : memref<!tpu.dma_semaphore, #tpu.memory_space<semaphore_mem>>) src(%arg10 : memref<128x128xf32, #tpu.memory_space<vmem>>) dst(%dma_wait3A_115 : memref<10240x128xf32, #tpu.memory_space<vmem_shared>>)
        tpu.yield
      }) : () -> ()
      %add3A_95 = arith.constant 1 : i32
      %add3A_96 = arith.addi %mul3A_73, %add3A_95 : i32
      %add3A_97 = arith.constant 2 : i32
      %add3A_98 = arith.addi %add3A_96, %add3A_97 : i32
      %lt3A_99 = arith.constant 40 : i32
      %lt3A_100 = arith.cmpi slt, %add3A_98, %lt3A_99 : i32
      %convert_element_type3A_101 = arith.extui %lt3A_100 : i1 to i32
      %cond3A_102 = arith.constant 0 : i32
      %cond3A_103 = arith.cmpi ne, %convert_element_type3A_101, %cond3A_102 : i32
      scf.if %cond3A_103 {
        %add3A_104 = arith.constant 1 : i32
        %add3A_105 = arith.addi %mul3A_73, %add3A_104 : i32
        %add3A_106 = arith.constant 2 : i32
        %add3A_107 = arith.addi %add3A_105, %add3A_106 : i32
        %dma_start3A_108 = arith.constant 0 : i32
        %dma_start3A_109 = tpu.memref_slice %arg7[%add3A_107, %dma_start3A_108] : memref<40x128xi32, #tpu.memory_space<vmem>> -> memref<1x128xi32, #tpu.memory_space<vmem>>
        %dma_start3A_110 = tpu.memref_squeeze %dma_start3A_109 : memref<1x128xi32, #tpu.memory_space<vmem>> -> memref<128xi32, #tpu.memory_space<vmem>>
        %dma_start3A_111 = arith.constant 0 : i32
        %dma_start3A_112 = arith.constant 0 : i32
        %dma_start3A_113 = tpu.memref_slice %arg2[%dma_start3A_111, %dma_start3A_112] : memref<10000x128xf32, #tpu.memory_space<hbm>> -> memref<10000x128xf32, #tpu.memory_space<hbm>>
        tpu.enqueue_indirect_dma source(%dma_start3A_113 : memref<10000x128xf32, #tpu.memory_space<hbm>>) target(%arg10 : memref<128x128xf32, #tpu.memory_space<vmem>>) offsets(%dma_start3A_110 : memref<128xi32, #tpu.memory_space<vmem>>) semaphore(%arg12 : memref<!tpu.dma_semaphore, #tpu.memory_space<semaphore_mem>>)
      } else {
      }
    }
    %scan3A_45 = arith.constant 20 : i32
    "tpu.region"() ({
      %run_scoped3A = tpu.sem_alloc : memref<!tpu.dma_semaphore, #tpu.memory_space<semaphore_mem>>
      %dma_start3A_71 = arith.constant 0 : i32
      %dma_start3A_72 = arith.constant 0 : i32
      %dma_start3A_73 = tpu.memref_slice %arg3[%add3A, %dma_start3A_71, %dma_start3A_72] : memref<32x80x128xi32, #tpu.memory_space<hbm>> -> memref<1x80x128xi32, #tpu.memory_space<hbm>>
      %dma_start3A_74 = tpu.memref_squeeze %dma_start3A_73 : memref<1x80x128xi32, #tpu.memory_space<hbm>> -> memref<80x128xi32, #tpu.memory_space<hbm>>
      %dma_start3A_75 = arith.constant 40 : i32
      %dma_start3A_76 = arith.constant 0 : i32
      %dma_start3A_77 = tpu.memref_slice %dma_start3A_74[%dma_start3A_75, %dma_start3A_76] : memref<80x128xi32, #tpu.memory_space<hbm>> -> memref<40x128xi32, #tpu.memory_space<hbm>>
      %dma_start3A_78 = arith.constant 0 : i32
      %dma_start3A_79 = arith.constant 0 : i32
      %dma_start3A_80 = tpu.memref_slice %arg3[%add3A, %dma_start3A_78, %dma_start3A_79] : memref<32x80x128xi32, #tpu.memory_space<hbm>> -> memref<1x80x128xi32, #tpu.memory_space<hbm>>
      %dma_start3A_81 = tpu.memref_squeeze %dma_start3A_80 : memref<1x80x128xi32, #tpu.memory_space<hbm>> -> memref<80x128xi32, #tpu.memory_space<hbm>>
      %dma_start3A_82 = arith.constant 40 : i32
      %dma_start3A_83 = arith.constant 0 : i32
      %dma_start3A_84 = tpu.memref_slice %dma_start3A_81[%dma_start3A_82, %dma_start3A_83] : memref<80x128xi32, #tpu.memory_space<hbm>> -> memref<40x128xi32, #tpu.memory_space<hbm>>
      tpu.enqueue_dma source(%dma_start3A_84 : memref<40x128xi32, #tpu.memory_space<hbm>>) target(%arg7 : memref<40x128xi32, #tpu.memory_space<vmem>>) target_semaphore(%run_scoped3A : memref<!tpu.dma_semaphore, #tpu.memory_space<semaphore_mem>>)
      %dma_wait3A = arith.constant 0 : i32
      %dma_wait3A_85 = arith.constant 0 : i32
      %dma_wait3A_86 = tpu.memref_slice %arg3[%add3A, %dma_wait3A, %dma_wait3A_85] : memref<32x80x128xi32, #tpu.memory_space<hbm>> -> memref<1x80x128xi32, #tpu.memory_space<hbm>>
      %dma_wait3A_87 = tpu.memref_squeeze %dma_wait3A_86 : memref<1x80x128xi32, #tpu.memory_space<hbm>> -> memref<80x128xi32, #tpu.memory_space<hbm>>
      %dma_wait3A_88 = arith.constant 40 : i32
      %dma_wait3A_89 = arith.constant 0 : i32
      %dma_wait3A_90 = tpu.memref_slice %dma_wait3A_87[%dma_wait3A_88, %dma_wait3A_89] : memref<80x128xi32, #tpu.memory_space<hbm>> -> memref<40x128xi32, #tpu.memory_space<hbm>>
      %dma_wait3A_91 = arith.constant 0 : i32
      %dma_wait3A_92 = arith.constant 0 : i32
      %dma_wait3A_93 = tpu.memref_slice %arg3[%add3A, %dma_wait3A_91, %dma_wait3A_92] : memref<32x80x128xi32, #tpu.memory_space<hbm>> -> memref<1x80x128xi32, #tpu.memory_space<hbm>>
      %dma_wait3A_94 = tpu.memref_squeeze %dma_wait3A_93 : memref<1x80x128xi32, #tpu.memory_space<hbm>> -> memref<80x128xi32, #tpu.memory_space<hbm>>
      %dma_wait3A_95 = arith.constant 40 : i32
      %dma_wait3A_96 = arith.constant 0 : i32
      %dma_wait3A_97 = tpu.memref_slice %dma_wait3A_94[%dma_wait3A_95, %dma_wait3A_96] : memref<80x128xi32, #tpu.memory_space<hbm>> -> memref<40x128xi32, #tpu.memory_space<hbm>>
      tpu.wait_dma2 semaphore(%run_scoped3A : memref<!tpu.dma_semaphore, #tpu.memory_space<semaphore_mem>>) src(%dma_wait3A_97 : memref<40x128xi32, #tpu.memory_space<hbm>>) dst(%arg7 : memref<40x128xi32, #tpu.memory_space<vmem>>)
      tpu.yield
    }) : () -> ()
    "tpu.region"() ({
      %run_scoped3A = tpu.sem_alloc : memref<!tpu.dma_semaphore, #tpu.memory_space<semaphore_mem>>
      %dma_start3A_71 = arith.constant 0 : i32
      %dma_start3A_72 = arith.constant 0 : i32
      %dma_start3A_73 = tpu.memref_slice %arg4[%add3A, %dma_start3A_71, %dma_start3A_72] : memref<32x80x128xi32, #tpu.memory_space<hbm>> -> memref<1x80x128xi32, #tpu.memory_space<hbm>>
      %dma_start3A_74 = tpu.memref_squeeze %dma_start3A_73 : memref<1x80x128xi32, #tpu.memory_space<hbm>> -> memref<80x128xi32, #tpu.memory_space<hbm>>
      %dma_start3A_75 = arith.constant 40 : i32
      %dma_start3A_76 = arith.constant 0 : i32
      %dma_start3A_77 = tpu.memref_slice %dma_start3A_74[%dma_start3A_75, %dma_start3A_76] : memref<80x128xi32, #tpu.memory_space<hbm>> -> memref<40x128xi32, #tpu.memory_space<hbm>>
      %dma_start3A_78 = arith.constant 0 : i32
      %dma_start3A_79 = arith.constant 0 : i32
      %dma_start3A_80 = tpu.memref_slice %arg4[%add3A, %dma_start3A_78, %dma_start3A_79] : memref<32x80x128xi32, #tpu.memory_space<hbm>> -> memref<1x80x128xi32, #tpu.memory_space<hbm>>
      %dma_start3A_81 = tpu.memref_squeeze %dma_start3A_80 : memref<1x80x128xi32, #tpu.memory_space<hbm>> -> memref<80x128xi32, #tpu.memory_space<hbm>>
      %dma_start3A_82 = arith.constant 40 : i32
      %dma_start3A_83 = arith.constant 0 : i32
      %dma_start3A_84 = tpu.memref_slice %dma_start3A_81[%dma_start3A_82, %dma_start3A_83] : memref<80x128xi32, #tpu.memory_space<hbm>> -> memref<40x128xi32, #tpu.memory_space<hbm>>
      tpu.enqueue_dma source(%dma_start3A_84 : memref<40x128xi32, #tpu.memory_space<hbm>>) target(%arg8 : memref<40x128xi32, #tpu.memory_space<vmem>>) target_semaphore(%run_scoped3A : memref<!tpu.dma_semaphore, #tpu.memory_space<semaphore_mem>>)
      %dma_wait3A = arith.constant 0 : i32
      %dma_wait3A_85 = arith.constant 0 : i32
      %dma_wait3A_86 = tpu.memref_slice %arg4[%add3A, %dma_wait3A, %dma_wait3A_85] : memref<32x80x128xi32, #tpu.memory_space<hbm>> -> memref<1x80x128xi32, #tpu.memory_space<hbm>>
      %dma_wait3A_87 = tpu.memref_squeeze %dma_wait3A_86 : memref<1x80x128xi32, #tpu.memory_space<hbm>> -> memref<80x128xi32, #tpu.memory_space<hbm>>
      %dma_wait3A_88 = arith.constant 40 : i32
      %dma_wait3A_89 = arith.constant 0 : i32
      %dma_wait3A_90 = tpu.memref_slice %dma_wait3A_87[%dma_wait3A_88, %dma_wait3A_89] : memref<80x128xi32, #tpu.memory_space<hbm>> -> memref<40x128xi32, #tpu.memory_space<hbm>>
      %dma_wait3A_91 = arith.constant 0 : i32
      %dma_wait3A_92 = arith.constant 0 : i32
      %dma_wait3A_93 = tpu.memref_slice %arg4[%add3A, %dma_wait3A_91, %dma_wait3A_92] : memref<32x80x128xi32, #tpu.memory_space<hbm>> -> memref<1x80x128xi32, #tpu.memory_space<hbm>>
      %dma_wait3A_94 = tpu.memref_squeeze %dma_wait3A_93 : memref<1x80x128xi32, #tpu.memory_space<hbm>> -> memref<80x128xi32, #tpu.memory_space<hbm>>
      %dma_wait3A_95 = arith.constant 40 : i32
      %dma_wait3A_96 = arith.constant 0 : i32
      %dma_wait3A_97 = tpu.memref_slice %dma_wait3A_94[%dma_wait3A_95, %dma_wait3A_96] : memref<80x128xi32, #tpu.memory_space<hbm>> -> memref<40x128xi32, #tpu.memory_space<hbm>>
      tpu.wait_dma2 semaphore(%run_scoped3A : memref<!tpu.dma_semaphore, #tpu.memory_space<semaphore_mem>>) src(%dma_wait3A_97 : memref<40x128xi32, #tpu.memory_space<hbm>>) dst(%arg8 : memref<40x128xi32, #tpu.memory_space<vmem>>)
      tpu.yield
    }) : () -> ()
    %dma_start3A_46 = arith.constant 0 : i32
    %dma_start3A_47 = arith.constant 0 : i32
    %dma_start3A_48 = tpu.memref_slice %arg7[%dma_start3A_46, %dma_start3A_47] : memref<40x128xi32, #tpu.memory_space<vmem>> -> memref<1x128xi32, #tpu.memory_space<vmem>>
    %dma_start3A_49 = tpu.memref_squeeze %dma_start3A_48 : memref<1x128xi32, #tpu.memory_space<vmem>> -> memref<128xi32, #tpu.memory_space<vmem>>
    %dma_start3A_50 = arith.constant 0 : i32
    %dma_start3A_51 = arith.constant 0 : i32
    %dma_start3A_52 = tpu.memref_slice %arg2[%dma_start3A_50, %dma_start3A_51] : memref<10000x128xf32, #tpu.memory_space<hbm>> -> memref<10000x128xf32, #tpu.memory_space<hbm>>
    tpu.enqueue_indirect_dma source(%dma_start3A_52 : memref<10000x128xf32, #tpu.memory_space<hbm>>) target(%arg9 : memref<128x128xf32, #tpu.memory_space<vmem>>) offsets(%dma_start3A_49 : memref<128xi32, #tpu.memory_space<vmem>>) semaphore(%arg11 : memref<!tpu.dma_semaphore, #tpu.memory_space<semaphore_mem>>)
    %dma_start3A_53 = arith.constant 1 : i32
    %dma_start3A_54 = arith.constant 0 : i32
    %dma_start3A_55 = tpu.memref_slice %arg7[%dma_start3A_53, %dma_start3A_54] : memref<40x128xi32, #tpu.memory_space<vmem>> -> memref<1x128xi32, #tpu.memory_space<vmem>>
    %dma_start3A_56 = tpu.memref_squeeze %dma_start3A_55 : memref<1x128xi32, #tpu.memory_space<vmem>> -> memref<128xi32, #tpu.memory_space<vmem>>
    %dma_start3A_57 = arith.constant 0 : i32
    %dma_start3A_58 = arith.constant 0 : i32
    %dma_start3A_59 = tpu.memref_slice %arg2[%dma_start3A_57, %dma_start3A_58] : memref<10000x128xf32, #tpu.memory_space<hbm>> -> memref<10000x128xf32, #tpu.memory_space<hbm>>
    tpu.enqueue_indirect_dma source(%dma_start3A_59 : memref<10000x128xf32, #tpu.memory_space<hbm>>) target(%arg10 : memref<128x128xf32, #tpu.memory_space<vmem>>) offsets(%dma_start3A_56 : memref<128xi32, #tpu.memory_space<vmem>>) semaphore(%arg12 : memref<!tpu.dma_semaphore, #tpu.memory_space<semaphore_mem>>)
    %scan3A_60 = arith.constant 0 : i32
    %scan3A_61 = arith.constant 0 : i32
    %scan3A_62 = arith.constant 20 : i32
    %scan3A_63 = arith.addi %scan3A_61, %scan3A_62 : i32
    %scan3A_64 = arith.constant 1 : i32
    scf.for %scan3A_71 = %scan3A_61 to %scan3A_63 step %scan3A_64  : i32 {
      %mul3A_72 = arith.constant 2 : i32
      %mul3A_73 = arith.muli %scan3A_71, %mul3A_72 : i32
      %dma_wait3A = arith.constant 0 : i32
      %dma_wait3A_74 = arith.constant 0 : i32
      %dma_wait3A_75 = tpu.memref_slice %arg2[%dma_wait3A, %dma_wait3A_74] : memref<10000x128xf32, #tpu.memory_space<hbm>> -> memref<128x128xf32, #tpu.memory_space<hbm>>
      %dma_wait3A_76 = arith.constant 0 : i32
      %dma_wait3A_77 = arith.constant 0 : i32
      %dma_wait3A_78 = tpu.memref_slice %arg2[%dma_wait3A_76, %dma_wait3A_77] : memref<10000x128xf32, #tpu.memory_space<hbm>> -> memref<128x128xf32, #tpu.memory_space<hbm>>
      tpu.wait_dma2 semaphore(%arg11 : memref<!tpu.dma_semaphore, #tpu.memory_space<semaphore_mem>>) src(%dma_wait3A_78 : memref<128x128xf32, #tpu.memory_space<hbm>>) dst(%arg9 : memref<128x128xf32, #tpu.memory_space<vmem>>)
      %add3A_79 = arith.constant 0 : i32
      %add3A_80 = arith.addi %mul3A_73, %add3A_79 : i32
      "tpu.region"() ({
        %run_scoped3A = tpu.sem_alloc : memref<!tpu.dma_semaphore, #tpu.memory_space<semaphore_mem>>
        %dma_start3A_104 = arith.constant 0 : i32
        %dma_start3A_105 = tpu.memref_slice %arg8[%add3A_80, %dma_start3A_104] : memref<40x128xi32, #tpu.memory_space<vmem>> -> memref<1x128xi32, #tpu.memory_space<vmem>>
        %dma_start3A_106 = tpu.memref_squeeze %dma_start3A_105 : memref<1x128xi32, #tpu.memory_space<vmem>> -> memref<128xi32, #tpu.memory_space<vmem>>
        %dma_start3A_107 = arith.constant 0 : i32
        %dma_start3A_108 = arith.constant 0 : i32
        %dma_start3A_109 = tpu.memref_slice %arg6[%dma_start3A_107, %dma_start3A_108] : memref<10240x128xf32, #tpu.memory_space<vmem_shared>> -> memref<10240x128xf32, #tpu.memory_space<vmem_shared>>
        tpu.enqueue_indirect_dma source(%arg9 : memref<128x128xf32, #tpu.memory_space<vmem>>) target(%dma_start3A_109 : memref<10240x128xf32, #tpu.memory_space<vmem_shared>>) offsets(%dma_start3A_106 : memref<128xi32, #tpu.memory_space<vmem>>) semaphore(%run_scoped3A : memref<!tpu.dma_semaphore, #tpu.memory_space<semaphore_mem>>) {add = true}
        %dma_wait3A_110 = arith.constant 0 : i32
        %dma_wait3A_111 = tpu.memref_slice %arg8[%add3A_80, %dma_wait3A_110] : memref<40x128xi32, #tpu.memory_space<vmem>> -> memref<1x128xi32, #tpu.memory_space<vmem>>
        %dma_wait3A_112 = tpu.memref_squeeze %dma_wait3A_111 : memref<1x128xi32, #tpu.memory_space<vmem>> -> memref<128xi32, #tpu.memory_space<vmem>>
        %dma_wait3A_113 = arith.constant 0 : i32
        %dma_wait3A_114 = arith.constant 0 : i32
        %dma_wait3A_115 = tpu.memref_slice %arg6[%dma_wait3A_113, %dma_wait3A_114] : memref<10240x128xf32, #tpu.memory_space<vmem_shared>> -> memref<10240x128xf32, #tpu.memory_space<vmem_shared>>
        tpu.wait_indirect_dma semaphore(%run_scoped3A : memref<!tpu.dma_semaphore, #tpu.memory_space<semaphore_mem>>) src(%arg9 : memref<128x128xf32, #tpu.memory_space<vmem>>) dst(%dma_wait3A_115 : memref<10240x128xf32, #tpu.memory_space<vmem_shared>>)
        tpu.yield
      }) : () -> ()
      %add3A_81 = arith.constant 0 : i32
      %add3A_82 = arith.addi %mul3A_73, %add3A_81 : i32
      %add3A_83 = arith.constant 2 : i32
      %add3A_84 = arith.addi %add3A_82, %add3A_83 : i32
      %lt3A = arith.constant 40 : i32
      %lt3A_85 = arith.cmpi slt, %add3A_84, %lt3A : i32
      %convert_element_type3A = arith.extui %lt3A_85 : i1 to i32
      %cond3A = arith.constant 0 : i32
      %cond3A_86 = arith.cmpi ne, %convert_element_type3A, %cond3A : i32
      scf.if %cond3A_86 {
        %add3A_104 = arith.constant 0 : i32
        %add3A_105 = arith.addi %mul3A_73, %add3A_104 : i32
        %add3A_106 = arith.constant 2 : i32
        %add3A_107 = arith.addi %add3A_105, %add3A_106 : i32
        %dma_start3A_108 = arith.constant 0 : i32
        %dma_start3A_109 = tpu.memref_slice %arg7[%add3A_107, %dma_start3A_108] : memref<40x128xi32, #tpu.memory_space<vmem>> -> memref<1x128xi32, #tpu.memory_space<vmem>>
        %dma_start3A_110 = tpu.memref_squeeze %dma_start3A_109 : memref<1x128xi32, #tpu.memory_space<vmem>> -> memref<128xi32, #tpu.memory_space<vmem>>
        %dma_start3A_111 = arith.constant 0 : i32
        %dma_start3A_112 = arith.constant 0 : i32
        %dma_start3A_113 = tpu.memref_slice %arg2[%dma_start3A_111, %dma_start3A_112] : memref<10000x128xf32, #tpu.memory_space<hbm>> -> memref<10000x128xf32, #tpu.memory_space<hbm>>
        tpu.enqueue_indirect_dma source(%dma_start3A_113 : memref<10000x128xf32, #tpu.memory_space<hbm>>) target(%arg9 : memref<128x128xf32, #tpu.memory_space<vmem>>) offsets(%dma_start3A_110 : memref<128xi32, #tpu.memory_space<vmem>>) semaphore(%arg11 : memref<!tpu.dma_semaphore, #tpu.memory_space<semaphore_mem>>)
      } else {
      }
      %dma_wait3A_87 = arith.constant 0 : i32
      %dma_wait3A_88 = arith.constant 0 : i32
      %dma_wait3A_89 = tpu.memref_slice %arg2[%dma_wait3A_87, %dma_wait3A_88] : memref<10000x128xf32, #tpu.memory_space<hbm>> -> memref<128x128xf32, #tpu.memory_space<hbm>>
      %dma_wait3A_90 = arith.constant 0 : i32
      %dma_wait3A_91 = arith.constant 0 : i32
      %dma_wait3A_92 = tpu.memref_slice %arg2[%dma_wait3A_90, %dma_wait3A_91] : memref<10000x128xf32, #tpu.memory_space<hbm>> -> memref<128x128xf32, #tpu.memory_space<hbm>>
      tpu.wait_dma2 semaphore(%arg12 : memref<!tpu.dma_semaphore, #tpu.memory_space<semaphore_mem>>) src(%dma_wait3A_92 : memref<128x128xf32, #tpu.memory_space<hbm>>) dst(%arg10 : memref<128x128xf32, #tpu.memory_space<vmem>>)
      %add3A_93 = arith.constant 1 : i32
      %add3A_94 = arith.addi %mul3A_73, %add3A_93 : i32
      "tpu.region"() ({
        %run_scoped3A = tpu.sem_alloc : memref<!tpu.dma_semaphore, #tpu.memory_space<semaphore_mem>>
        %dma_start3A_104 = arith.constant 0 : i32
        %dma_start3A_105 = tpu.memref_slice %arg8[%add3A_94, %dma_start3A_104] : memref<40x128xi32, #tpu.memory_space<vmem>> -> memref<1x128xi32, #tpu.memory_space<vmem>>
        %dma_start3A_106 = tpu.memref_squeeze %dma_start3A_105 : memref<1x128xi32, #tpu.memory_space<vmem>> -> memref<128xi32, #tpu.memory_space<vmem>>
        %dma_start3A_107 = arith.constant 0 : i32
        %dma_start3A_108 = arith.constant 0 : i32
        %dma_start3A_109 = tpu.memref_slice %arg6[%dma_start3A_107, %dma_start3A_108] : memref<10240x128xf32, #tpu.memory_space<vmem_shared>> -> memref<10240x128xf32, #tpu.memory_space<vmem_shared>>
        tpu.enqueue_indirect_dma source(%arg10 : memref<128x128xf32, #tpu.memory_space<vmem>>) target(%dma_start3A_109 : memref<10240x128xf32, #tpu.memory_space<vmem_shared>>) offsets(%dma_start3A_106 : memref<128xi32, #tpu.memory_space<vmem>>) semaphore(%run_scoped3A : memref<!tpu.dma_semaphore, #tpu.memory_space<semaphore_mem>>) {add = true}
        %dma_wait3A_110 = arith.constant 0 : i32
        %dma_wait3A_111 = tpu.memref_slice %arg8[%add3A_94, %dma_wait3A_110] : memref<40x128xi32, #tpu.memory_space<vmem>> -> memref<1x128xi32, #tpu.memory_space<vmem>>
        %dma_wait3A_112 = tpu.memref_squeeze %dma_wait3A_111 : memref<1x128xi32, #tpu.memory_space<vmem>> -> memref<128xi32, #tpu.memory_space<vmem>>
        %dma_wait3A_113 = arith.constant 0 : i32
        %dma_wait3A_114 = arith.constant 0 : i32
        %dma_wait3A_115 = tpu.memref_slice %arg6[%dma_wait3A_113, %dma_wait3A_114] : memref<10240x128xf32, #tpu.memory_space<vmem_shared>> -> memref<10240x128xf32, #tpu.memory_space<vmem_shared>>
        tpu.wait_indirect_dma semaphore(%run_scoped3A : memref<!tpu.dma_semaphore, #tpu.memory_space<semaphore_mem>>) src(%arg10 : memref<128x128xf32, #tpu.memory_space<vmem>>) dst(%dma_wait3A_115 : memref<10240x128xf32, #tpu.memory_space<vmem_shared>>)
        tpu.yield
      }) : () -> ()
      %add3A_95 = arith.constant 1 : i32
      %add3A_96 = arith.addi %mul3A_73, %add3A_95 : i32
      %add3A_97 = arith.constant 2 : i32
      %add3A_98 = arith.addi %add3A_96, %add3A_97 : i32
      %lt3A_99 = arith.constant 40 : i32
      %lt3A_100 = arith.cmpi slt, %add3A_98, %lt3A_99 : i32
      %convert_element_type3A_101 = arith.extui %lt3A_100 : i1 to i32
      %cond3A_102 = arith.constant 0 : i32
      %cond3A_103 = arith.cmpi ne, %convert_element_type3A_101, %cond3A_102 : i32
      scf.if %cond3A_103 {
        %add3A_104 = arith.constant 1 : i32
        %add3A_105 = arith.addi %mul3A_73, %add3A_104 : i32
        %add3A_106 = arith.constant 2 : i32
        %add3A_107 = arith.addi %add3A_105, %add3A_106 : i32
        %dma_start3A_108 = arith.constant 0 : i32
        %dma_start3A_109 = tpu.memref_slice %arg7[%add3A_107, %dma_start3A_108] : memref<40x128xi32, #tpu.memory_space<vmem>> -> memref<1x128xi32, #tpu.memory_space<vmem>>
        %dma_start3A_110 = tpu.memref_squeeze %dma_start3A_109 : memref<1x128xi32, #tpu.memory_space<vmem>> -> memref<128xi32, #tpu.memory_space<vmem>>
        %dma_start3A_111 = arith.constant 0 : i32
        %dma_start3A_112 = arith.constant 0 : i32
        %dma_start3A_113 = tpu.memref_slice %arg2[%dma_start3A_111, %dma_start3A_112] : memref<10000x128xf32, #tpu.memory_space<hbm>> -> memref<10000x128xf32, #tpu.memory_space<hbm>>
        tpu.enqueue_indirect_dma source(%dma_start3A_113 : memref<10000x128xf32, #tpu.memory_space<hbm>>) target(%arg10 : memref<128x128xf32, #tpu.memory_space<vmem>>) offsets(%dma_start3A_110 : memref<128xi32, #tpu.memory_space<vmem>>) semaphore(%arg12 : memref<!tpu.dma_semaphore, #tpu.memory_space<semaphore_mem>>)
      } else {
      }
    }
    %scan3A_65 = arith.constant 20 : i32
    %barrier3A_66 = arith.constant 0 : index
    tpu.barrier barrier_id(%barrier3A_66)
    %mul3A_67 = arith.constant 640 : i32
    %mul3A_68 = arith.muli %arg1, %mul3A_67 : i32
    %mul3A_69 = arith.constant 640 : i32
    %mul3A_70 = arith.muli %arg1, %mul3A_69 : i32
    "tpu.region"() ({
      %run_scoped3A = tpu.sem_alloc : memref<!tpu.dma_semaphore, #tpu.memory_space<semaphore_mem>>
      %dma_start3A_71 = arith.constant 0 : i32
      %dma_start3A_72 = arith.constant 0 : i32
      %dma_start3A_73 = tpu.memref_slice %arg5[%arg0, %dma_start3A_71, %dma_start3A_72] : memref<2x10240x128xf32, #tpu.memory_space<hbm>> -> memref<1x10240x128xf32, #tpu.memory_space<hbm>>
      %dma_start3A_74 = tpu.memref_squeeze %dma_start3A_73 : memref<1x10240x128xf32, #tpu.memory_space<hbm>> -> memref<10240x128xf32, #tpu.memory_space<hbm>>
      %dma_start3A_75 = arith.constant 0 : i32
      %dma_start3A_76 = tpu.memref_slice %dma_start3A_74[%mul3A_70, %dma_start3A_75] : memref<10240x128xf32, #tpu.memory_space<hbm>> -> memref<640x128xf32, #tpu.memory_space<hbm>>
      %dma_start3A_77 = arith.constant 0 : i32
      %dma_start3A_78 = tpu.memref_slice %arg6[%mul3A_68, %dma_start3A_77] : memref<10240x128xf32, #tpu.memory_space<vmem_shared>> -> memref<640x128xf32, #tpu.memory_space<vmem_shared>>
      tpu.enqueue_dma source(%dma_start3A_78 : memref<640x128xf32, #tpu.memory_space<vmem_shared>>) target(%dma_start3A_76 : memref<640x128xf32, #tpu.memory_space<hbm>>) target_semaphore(%run_scoped3A : memref<!tpu.dma_semaphore, #tpu.memory_space<semaphore_mem>>)
      %dma_wait3A = arith.constant 0 : i32
      %dma_wait3A_79 = arith.constant 0 : i32
      %dma_wait3A_80 = tpu.memref_slice %arg5[%arg0, %dma_wait3A, %dma_wait3A_79] : memref<2x10240x128xf32, #tpu.memory_space<hbm>> -> memref<1x10240x128xf32, #tpu.memory_space<hbm>>
      %dma_wait3A_81 = tpu.memref_squeeze %dma_wait3A_80 : memref<1x10240x128xf32, #tpu.memory_space<hbm>> -> memref<10240x128xf32, #tpu.memory_space<hbm>>
      %dma_wait3A_82 = arith.constant 0 : i32
      %dma_wait3A_83 = tpu.memref_slice %dma_wait3A_81[%mul3A_70, %dma_wait3A_82] : memref<10240x128xf32, #tpu.memory_space<hbm>> -> memref<640x128xf32, #tpu.memory_space<hbm>>
      %dma_wait3A_84 = arith.constant 0 : i32
      %dma_wait3A_85 = tpu.memref_slice %arg6[%mul3A_68, %dma_wait3A_84] : memref<10240x128xf32, #tpu.memory_space<vmem_shared>> -> memref<640x128xf32, #tpu.memory_space<vmem_shared>>
      tpu.wait_dma2 semaphore(%run_scoped3A : memref<!tpu.dma_semaphore, #tpu.memory_space<semaphore_mem>>) src(%dma_wait3A_85 : memref<640x128xf32, #tpu.memory_space<vmem_shared>>) dst(%dma_wait3A_83 : memref<640x128xf32, #tpu.memory_space<hbm>>)
      tpu.yield
    }) : () -> ()
    return
  }
}

module attributes {stable_mosaic.version = 14 : i64} {
  func.func @_dense_body(%arg0: i32, %arg1: memref<2000x128xf32, #tpu.memory_space<vmem>>, %arg2: memref<2x2000x128xf32, #tpu.memory_space<vmem>>, %arg3: memref<1x128xf32, #tpu.memory_space<vmem>>, %arg4: memref<1x128xf32, #tpu.memory_space<vmem>>, %arg5: memref<1x128xf32, #tpu.memory_space<vmem>>, %arg6: memref<128x128xf32, #tpu.memory_space<vmem>>, %arg7: memref<1x128xf32, #tpu.memory_space<vmem>>, %arg8: memref<128x128xf32, #tpu.memory_space<vmem>>, %arg9: memref<128x128xf32, #tpu.memory_space<vmem>>, %arg10: memref<128x128xf32, #tpu.memory_space<vmem>>, %arg11: memref<2000x128xf32, #tpu.memory_space<vmem>>, %arg12: memref<1x128xf32, #tpu.memory_space<vmem>>) attributes {dimension_semantics = [#tpu.dimension_semantics<arbitrary>], iteration_bounds = array<i64: 5>, scalar_prefetch = 0 : i64, scratch_operands = 0 : i64, tpu.core_type = #tpu.core_type<tc>, window_params = [{transform_indices = @transform_0, window_bounds = array<i64: 2000, 128>}, {transform_indices = @transform_1, window_bounds = array<i64: 2, 2000, 128>}, {pipeline_mode = #tpu.pipeline_mode<synchronous>, transform_indices = @transform_2, window_bounds = array<i64: 1, 128>}, {pipeline_mode = #tpu.pipeline_mode<synchronous>, transform_indices = @transform_3, window_bounds = array<i64: 1, 128>}, {pipeline_mode = #tpu.pipeline_mode<synchronous>, transform_indices = @transform_4, window_bounds = array<i64: 1, 128>}, {pipeline_mode = #tpu.pipeline_mode<synchronous>, transform_indices = @transform_5, window_bounds = array<i64: 128, 128>}, {pipeline_mode = #tpu.pipeline_mode<synchronous>, transform_indices = @transform_6, window_bounds = array<i64: 1, 128>}, {pipeline_mode = #tpu.pipeline_mode<synchronous>, transform_indices = @transform_7, window_bounds = array<i64: 128, 128>}, {pipeline_mode = #tpu.pipeline_mode<synchronous>, transform_indices = @transform_8, window_bounds = array<i64: 128, 128>}, {pipeline_mode = #tpu.pipeline_mode<synchronous>, transform_indices = @transform_9, window_bounds = array<i64: 128, 128>}, {transform_indices = @transform_10, window_bounds = array<i64: 2000, 128>}, {pipeline_mode = #tpu.pipeline_mode<synchronous>, transform_indices = @transform_11, window_bounds = array<i64: 1, 128>}]} {
    %get3A = arith.constant 0 : index
    %get3A_0 = arith.constant 0 : index
    %get3A_1 = vector.load %arg7[%get3A, %get3A_0] : memref<1x128xf32, #tpu.memory_space<vmem>>, vector<1x128xf32>
    %get3A_2 = arith.constant 0 : index
    %get3A_3 = arith.constant 0 : index
    %get3A_4 = vector.load %arg3[%get3A_2, %get3A_3] : memref<1x128xf32, #tpu.memory_space<vmem>>, vector<1x128xf32>
    %get3A_5 = arith.constant 0 : index
    %get3A_6 = arith.constant 0 : index
    %get3A_7 = vector.load %arg8[%get3A_5, %get3A_6] : memref<128x128xf32, #tpu.memory_space<vmem>>, vector<128x128xf32>
    %dot_general3A = arith.constant dense<0.000000e+00> : vector<1x128xf32>
    %dot_general3A_8 = tpu.matmul %get3A_4, %get3A_7, %dot_general3A {dimension_numbers = #tpu.dot_dimension_numbers<[1], [0], [0], [1], [0, 0, 1, 1], [], []>, transpose_lhs_hint = false} : vector<1x128xf32>, vector<128x128xf32>, vector<1x128xf32> -> vector<1x128xf32>
    %add3A = arith.addf %get3A_1, %dot_general3A_8 : vector<1x128xf32>
    %get3A_9 = arith.constant 0 : index
    %get3A_10 = arith.constant 0 : index
    %get3A_11 = vector.load %arg4[%get3A_9, %get3A_10] : memref<1x128xf32, #tpu.memory_space<vmem>>, vector<1x128xf32>
    %get3A_12 = arith.constant 0 : index
    %get3A_13 = arith.constant 0 : index
    %get3A_14 = vector.load %arg9[%get3A_12, %get3A_13] : memref<128x128xf32, #tpu.memory_space<vmem>>, vector<128x128xf32>
    %dot_general3A_15 = arith.constant dense<0.000000e+00> : vector<1x128xf32>
    %dot_general3A_16 = tpu.matmul %get3A_11, %get3A_14, %dot_general3A_15 {dimension_numbers = #tpu.dot_dimension_numbers<[1], [0], [0], [1], [0, 0, 1, 1], [], []>, transpose_lhs_hint = false} : vector<1x128xf32>, vector<128x128xf32>, vector<1x128xf32> -> vector<1x128xf32>
    %add3A_17 = arith.addf %add3A, %dot_general3A_16 : vector<1x128xf32>
    %get3A_18 = arith.constant 0 : index
    %get3A_19 = arith.constant 0 : index
    %get3A_20 = vector.load %arg5[%get3A_18, %get3A_19] : memref<1x128xf32, #tpu.memory_space<vmem>>, vector<1x128xf32>
    %get3A_21 = arith.constant 0 : index
    %get3A_22 = arith.constant 0 : index
    %get3A_23 = vector.load %arg10[%get3A_21, %get3A_22] : memref<128x128xf32, #tpu.memory_space<vmem>>, vector<128x128xf32>
    %dot_general3A_24 = arith.constant dense<0.000000e+00> : vector<1x128xf32>
    %dot_general3A_25 = tpu.matmul %get3A_20, %get3A_23, %dot_general3A_24 {dimension_numbers = #tpu.dot_dimension_numbers<[1], [0], [0], [1], [0, 0, 1, 1], [], []>, transpose_lhs_hint = false} : vector<1x128xf32>, vector<128x128xf32>, vector<1x128xf32> -> vector<1x128xf32>
    %add3A_26 = arith.addf %add3A_17, %dot_general3A_25 : vector<1x128xf32>
    %get3A_27 = arith.constant 0 : index
    %get3A_28 = arith.constant 0 : index
    %get3A_29 = vector.load %arg1[%get3A_27, %get3A_28] : memref<2000x128xf32, #tpu.memory_space<vmem>>, vector<2000x128xf32>
    %get3A_30 = arith.constant 0 : index
    %get3A_31 = arith.constant 0 : index
    %get3A_32 = arith.constant 0 : index
    %get3A_33 = vector.load %arg2[%get3A_30, %get3A_31, %get3A_32] : memref<2x2000x128xf32, #tpu.memory_space<vmem>>, vector<1x2000x128xf32>
    %get3A_34 = vector.shape_cast %get3A_33 : vector<1x2000x128xf32> to vector<2000x128xf32>
    %add3A_35 = arith.addf %get3A_29, %get3A_34 : vector<2000x128xf32>
    %get3A_36 = arith.constant 1 : index
    %get3A_37 = arith.constant 0 : index
    %get3A_38 = arith.constant 0 : index
    %get3A_39 = vector.load %arg2[%get3A_36, %get3A_37, %get3A_38] : memref<2x2000x128xf32, #tpu.memory_space<vmem>>, vector<1x2000x128xf32>
    %get3A_40 = vector.shape_cast %get3A_39 : vector<1x2000x128xf32> to vector<2000x128xf32>
    %add3A_41 = arith.addf %add3A_35, %get3A_40 : vector<2000x128xf32>
    %get3A_42 = arith.constant 0 : index
    %get3A_43 = arith.constant 0 : index
    %get3A_44 = vector.load %arg6[%get3A_42, %get3A_43] : memref<128x128xf32, #tpu.memory_space<vmem>>, vector<128x128xf32>
    %dot_general3A_45 = arith.constant dense<0.000000e+00> : vector<2000x128xf32>
    %dot_general3A_46 = tpu.matmul %add3A_41, %get3A_44, %dot_general3A_45 {dimension_numbers = #tpu.dot_dimension_numbers<[1], [0], [0], [1], [0, 0, 1, 1], [], []>, transpose_lhs_hint = false} : vector<2000x128xf32>, vector<128x128xf32>, vector<2000x128xf32> -> vector<2000x128xf32>
    %add3A_47 = vector.broadcast %add3A_26 : vector<1x128xf32> to vector<2000x128xf32>
    %add3A_48 = arith.addf %dot_general3A_46, %add3A_47 : vector<2000x128xf32>
    %max3A = arith.constant 0.000000e+00 : f32
    %max3A_49 = vector.broadcast %max3A : f32 to vector<2000x128xf32>
    %max3A_50 = arith.maximumf %add3A_48, %max3A_49 : vector<2000x128xf32>
    %swap3A = arith.constant 0 : index
    %swap3A_51 = arith.constant 0 : index
    %swap3A_52 = vector.load %arg11[%swap3A, %swap3A_51] : memref<2000x128xf32, #tpu.memory_space<vmem>>, vector<2000x128xf32>
    tpu.vector_store %arg11[%swap3A, %swap3A_51], %max3A_50 {strides = array<i32>} : memref<2000x128xf32, #tpu.memory_space<vmem>>, vector<2000x128xf32>,
    %eq3A = arith.constant 0 : i32
    %eq3A_53 = arith.cmpi eq, %arg0, %eq3A : i32
    %convert_element_type3A = arith.extui %eq3A_53 : i1 to i32
    %cond3A = arith.constant 0 : i32
    %cond3A_54 = arith.cmpi ne, %convert_element_type3A, %cond3A : i32
    scf.if %cond3A_54 {
      %broadcast_in_dim3A_63 = arith.constant 0.000000e+00 : f32
      %broadcast_in_dim3A_64 = vector.broadcast %broadcast_in_dim3A_63 : f32 to vector<1x128xf32>
      %swap3A_65 = arith.constant 0 : index
      %swap3A_66 = arith.constant 0 : index
      %swap3A_67 = vector.load %arg12[%swap3A_65, %swap3A_66] : memref<1x128xf32, #tpu.memory_space<vmem>>, vector<1x128xf32>
      tpu.vector_store %arg12[%swap3A_65, %swap3A_66], %broadcast_in_dim3A_64 {strides = array<i32>} : memref<1x128xf32, #tpu.memory_space<vmem>>, vector<1x128xf32>,
    } else {
    }
    %get3A_55 = arith.constant 0 : index
    %get3A_56 = arith.constant 0 : index
    %get3A_57 = vector.load %arg12[%get3A_55, %get3A_56] : memref<1x128xf32, #tpu.memory_space<vmem>>, vector<1x128xf32>
    %reduce_sum3A = arith.constant dense<0.000000e+00> : vector<128xf32>
    %reduce_sum3A_58 = vector.multi_reduction <add>, %max3A_50, %reduce_sum3A [0] : vector<2000x128xf32> to vector<128xf32>
    %broadcast_in_dim3A = vector.shape_cast %reduce_sum3A_58 : vector<128xf32> to vector<1x128xf32>
    %add3A_59 = arith.addf %get3A_57, %broadcast_in_dim3A : vector<1x128xf32>
    %swap3A_60 = arith.constant 0 : index
    %swap3A_61 = arith.constant 0 : index
    %swap3A_62 = vector.load %arg12[%swap3A_60, %swap3A_61] : memref<1x128xf32, #tpu.memory_space<vmem>>, vector<1x128xf32>
    tpu.vector_store %arg12[%swap3A_60, %swap3A_61], %add3A_59 {strides = array<i32>} : memref<1x128xf32, #tpu.memory_space<vmem>>, vector<1x128xf32>,
    return
  }
  func.func @transform_0(%arg0: i32) -> (i32, i32) {
    %c0_i32 = arith.constant 0 : i32
    %c0_i32_0 = arith.constant 0 : i32
    return %arg0, %c0_i32 : i32, i32
  }
  func.func @transform_1(%arg0: i32) -> (i32, i32, i32) {
    %c0_i32 = arith.constant 0 : i32
    %c0_i32_0 = arith.constant 0 : i32
    %c0_i32_1 = arith.constant 0 : i32
    return %c0_i32, %arg0, %c0_i32_0 : i32, i32, i32
  }
  func.func @transform_2(%arg0: i32) -> (i32, i32) {
    %c0_i32 = arith.constant 0 : i32
    %c0_i32_0 = arith.constant 0 : i32
    %c0_i32_1 = arith.constant 0 : i32
    return %c0_i32, %c0_i32_0 : i32, i32
  }
  func.func @transform_3(%arg0: i32) -> (i32, i32) {
    %c0_i32 = arith.constant 0 : i32
    %c0_i32_0 = arith.constant 0 : i32
    %c0_i32_1 = arith.constant 0 : i32
    return %c0_i32, %c0_i32_0 : i32, i32
  }
  func.func @transform_4(%arg0: i32) -> (i32, i32) {
    %c0_i32 = arith.constant 0 : i32
    %c0_i32_0 = arith.constant 0 : i32
    %c0_i32_1 = arith.constant 0 : i32
    return %c0_i32, %c0_i32_0 : i32, i32
  }
  func.func @transform_5(%arg0: i32) -> (i32, i32) {
    %c0_i32 = arith.constant 0 : i32
    %c0_i32_0 = arith.constant 0 : i32
    %c0_i32_1 = arith.constant 0 : i32
    return %c0_i32, %c0_i32_0 : i32, i32
  }
  func.func @transform_6(%arg0: i32) -> (i32, i32) {
    %c0_i32 = arith.constant 0 : i32
    %c0_i32_0 = arith.constant 0 : i32
    %c0_i32_1 = arith.constant 0 : i32
    return %c0_i32, %c0_i32_0 : i32, i32
  }
  func.func @transform_7(%arg0: i32) -> (i32, i32) {
    %c0_i32 = arith.constant 0 : i32
    %c0_i32_0 = arith.constant 0 : i32
    %c0_i32_1 = arith.constant 0 : i32
    return %c0_i32, %c0_i32_0 : i32, i32
  }
  func.func @transform_8(%arg0: i32) -> (i32, i32) {
    %c0_i32 = arith.constant 0 : i32
    %c0_i32_0 = arith.constant 0 : i32
    %c0_i32_1 = arith.constant 0 : i32
    return %c0_i32, %c0_i32_0 : i32, i32
  }
  func.func @transform_9(%arg0: i32) -> (i32, i32) {
    %c0_i32 = arith.constant 0 : i32
    %c0_i32_0 = arith.constant 0 : i32
    %c0_i32_1 = arith.constant 0 : i32
    return %c0_i32, %c0_i32_0 : i32, i32
  }
  func.func @transform_10(%arg0: i32) -> (i32, i32) {
    %c0_i32 = arith.constant 0 : i32
    %c0_i32_0 = arith.constant 0 : i32
    return %arg0, %c0_i32 : i32, i32
  }
  func.func @transform_11(%arg0: i32) -> (i32, i32) {
    %c0_i32 = arith.constant 0 : i32
    %c0_i32_0 = arith.constant 0 : i32
    %c0_i32_1 = arith.constant 0 : i32
    return %c0_i32, %c0_i32_0 : i32, i32
  }
}

module attributes {stable_mosaic.version = 14 : i64} {
  func.func @_colsum3_body(%arg0: i32, %arg1: memref<2000x128xf32, #tpu.memory_space<vmem>>, %arg2: memref<2000x128xf32, #tpu.memory_space<vmem>>, %arg3: memref<2000x128xf32, #tpu.memory_space<vmem>>, %arg4: memref<1x128xf32, #tpu.memory_space<vmem>>, %arg5: memref<1x128xf32, #tpu.memory_space<vmem>>, %arg6: memref<1x128xf32, #tpu.memory_space<vmem>>) attributes {dimension_semantics = [#tpu.dimension_semantics<arbitrary>], iteration_bounds = array<i64: 5>, scalar_prefetch = 0 : i64, scratch_operands = 0 : i64, tpu.core_type = #tpu.core_type<tc>, window_params = [{transform_indices = @transform_0, window_bounds = array<i64: 2000, 128>}, {transform_indices = @transform_1, window_bounds = array<i64: 2000, 128>}, {transform_indices = @transform_2, window_bounds = array<i64: 2000, 128>}, {pipeline_mode = #tpu.pipeline_mode<synchronous>, transform_indices = @transform_3, window_bounds = array<i64: 1, 128>}, {pipeline_mode = #tpu.pipeline_mode<synchronous>, transform_indices = @transform_4, window_bounds = array<i64: 1, 128>}, {pipeline_mode = #tpu.pipeline_mode<synchronous>, transform_indices = @transform_5, window_bounds = array<i64: 1, 128>}]} {
    %eq3A = arith.constant 0 : i32
    %eq3A_0 = arith.cmpi eq, %arg0, %eq3A : i32
    %convert_element_type3A = arith.extui %eq3A_0 : i1 to i32
    %cond3A = arith.constant 0 : i32
    %cond3A_1 = arith.cmpi ne, %convert_element_type3A, %cond3A : i32
    scf.if %cond3A_1 {
      %broadcast_in_dim3A_36 = arith.constant 0.000000e+00 : f32
      %broadcast_in_dim3A_37 = vector.broadcast %broadcast_in_dim3A_36 : f32 to vector<1x128xf32>
      %swap3A_38 = arith.constant 0 : index
      %swap3A_39 = arith.constant 0 : index
      %swap3A_40 = vector.load %arg4[%swap3A_38, %swap3A_39] : memref<1x128xf32, #tpu.memory_space<vmem>>, vector<1x128xf32>
      tpu.vector_store %arg4[%swap3A_38, %swap3A_39], %broadcast_in_dim3A_37 {strides = array<i32>} : memref<1x128xf32, #tpu.memory_space<vmem>>, vector<1x128xf32>,
      %broadcast_in_dim3A_41 = arith.constant 0.000000e+00 : f32
      %broadcast_in_dim3A_42 = vector.broadcast %broadcast_in_dim3A_41 : f32 to vector<1x128xf32>
      %swap3A_43 = arith.constant 0 : index
      %swap3A_44 = arith.constant 0 : index
      %swap3A_45 = vector.load %arg5[%swap3A_43, %swap3A_44] : memref<1x128xf32, #tpu.memory_space<vmem>>, vector<1x128xf32>
      tpu.vector_store %arg5[%swap3A_43, %swap3A_44], %broadcast_in_dim3A_42 {strides = array<i32>} : memref<1x128xf32, #tpu.memory_space<vmem>>, vector<1x128xf32>,
      %broadcast_in_dim3A_46 = arith.constant 0.000000e+00 : f32
      %broadcast_in_dim3A_47 = vector.broadcast %broadcast_in_dim3A_46 : f32 to vector<1x128xf32>
      %swap3A_48 = arith.constant 0 : index
      %swap3A_49 = arith.constant 0 : index
      %swap3A_50 = vector.load %arg6[%swap3A_48, %swap3A_49] : memref<1x128xf32, #tpu.memory_space<vmem>>, vector<1x128xf32>
      tpu.vector_store %arg6[%swap3A_48, %swap3A_49], %broadcast_in_dim3A_47 {strides = array<i32>} : memref<1x128xf32, #tpu.memory_space<vmem>>, vector<1x128xf32>,
    } else {
    }
    %get3A = arith.constant 0 : index
    %get3A_2 = arith.constant 0 : index
    %get3A_3 = vector.load %arg4[%get3A, %get3A_2] : memref<1x128xf32, #tpu.memory_space<vmem>>, vector<1x128xf32>
    %get3A_4 = arith.constant 0 : index
    %get3A_5 = arith.constant 0 : index
    %get3A_6 = vector.load %arg1[%get3A_4, %get3A_5] : memref<2000x128xf32, #tpu.memory_space<vmem>>, vector<2000x128xf32>
    %reduce_sum3A = arith.constant dense<0.000000e+00> : vector<128xf32>
    %reduce_sum3A_7 = vector.multi_reduction <add>, %get3A_6, %reduce_sum3A [0] : vector<2000x128xf32> to vector<128xf32>
    %broadcast_in_dim3A = vector.shape_cast %reduce_sum3A_7 : vector<128xf32> to vector<1x128xf32>
    %add3A = arith.addf %get3A_3, %broadcast_in_dim3A : vector<1x128xf32>
    %swap3A = arith.constant 0 : index
    %swap3A_8 = arith.constant 0 : index
    %swap3A_9 = vector.load %arg4[%swap3A, %swap3A_8] : memref<1x128xf32, #tpu.memory_space<vmem>>, vector<1x128xf32>
    tpu.vector_store %arg4[%swap3A, %swap3A_8], %add3A {strides = array<i32>} : memref<1x128xf32, #tpu.memory_space<vmem>>, vector<1x128xf32>,
    %get3A_10 = arith.constant 0 : index
    %get3A_11 = arith.constant 0 : index
    %get3A_12 = vector.load %arg5[%get3A_10, %get3A_11] : memref<1x128xf32, #tpu.memory_space<vmem>>, vector<1x128xf32>
    %get3A_13 = arith.constant 0 : index
    %get3A_14 = arith.constant 0 : index
    %get3A_15 = vector.load %arg2[%get3A_13, %get3A_14] : memref<2000x128xf32, #tpu.memory_space<vmem>>, vector<2000x128xf32>
    %reduce_sum3A_16 = arith.constant dense<0.000000e+00> : vector<128xf32>
    %reduce_sum3A_17 = vector.multi_reduction <add>, %get3A_15, %reduce_sum3A_16 [0] : vector<2000x128xf32> to vector<128xf32>
    %broadcast_in_dim3A_18 = vector.shape_cast %reduce_sum3A_17 : vector<128xf32> to vector<1x128xf32>
    %add3A_19 = arith.addf %get3A_12, %broadcast_in_dim3A_18 : vector<1x128xf32>
    %swap3A_20 = arith.constant 0 : index
    %swap3A_21 = arith.constant 0 : index
    %swap3A_22 = vector.load %arg5[%swap3A_20, %swap3A_21] : memref<1x128xf32, #tpu.memory_space<vmem>>, vector<1x128xf32>
    tpu.vector_store %arg5[%swap3A_20, %swap3A_21], %add3A_19 {strides = array<i32>} : memref<1x128xf32, #tpu.memory_space<vmem>>, vector<1x128xf32>,
    %get3A_23 = arith.constant 0 : index
    %get3A_24 = arith.constant 0 : index
    %get3A_25 = vector.load %arg6[%get3A_23, %get3A_24] : memref<1x128xf32, #tpu.memory_space<vmem>>, vector<1x128xf32>
    %get3A_26 = arith.constant 0 : index
    %get3A_27 = arith.constant 0 : index
    %get3A_28 = vector.load %arg3[%get3A_26, %get3A_27] : memref<2000x128xf32, #tpu.memory_space<vmem>>, vector<2000x128xf32>
    %reduce_sum3A_29 = arith.constant dense<0.000000e+00> : vector<128xf32>
    %reduce_sum3A_30 = vector.multi_reduction <add>, %get3A_28, %reduce_sum3A_29 [0] : vector<2000x128xf32> to vector<128xf32>
    %broadcast_in_dim3A_31 = vector.shape_cast %reduce_sum3A_30 : vector<128xf32> to vector<1x128xf32>
    %add3A_32 = arith.addf %get3A_25, %broadcast_in_dim3A_31 : vector<1x128xf32>
    %swap3A_33 = arith.constant 0 : index
    %swap3A_34 = arith.constant 0 : index
    %swap3A_35 = vector.load %arg6[%swap3A_33, %swap3A_34] : memref<1x128xf32, #tpu.memory_space<vmem>>, vector<1x128xf32>
    tpu.vector_store %arg6[%swap3A_33, %swap3A_34], %add3A_32 {strides = array<i32>} : memref<1x128xf32, #tpu.memory_space<vmem>>, vector<1x128xf32>,
    return
  }
  func.func @transform_0(%arg0: i32) -> (i32, i32) {
    %c0_i32 = arith.constant 0 : i32
    %c0_i32_0 = arith.constant 0 : i32
    return %arg0, %c0_i32 : i32, i32
  }
  func.func @transform_1(%arg0: i32) -> (i32, i32) {
    %c0_i32 = arith.constant 0 : i32
    %c0_i32_0 = arith.constant 0 : i32
    return %arg0, %c0_i32 : i32, i32
  }
  func.func @transform_2(%arg0: i32) -> (i32, i32) {
    %c0_i32 = arith.constant 0 : i32
    %c0_i32_0 = arith.constant 0 : i32
    return %arg0, %c0_i32 : i32, i32
  }
  func.func @transform_3(%arg0: i32) -> (i32, i32) {
    %c0_i32 = arith.constant 0 : i32
    %c0_i32_0 = arith.constant 0 : i32
    %c0_i32_1 = arith.constant 0 : i32
    return %c0_i32, %c0_i32_0 : i32, i32
  }
  func.func @transform_4(%arg0: i32) -> (i32, i32) {
    %c0_i32 = arith.constant 0 : i32
    %c0_i32_0 = arith.constant 0 : i32
    %c0_i32_1 = arith.constant 0 : i32
    return %c0_i32, %c0_i32_0 : i32, i32
  }
  func.func @transform_5(%arg0: i32) -> (i32, i32) {
    %c0_i32 = arith.constant 0 : i32
    %c0_i32_0 = arith.constant 0 : i32
    %c0_i32_1 = arith.constant 0 : i32
    return %c0_i32, %c0_i32_0 : i32, i32
  }
}

module attributes {stable_mosaic.version = 14 : i64} {
  func.func @_dense3_body(%arg0: i32, %arg1: memref<2000x128xf32, #tpu.memory_space<vmem>>, %arg2: memref<2x2000x128xf32, #tpu.memory_space<vmem>>, %arg3: memref<1x128xf32, #tpu.memory_space<vmem>>, %arg4: memref<1x128xf32, #tpu.memory_space<vmem>>, %arg5: memref<1x128xf32, #tpu.memory_space<vmem>>, %arg6: memref<128x128xf32, #tpu.memory_space<vmem>>, %arg7: memref<1x128xf32, #tpu.memory_space<vmem>>, %arg8: memref<128x128xf32, #tpu.memory_space<vmem>>, %arg9: memref<128x128xf32, #tpu.memory_space<vmem>>, %arg10: memref<128x128xf32, #tpu.memory_space<vmem>>, %arg11: memref<128x128xf32, #tpu.memory_space<vmem>>, %arg12: memref<1x128xf32, #tpu.memory_space<vmem>>, %arg13: memref<128x64xf32, #tpu.memory_space<vmem>>, %arg14: memref<1x64xf32, #tpu.memory_space<vmem>>, %arg15: memref<1x64xf32, #tpu.memory_space<vmem>>, %arg16: memref<1x128xf32, #tpu.memory_space<vmem>>) attributes {dimension_semantics = [#tpu.dimension_semantics<arbitrary>], iteration_bounds = array<i64: 5>, scalar_prefetch = 0 : i64, scratch_operands = 1 : i64, tpu.core_type = #tpu.core_type<tc>, window_params = [{transform_indices = @transform_0, window_bounds = array<i64: 2000, 128>}, {transform_indices = @transform_1, window_bounds = array<i64: 2, 2000, 128>}, {pipeline_mode = #tpu.pipeline_mode<synchronous>, transform_indices = @transform_2, window_bounds = array<i64: 1, 128>}, {pipeline_mode = #tpu.pipeline_mode<synchronous>, transform_indices = @transform_3, window_bounds = array<i64: 1, 128>}, {pipeline_mode = #tpu.pipeline_mode<synchronous>, transform_indices = @transform_4, window_bounds = array<i64: 1, 128>}, {pipeline_mode = #tpu.pipeline_mode<synchronous>, transform_indices = @transform_5, window_bounds = array<i64: 128, 128>}, {pipeline_mode = #tpu.pipeline_mode<synchronous>, transform_indices = @transform_6, window_bounds = array<i64: 1, 128>}, {pipeline_mode = #tpu.pipeline_mode<synchronous>, transform_indices = @transform_7, window_bounds = array<i64: 128, 128>}, {pipeline_mode = #tpu.pipeline_mode<synchronous>, transform_indices = @transform_8, window_bounds = array<i64: 128, 128>}, {pipeline_mode = #tpu.pipeline_mode<synchronous>, transform_indices = @transform_9, window_bounds = array<i64: 128, 128>}, {pipeline_mode = #tpu.pipeline_mode<synchronous>, transform_indices = @transform_10, window_bounds = array<i64: 128, 128>}, {pipeline_mode = #tpu.pipeline_mode<synchronous>, transform_indices = @transform_11, window_bounds = array<i64: 1, 128>}, {pipeline_mode = #tpu.pipeline_mode<synchronous>, transform_indices = @transform_12, window_bounds = array<i64: 128, 64>}, {pipeline_mode = #tpu.pipeline_mode<synchronous>, transform_indices = @transform_13, window_bounds = array<i64: 1, 64>}, {pipeline_mode = #tpu.pipeline_mode<synchronous>, transform_indices = @transform_14, window_bounds = array<i64: 1, 64>}]} {
    %get3A = arith.constant 0 : index
    %get3A_0 = arith.constant 0 : index
    %get3A_1 = vector.load %arg7[%get3A, %get3A_0] : memref<1x128xf32, #tpu.memory_space<vmem>>, vector<1x128xf32>
    %get3A_2 = arith.constant 0 : index
    %get3A_3 = arith.constant 0 : index
    %get3A_4 = vector.load %arg3[%get3A_2, %get3A_3] : memref<1x128xf32, #tpu.memory_space<vmem>>, vector<1x128xf32>
    %get3A_5 = arith.constant 0 : index
    %get3A_6 = arith.constant 0 : index
    %get3A_7 = vector.load %arg8[%get3A_5, %get3A_6] : memref<128x128xf32, #tpu.memory_space<vmem>>, vector<128x128xf32>
    %dot_general3A = arith.constant dense<0.000000e+00> : vector<1x128xf32>
    %dot_general3A_8 = tpu.matmul %get3A_4, %get3A_7, %dot_general3A {dimension_numbers = #tpu.dot_dimension_numbers<[1], [0], [0], [1], [0, 0, 1, 1], [], []>, transpose_lhs_hint = false} : vector<1x128xf32>, vector<128x128xf32>, vector<1x128xf32> -> vector<1x128xf32>
    %add3A = arith.addf %get3A_1, %dot_general3A_8 : vector<1x128xf32>
    %get3A_9 = arith.constant 0 : index
    %get3A_10 = arith.constant 0 : index
    %get3A_11 = vector.load %arg4[%get3A_9, %get3A_10] : memref<1x128xf32, #tpu.memory_space<vmem>>, vector<1x128xf32>
    %get3A_12 = arith.constant 0 : index
    %get3A_13 = arith.constant 0 : index
    %get3A_14 = vector.load %arg9[%get3A_12, %get3A_13] : memref<128x128xf32, #tpu.memory_space<vmem>>, vector<128x128xf32>
    %dot_general3A_15 = arith.constant dense<0.000000e+00> : vector<1x128xf32>
    %dot_general3A_16 = tpu.matmul %get3A_11, %get3A_14, %dot_general3A_15 {dimension_numbers = #tpu.dot_dimension_numbers<[1], [0], [0], [1], [0, 0, 1, 1], [], []>, transpose_lhs_hint = false} : vector<1x128xf32>, vector<128x128xf32>, vector<1x128xf32> -> vector<1x128xf32>
    %add3A_17 = arith.addf %add3A, %dot_general3A_16 : vector<1x128xf32>
    %get3A_18 = arith.constant 0 : index
    %get3A_19 = arith.constant 0 : index
    %get3A_20 = vector.load %arg5[%get3A_18, %get3A_19] : memref<1x128xf32, #tpu.memory_space<vmem>>, vector<1x128xf32>
    %get3A_21 = arith.constant 0 : index
    %get3A_22 = arith.constant 0 : index
    %get3A_23 = vector.load %arg10[%get3A_21, %get3A_22] : memref<128x128xf32, #tpu.memory_space<vmem>>, vector<128x128xf32>
    %dot_general3A_24 = arith.constant dense<0.000000e+00> : vector<1x128xf32>
    %dot_general3A_25 = tpu.matmul %get3A_20, %get3A_23, %dot_general3A_24 {dimension_numbers = #tpu.dot_dimension_numbers<[1], [0], [0], [1], [0, 0, 1, 1], [], []>, transpose_lhs_hint = false} : vector<1x128xf32>, vector<128x128xf32>, vector<1x128xf32> -> vector<1x128xf32>
    %add3A_26 = arith.addf %add3A_17, %dot_general3A_25 : vector<1x128xf32>
    %get3A_27 = arith.constant 0 : index
    %get3A_28 = arith.constant 0 : index
    %get3A_29 = vector.load %arg1[%get3A_27, %get3A_28] : memref<2000x128xf32, #tpu.memory_space<vmem>>, vector<2000x128xf32>
    %get3A_30 = arith.constant 0 : index
    %get3A_31 = arith.constant 0 : index
    %get3A_32 = arith.constant 0 : index
    %get3A_33 = vector.load %arg2[%get3A_30, %get3A_31, %get3A_32] : memref<2x2000x128xf32, #tpu.memory_space<vmem>>, vector<1x2000x128xf32>
    %get3A_34 = vector.shape_cast %get3A_33 : vector<1x2000x128xf32> to vector<2000x128xf32>
    %add3A_35 = arith.addf %get3A_29, %get3A_34 : vector<2000x128xf32>
    %get3A_36 = arith.constant 1 : index
    %get3A_37 = arith.constant 0 : index
    %get3A_38 = arith.constant 0 : index
    %get3A_39 = vector.load %arg2[%get3A_36, %get3A_37, %get3A_38] : memref<2x2000x128xf32, #tpu.memory_space<vmem>>, vector<1x2000x128xf32>
    %get3A_40 = vector.shape_cast %get3A_39 : vector<1x2000x128xf32> to vector<2000x128xf32>
    %add3A_41 = arith.addf %add3A_35, %get3A_40 : vector<2000x128xf32>
    %get3A_42 = arith.constant 0 : index
    %get3A_43 = arith.constant 0 : index
    %get3A_44 = vector.load %arg6[%get3A_42, %get3A_43] : memref<128x128xf32, #tpu.memory_space<vmem>>, vector<128x128xf32>
    %dot_general3A_45 = arith.constant dense<0.000000e+00> : vector<2000x128xf32>
    %dot_general3A_46 = tpu.matmul %add3A_41, %get3A_44, %dot_general3A_45 {dimension_numbers = #tpu.dot_dimension_numbers<[1], [0], [0], [1], [0, 0, 1, 1], [], []>, transpose_lhs_hint = false} : vector<2000x128xf32>, vector<128x128xf32>, vector<2000x128xf32> -> vector<2000x128xf32>
    %add3A_47 = vector.broadcast %add3A_26 : vector<1x128xf32> to vector<2000x128xf32>
    %add3A_48 = arith.addf %dot_general3A_46, %add3A_47 : vector<2000x128xf32>
    %max3A = arith.constant 0.000000e+00 : f32
    %max3A_49 = vector.broadcast %max3A : f32 to vector<2000x128xf32>
    %max3A_50 = arith.maximumf %add3A_48, %max3A_49 : vector<2000x128xf32>
    %eq3A = arith.constant 0 : i32
    %eq3A_51 = arith.cmpi eq, %arg0, %eq3A : i32
    %convert_element_type3A = arith.extui %eq3A_51 : i1 to i32
    %cond3A = arith.constant 0 : i32
    %cond3A_52 = arith.cmpi ne, %convert_element_type3A, %cond3A : i32
    scf.if %cond3A_52 {
      %broadcast_in_dim3A_65 = arith.constant 0.000000e+00 : f32
      %broadcast_in_dim3A_66 = vector.broadcast %broadcast_in_dim3A_65 : f32 to vector<1x128xf32>
      %swap3A_67 = arith.constant 0 : index
      %swap3A_68 = arith.constant 0 : index
      %swap3A_69 = vector.load %arg16[%swap3A_67, %swap3A_68] : memref<1x128xf32, #tpu.memory_space<vmem>>, vector<1x128xf32>
      tpu.vector_store %arg16[%swap3A_67, %swap3A_68], %broadcast_in_dim3A_66 {strides = array<i32>} : memref<1x128xf32, #tpu.memory_space<vmem>>, vector<1x128xf32>,
    } else {
    }
    %get3A_53 = arith.constant 0 : index
    %get3A_54 = arith.constant 0 : index
    %get3A_55 = vector.load %arg16[%get3A_53, %get3A_54] : memref<1x128xf32, #tpu.memory_space<vmem>>, vector<1x128xf32>
    %reduce_sum3A = arith.constant dense<0.000000e+00> : vector<128xf32>
    %reduce_sum3A_56 = vector.multi_reduction <add>, %max3A_50, %reduce_sum3A [0] : vector<2000x128xf32> to vector<128xf32>
    %broadcast_in_dim3A = vector.shape_cast %reduce_sum3A_56 : vector<128xf32> to vector<1x128xf32>
    %add3A_57 = arith.addf %get3A_55, %broadcast_in_dim3A : vector<1x128xf32>
    %swap3A = arith.constant 0 : index
    %swap3A_58 = arith.constant 0 : index
    %swap3A_59 = vector.load %arg16[%swap3A, %swap3A_58] : memref<1x128xf32, #tpu.memory_space<vmem>>, vector<1x128xf32>
    tpu.vector_store %arg16[%swap3A, %swap3A_58], %add3A_57 {strides = array<i32>} : memref<1x128xf32, #tpu.memory_space<vmem>>, vector<1x128xf32>,
    %eq3A_60 = arith.constant 4 : i32
    %eq3A_61 = arith.cmpi eq, %arg0, %eq3A_60 : i32
    %convert_element_type3A_62 = arith.extui %eq3A_61 : i1 to i32
    %cond3A_63 = arith.constant 0 : i32
    %cond3A_64 = arith.cmpi ne, %convert_element_type3A_62, %cond3A_63 : i32
    scf.if %cond3A_64 {
      %get3A_65 = arith.constant 0 : index
      %get3A_66 = arith.constant 0 : index
      %get3A_67 = vector.load %arg16[%get3A_65, %get3A_66] : memref<1x128xf32, #tpu.memory_space<vmem>>, vector<1x128xf32>
      %get3A_68 = arith.constant 0 : index
      %get3A_69 = arith.constant 0 : index
      %get3A_70 = vector.load %arg11[%get3A_68, %get3A_69] : memref<128x128xf32, #tpu.memory_space<vmem>>, vector<128x128xf32>
      %dot_general3A_71 = arith.constant dense<0.000000e+00> : vector<1x128xf32>
      %dot_general3A_72 = tpu.matmul %get3A_67, %get3A_70, %dot_general3A_71 {dimension_numbers = #tpu.dot_dimension_numbers<[1], [0], [0], [1], [0, 0, 1, 1], [], []>, transpose_lhs_hint = false} : vector<1x128xf32>, vector<128x128xf32>, vector<1x128xf32> -> vector<1x128xf32>
      %get3A_73 = arith.constant 0 : index
      %get3A_74 = arith.constant 0 : index
      %get3A_75 = vector.load %arg12[%get3A_73, %get3A_74] : memref<1x128xf32, #tpu.memory_space<vmem>>, vector<1x128xf32>
      %add3A_76 = arith.addf %dot_general3A_72, %get3A_75 : vector<1x128xf32>
      %max3A_77 = arith.constant 0.000000e+00 : f32
      %max3A_78 = vector.broadcast %max3A_77 : f32 to vector<1x128xf32>
      %max3A_79 = arith.maximumf %add3A_76, %max3A_78 : vector<1x128xf32>
      %get3A_80 = arith.constant 0 : index
      %get3A_81 = arith.constant 0 : index
      %get3A_82 = vector.load %arg13[%get3A_80, %get3A_81] : memref<128x64xf32, #tpu.memory_space<vmem>>, vector<128x64xf32>
      %dot_general3A_83 = arith.constant dense<0.000000e+00> : vector<1x64xf32>
      %dot_general3A_84 = tpu.matmul %max3A_79, %get3A_82, %dot_general3A_83 {dimension_numbers = #tpu.dot_dimension_numbers<[1], [0], [0], [1], [0, 0, 1, 1], [], []>, transpose_lhs_hint = false} : vector<1x128xf32>, vector<128x64xf32>, vector<1x64xf32> -> vector<1x64xf32>
      %get3A_85 = arith.constant 0 : index
      %get3A_86 = arith.constant 0 : index
      %get3A_87 = vector.load %arg14[%get3A_85, %get3A_86] : memref<1x64xf32, #tpu.memory_space<vmem>>, vector<1x64xf32>
      %add3A_88 = arith.addf %dot_general3A_84, %get3A_87 : vector<1x64xf32>
      %swap3A_89 = arith.constant 0 : index
      %swap3A_90 = arith.constant 0 : index
      %swap3A_91 = vector.load %arg15[%swap3A_89, %swap3A_90] : memref<1x64xf32, #tpu.memory_space<vmem>>, vector<1x64xf32>
      tpu.vector_store %arg15[%swap3A_89, %swap3A_90], %add3A_88 {strides = array<i32>} : memref<1x64xf32, #tpu.memory_space<vmem>>, vector<1x64xf32>,
    } else {
    }
    return
  }
  func.func @transform_0(%arg0: i32) -> (i32, i32) {
    %c0_i32 = arith.constant 0 : i32
    %c0_i32_0 = arith.constant 0 : i32
    return %arg0, %c0_i32 : i32, i32
  }
  func.func @transform_1(%arg0: i32) -> (i32, i32, i32) {
    %c0_i32 = arith.constant 0 : i32
    %c0_i32_0 = arith.constant 0 : i32
    %c0_i32_1 = arith.constant 0 : i32
    return %c0_i32, %arg0, %c0_i32_0 : i32, i32, i32
  }
  func.func @transform_2(%arg0: i32) -> (i32, i32) {
    %c0_i32 = arith.constant 0 : i32
    %c0_i32_0 = arith.constant 0 : i32
    %c0_i32_1 = arith.constant 0 : i32
    return %c0_i32, %c0_i32_0 : i32, i32
  }
  func.func @transform_3(%arg0: i32) -> (i32, i32) {
    %c0_i32 = arith.constant 0 : i32
    %c0_i32_0 = arith.constant 0 : i32
    %c0_i32_1 = arith.constant 0 : i32
    return %c0_i32, %c0_i32_0 : i32, i32
  }
  func.func @transform_4(%arg0: i32) -> (i32, i32) {
    %c0_i32 = arith.constant 0 : i32
    %c0_i32_0 = arith.constant 0 : i32
    %c0_i32_1 = arith.constant 0 : i32
    return %c0_i32, %c0_i32_0 : i32, i32
  }
  func.func @transform_5(%arg0: i32) -> (i32, i32) {
    %c0_i32 = arith.constant 0 : i32
    %c0_i32_0 = arith.constant 0 : i32
    %c0_i32_1 = arith.constant 0 : i32
    return %c0_i32, %c0_i32_0 : i32, i32
  }
  func.func @transform_6(%arg0: i32) -> (i32, i32) {
    %c0_i32 = arith.constant 0 : i32
    %c0_i32_0 = arith.constant 0 : i32
    %c0_i32_1 = arith.constant 0 : i32
    return %c0_i32, %c0_i32_0 : i32, i32
  }
  func.func @transform_7(%arg0: i32) -> (i32, i32) {
    %c0_i32 = arith.constant 0 : i32
    %c0_i32_0 = arith.constant 0 : i32
    %c0_i32_1 = arith.constant 0 : i32
    return %c0_i32, %c0_i32_0 : i32, i32
  }
  func.func @transform_8(%arg0: i32) -> (i32, i32) {
    %c0_i32 = arith.constant 0 : i32
    %c0_i32_0 = arith.constant 0 : i32
    %c0_i32_1 = arith.constant 0 : i32
    return %c0_i32, %c0_i32_0 : i32, i32
  }
  func.func @transform_9(%arg0: i32) -> (i32, i32) {
    %c0_i32 = arith.constant 0 : i32
    %c0_i32_0 = arith.constant 0 : i32
    %c0_i32_1 = arith.constant 0 : i32
    return %c0_i32, %c0_i32_0 : i32, i32
  }
  func.func @transform_10(%arg0: i32) -> (i32, i32) {
    %c0_i32 = arith.constant 0 : i32
    %c0_i32_0 = arith.constant 0 : i32
    %c0_i32_1 = arith.constant 0 : i32
    return %c0_i32, %c0_i32_0 : i32, i32
  }
  func.func @transform_11(%arg0: i32) -> (i32, i32) {
    %c0_i32 = arith.constant 0 : i32
    %c0_i32_0 = arith.constant 0 : i32
    %c0_i32_1 = arith.constant 0 : i32
    return %c0_i32, %c0_i32_0 : i32, i32
  }
  func.func @transform_12(%arg0: i32) -> (i32, i32) {
    %c0_i32 = arith.constant 0 : i32
    %c0_i32_0 = arith.constant 0 : i32
    %c0_i32_1 = arith.constant 0 : i32
    return %c0_i32, %c0_i32_0 : i32, i32
  }
  func.func @transform_13(%arg0: i32) -> (i32, i32) {
    %c0_i32 = arith.constant 0 : i32
    %c0_i32_0 = arith.constant 0 : i32
    %c0_i32_1 = arith.constant 0 : i32
    return %c0_i32, %c0_i32_0 : i32, i32
  }
  func.func @transform_14(%arg0: i32) -> (i32, i32) {
    %c0_i32 = arith.constant 0 : i32
    %c0_i32_0 = arith.constant 0 : i32
    %c0_i32_1 = arith.constant 0 : i32
    return %c0_i32, %c0_i32_0 : i32, i32
  }
}

</mosaic_0001>

<sc_bundles>
// kernel: kernel.12.cloned.1.call-start
scs
__scs_entry_jumppad:
0x0: {  	(pc) =	sbr.rel $0x88, $3  }
0x1: {  	(tag) =	ssettag $0x0;
	lr =	simm.s32 $0x1  }
0x2: {  	[smem:$0x3F8A] =	sst lr;
	_ =	strace $0xD0000000  }
0x3: {  	_ = 	snop  }
0x4: {  	_ = 	snop  }
0x5: {  	_ = 	snop  }
0x6: {  	_ = 	snop  }
0x7: {  	_ = 	snop  }
__scs_overlays_trampoline_lowered:
0x8: {  	[smem:$0x3F99] =	sst s0  }
0x9: {  	[smem:$0x3F9A] =	sst s1  }
0xa: {  	[smem:$0x3F9B] =	sst s2  }
0xb: {  	[smem:$0x3F9C] =	sst s3  }
0xc: {  	[smem:$0x3F9D] =	sst s4  }
0xd: {  	[smem:$0x3F9E] =	sst s5  }
0xe: {  	[smem:$0x3F9F] =	sst s6  }
0xf: {  	[smem:$0x3FA0] =	sst s7  }
0x10: {  	[smem:$0x3FA1] =	sst s8  }
0x11: {  	[smem:$0x3FA2] =	sst s9;
	s0 =	simm.s32 @!p0 $0x0  }
0x12: {  	s1 =	sld [smem:$0x3F88];
	s0 =	simm.s32 @p0 $0x1  }
0x13: {  	[smem:$0x3FA3] =	sst s0;
	s0 =	simm.s32 @!p1 $0x0  }
0x14: {  	s2 =	sld [smem:$0x3F87];
	s0 =	simm.s32 @p1 $0x1  }
0x15: {  	[smem:$0x3FA4] =	sst s0;
	s0 =	simm.s32 @!p2 $0x0  }
0x16: {  	s3 =	sld [smem:$0x3FDB];
	s0 =	simm.s32 @p2 $0x1  }
0x17: {  	s4 =	simm.s32 $0x1BF5;
	[smem:$0x3FA6] =	sst s0  }
0x18: {  	s0 =	sld [smem:$0x3F89];
	_ =	swait.ge [sflag:s4], $0x0  }
0x19: {  	s7 =	sld [smem:$0x3F8A]  }
0x1a: {  	s8 =	sadd.s32 $0xFFFFE003, lr  }
0x1b: {  	s9 =	sadd.s32 $0xFFFFFEF7, lr;
	s5 =	simm.s32 $0xFFFFFFFF;
	p2 =	slt.u32 s8, $0xFFFFF086  }
0x1c: {  	p1 =	slt.u32 s9, $0xF7A;
	s5 =	simm.s32 @!p2 $0x0  }
0x1d: {  	s5 =	simm.s32 @p1 $0x1;
	p0 =	seq.s32 s7, s2  }
0x1e: {  	s7 =	smul.u32 @!p0 $0xF7A, s2;
	p2 =	seq.s32 @!p0 s5, $0x0  }
0x1f: {  	s9 =	smul.u32 $0xF7A, s1;
	s8 =	simm.s32 @!p0 $0x1BF5;
	p2 =	por !p2, p0  }
0x20: {  	[sflag:s8] =	ssyncset.s32 @!p0 $0xFFFFF086;
	s6 =	sadd.s32 @!p0 s3, s7;
	s7 =	simm.s32 @!p0 $0x108  }
0x21: {  	s3 =	sadd.s32 s3, s9;
	s6 =	sadd.s32 @!p0 $0x88, s6;
	s7 =	simm.s32 @p2 $0x1082  }
0x22: {  	[simem:s7], [sflag:s8] =	dma.local @!p0 [hbm:s6], $0xF7A  }
0x23: {  	s9 =	sor.u32 $0xD0000000, s2;
	s6 =	simm.s32 $0x108;
	_ =	swait.ge @!p0 [sflag:s8], $0x0  }
0x24: {  	s3 =	sadd.s32 $0x88, s3;
	s6 =	simm.s32 @!p1 $0x1082;
	[sflag:s4] =	ssyncset.s32 $0xFFFFF086  }
0x25: {  	[simem:s6], [sflag:s4] =	dma.local [hbm:s3], $0xF7A  }
0x26: {  	[smem:$0x3F8A] =	sst s1;
	(tag) =	ssettag s2;
	_ =	strace s9  }
0x27: {  	s1 =	sld [smem:$0x3F9A]  }
0x28: {  	s2 =	sld [smem:$0x3F9B]  }
0x29: {  	s4 =	sld [smem:$0x3F9D]  }
0x2a: {  	p0 =	seq.s32 s5, $0x0;
	s5 =	sld [smem:$0x3F9E]  }
0x2b: {  	s6 =	sld [smem:$0x3F9F]  }
0x2c: {  	s7 =	sld [smem:$0x3FA0]  }
0x2d: {  	s3 =	simm.s32 $0x108;
	s8 =	sld [smem:$0x3FA1]  }
0x2e: {  	s3 =	simm.s32 @!p0 $0x1082;
	s9 =	sld [smem:$0x3FA2]  }
0x2f: {  	lr =	sadd.s32 s0, s3;
	s0 =	sld [smem:$0x3F99]  }
0x30: {  	s3 =	sld [smem:$0x3F9C]  }
0x31: {  	[smem:$0x3FA5] =	sst s10  }
0x32: {  	s10 =	sld [smem:$0x3FA3];
	_ =	sdelay $0x3  }
0x33: {  	p0 =	seq.s32 s10, $0x1;
	s10 =	sld [smem:$0x3FA5];
	_ =	sdelay $0x3  }
0x34: {  	[smem:$0x3FA5] =	sst s10  }
0x35: {  	s10 =	sld [smem:$0x3FA4];
	_ =	sdelay $0x3  }
0x36: {  	p1 =	seq.s32 s10, $0x1;
	s10 =	sld [smem:$0x3FA5];
	_ =	sdelay $0x3  }
0x37: {  	[smem:$0x3FA5] =	sst s10  }
0x38: {  	s10 =	sld [smem:$0x3FA6]  }
0x39: {  	_ = 	snop;
	(pc) =	sbr.ind lr, $3  }
0x3a: {  	_ = 	snop  }
0x3b: {  	_ = 	snop  }
0x3c: {  	p2 =	seq.s32 s10, $0x1;
	s10 =	sld [smem:$0x3FA5]  }
0x3d: {  	_ =	shalt  }
0x3e: {  	_ =	shalt  }
0x3f: {  	_ =	shalt  }
0x40: {  	_ =	shalt  }
0x41: {  	_ =	shalt  }
0x42: {  	_ =	shalt  }
0x43: {  	_ =	shalt  }
0x44: {  	_ =	shalt  }
0x45: {  	_ =	shalt  }
0x46: {  	_ =	shalt  }
0x47: {  	_ =	shalt  }
0x48: {  	_ =	shalt  }
0x49: {  	_ =	shalt  }
0x4a: {  	_ =	shalt  }
0x4b: {  	_ =	shalt  }
0x4c: {  	_ =	shalt  }
0x4d: {  	_ =	shalt  }
0x4e: {  	_ =	shalt  }
0x4f: {  	_ =	shalt  }
0x50: {  	_ =	shalt  }
0x51: {  	_ =	shalt  }
0x52: {  	_ =	shalt  }
0x53: {  	_ =	shalt  }
0x54: {  	_ =	shalt  }
0x55: {  	_ =	shalt  }
0x56: {  	_ =	shalt  }
0x57: {  	_ =	shalt  }
0x58: {  	_ =	shalt  }
0x59: {  	_ =	shalt  }
0x5a: {  	_ =	shalt  }
0x5b: {  	_ =	shalt  }
0x5c: {  	_ =	shalt  }
0x5d: {  	_ =	shalt  }
0x5e: {  	_ =	shalt  }
0x5f: {  	_ =	shalt  }
0x60: {  	_ =	shalt  }
0x61: {  	_ =	shalt  }
0x62: {  	_ =	shalt  }
0x63: {  	_ =	shalt  }
0x64: {  	_ =	shalt  }
0x65: {  	_ =	shalt  }
0x66: {  	_ =	shalt  }
0x67: {  	_ =	shalt  }
0x68: {  	_ =	shalt  }
0x69: {  	_ =	shalt  }
0x6a: {  	_ =	shalt  }
0x6b: {  	_ =	shalt  }
0x6c: {  	_ =	shalt  }
0x6d: {  	_ =	shalt  }
0x6e: {  	_ =	shalt  }
0x6f: {  	_ =	shalt  }
0x70: {  	_ =	shalt  }
0x71: {  	_ =	shalt  }
0x72: {  	_ =	shalt  }
0x73: {  	_ =	shalt  }
0x74: {  	_ =	shalt  }
0x75: {  	_ =	shalt  }
0x76: {  	_ =	shalt  }
0x77: {  	_ =	shalt  }
0x78: {  	_ =	shalt  }
0x79: {  	_ =	shalt  }
0x7a: {  	_ =	shalt  }
0x7b: {  	_ =	shalt  }
0x7c: {  	_ =	shalt  }
0x7d: {  	_ =	shalt  }
0x7e: {  	_ =	shalt  }
0x7f: {  	_ =	shalt  }
0x80: {  	_ =	shalt  }
0x81: {  	_ =	shalt  }
0x82: {  	_ =	shalt  }
0x83: {  	_ =	shalt  }
0x84: {  	_ =	shalt  }
0x85: {  	_ =	shalt  }
0x86: {  	_ =	shalt  }
0x87: {  	_ =	shalt  }
.Lfunc_end0:
.L_simem_size_0:
called_computation.1_lowered:
.L_overlay_start_0:
0x88: {  	s2 =	sld [smem:$0x3FD9]  }
0x89: {  	s3 =	sld [smem:$0x3FFE];
	_ =	sdelay $0x1  }
0x8a: {  	s1 =	srdreg.scid  }
0x8b: {  	s0 =	sand.u32 $0x1, s1  }
0x8c: {  	s16 =	sshll.u32 s0, $0xA;
	s2 =	sadd.s32 s3, s2  }
0x8d: {  	s2 =	sadd.s32 s2, s16  }
0x8e: {  	[smem:$0x3FB1] =	sst s2  }
0x8f: {  	_ = 	snop  }
0x90: {  	(tm) =	ssettm $0x1  }
0x91: {  	s17 =	sld [smem:$0x3FFB];
	_ =	sdelay $0x3  }
0x92: {  	_ =	strace s17  }
0x93: {  	s2 =	sld [smem:$0x3FFC];
	_ =	sdelay $0x3  }
0x94: {  	_ =	strace s2  }
0x95: {  	s2 =	sld [smem:$0x3FFD];
	_ =	sdelay $0x3  }
0x96: {  	_ =	strace s2  }
0x97: {  	_ =	strace $0x8FFFFFFF  }
0x98: {  	s18 =	sld [smem:$0x3FDB];
	_ =	sdelay $0x1  }
0x99: {  	s19 =	simm.s32 $_scs_section_size  }
0x9a: {  	s4 =	simm.s32 $_size__tile_overlayer_lowered;
	s5 =	simm.s32 $_tile_overlayer_lowered  }
0x9b: {  	s22 =	simm.s32 $0x1BFF;
	s21 =	sshll.u32 s5, $0x1;
	s2 =	sadd.s32 s19, s18  }
0x9c: {  	s6 =	simm.s32 $0x0;
	s20 =	sshll.u32 s4, $0x1;
	s4 =	sadd.s32 s21, s2  }
0x9d: {  	[timem:s6], [sflag:s22] =	dma.local [hbm:s4], s20  }
0x9e: {  	_ =	swait.ge [sflag:s22], s20  }
0x9f: {  	s3 =	ssub.s32 $0x0, s20;
	[sflag:s22] =	ssyncset.done $0x0  }
0xa0: {  	[sflag:s22] =	ssyncadd.s32 s3;
	_ =	sdelay $0x1  }
0xa1: {  	s23 =	simm.s32 $0x1B8B  }
0xa2: {  	_ =	swait.ge [sflag:s23], $0x1  }
0xa3: {  	[sflag:s23] =	ssyncset.done $0x0  }
0xa4: {  	s25 =	simm.s32 $0x1B8E;
	s24 =	sld [smem:$0x3FFE];
	[sflag:s23] =	ssyncadd.s32 $0xFFFFFFFF  }
0xa5: {  	s26 =	simm.s32 $execute0_lowered;
	[smem:$0x3FD2] =	sst s25  }
0xa6: {  	s4 =	sshll.u32 s26, $0x1;
	_ =	strace $0x80000049;
	[dreg:$0x1] =	wrdreg $0xFFFFFFFF  }
0xa7: {  	s28 =	simm.s32 $_size_execute0_lowered;
	s2 =	sadd.s32 s2, s4;
	[dreg:$0x0] =	wrdreg $0x0  }
0xa8: {  	s4 =	sshll.u32 s28, $0x1;
	[dreg:$0x2] =	wrdreg s2  }
0xa9: {  	[dreg:$0x3] =	wrdreg s4  }
0xaa: {  	[dreg:$0x4] =	wrdreg $0xC0  }
0xab: {  	_ =	task [dreg:s6], $0x5FFFF  }
0xac: {  	[dreg:$0x1] =	wrdreg $0xFFFFFFFF  }
0xad: {  	[dreg:$0x0] =	wrdreg $0x60  }
0xae: {  	[dreg:$0x2] =	wrdreg s24  }
0xaf: {  	[dreg:$0x3] =	wrdreg $0x0  }
0xb0: {  	[dreg:$0x4] =	wrdreg $0x9  }
0xb1: {  	_ =	task.clear_ibuf [dreg:s6], $0x5FFFF;
	_ =	strace $0x90000049  }
0xb2: {  	s29 =	simm.s32 $0x9;
	_ =	strace $0x8000004B  }
0xb3: {  	_ =	swait.ge [sflag:s29], $0x1  }
0xb4: {  	[sflag:s29] =	ssyncadd.s32 $0xFFFFFFFF  }
0xb5: {  	_ =	strace $0x9000004B  }
0xb6: {  	_ =	sfence  }
0xb7: {  	s30 =	sld [smem:$0x0];
	_ =	sdelay $0x2  }
0xb8: {  	s31 =	sshll.u32 s1, $0xD;
	s1 =	sshrl.u32 s1, $0x2  }
0xb9: {  	s3 =	sand.u32 $0x4000, s31;
	s1 =	sadd.s32 s1, s30  }
0xba: {  	s0 =	sor.u32 s3, s0;
	s1 =	sshll.u32 s1, $0x11  }
0xbb: {  	s0 =	sor.u32 s1, s0  }
0xbc: {  	s0 =	sadd.s32 $0x8F2B, s0  }
0xbd: {  	[sflag:s0] =	ssyncadd.remote.s32 $0x1  }
0xbe: {  	_ =	sfence.sel $0xFFFF  }
0xbf: {  	[dreg:$0x0] =	wrdreg $0xFFFFFFFF;
	(pc) =	sbr.abs _section_cstart, $3  }
0xc0: {  	[dreg:$0x1] =	wrdreg $0xFFFFFFFF  }
0xc1: {  	_ =	task.clear_ibuf [dreg:s6], $0x2FFFF;
	_ =	strace $0x9FFFFFFF  }
0xc2: {  	(tm) =	ssettm $0x7FFFFFFF  }
0xc3: {  	_ =	shalt  }
tec
execute0_lowered:
.L_overlay_start_1:
0x0: {  	(tag) =	ssettag $0x1  }
0x1: {  	s0 =	srdreg.scid;
	s5 =	rddreg [dreg:$0x0]  }
0x2: {  	s2 =	rddreg [dreg:$0x1];
	s1 =	stileid.u32  }
0x3: {  	s3 =	simm.s32 $0x0;
	s14 =	simm.s32 $0x3;
	s15 =	simm.s32 $0x14000  }
0x4: {  	s16 =	simm.s32 $0x15400;
	s17 =	simm.s32 $0x80;
	s18 =	simm.s32 $0x14080  }
0x5: {  	s19 =	simm.s32 $0x1A800;
	s20 =	simm.s32 $0x1;
	s21 =	simm.s32 $0x2  }
0x6: {  	s22 =	simm.s32 $0x16700;
	s6 =	sand.u32 $0x1, s0;
	s0 =	rddreg [dreg:$0x2]  }
0x7: {  	s23 =	simm.s32 $0x16780;
	[smem:$0x7FF] =	sst s3;
	s8 =	smul.u32 $0x50000, s1  }
0x8: {  	s25 =	smul.u32 $0x2800, s1;
	s4 =	sshll.u32 s6, $0x4;
	_ =	strace $0x8000004A  }
0x9: {  	s9 =	smul.u32 $0x28000, s6;
	s6 =	ssub.s32 $0x2, s6;
	s4 =	sor.u32 s1, s4  }
0xa: {  	s31 =	sshrl.u32 s6, $0x1;
	s8 =	sshrl.u32 s8, $0x2;
	s7 =	smul.u32 $0x500, s4  }
0xb: {  	s4 =	sadd.s32 $0x1A200, s5;
	s12 =	sadd.s32 s9, s5;
	s13 =	ssub.s32 s6, s31  }
0xc: {  	s24 =	sadd.s32 $0x41400, s12;
	s12 =	smax.u32 s13, $0x1;
	s13 =	simm.s32 $0x16800  }
0xd: {  	s11 =	sadd.s32 s7, s5;
	s5 =	sadd.s32 s8, s2;
	s24 =	sadd.s32 s25, s24  }
0xe: {  	s6 =	sadd.s32 $0x4000, s5;
	s7 =	sadd.s32 $0x8000, s5;
	s8 =	sadd.s32 $0xC000, s5  }
0xf: {  	v0 =	vimm.f32 $0.0e+00;
	s9 =	sadd.s32 $0x10000, s5;
	s10 =	sadd.s32 $0x6200, s11;
	s11 =	sadd.s32 $0x10200, s11  }
.LBB2_1:
0x10: {  	s25 =	simm.s32 $0x0;
	s26 =	simm.s32 $0x200  }
.LBB2_2:
0x11: {  	p0 =	sne.s32 s26, $0xFE00;
	[tilespmem:s25+$0x16870] =	vst v0  }
0x12: {  	[tilespmem:s25+$0x16800] =	vst v0  }
0x13: {  	[tilespmem:s25+$0x16810] =	vst v0  }
.Ltmp0:
0x14: {  	[tilespmem:s25+$0x16820] =	vst v0;
	(pc) =	sbr.rel @p0 .LBB2_2-.Ltmp0, $4  }
0x15: {  	[tilespmem:s25+$0x16830] =	vst v0  }
0x16: {  	[tilespmem:s25+$0x16840] =	vst v0  }
0x17: {  	[tilespmem:s25+$0x16850] =	vst v0  }
0x18: {  	[tilespmem:s25+$0x16860] =	vst v0;
	s25 =	sshra.s32 s26, $0x2;
	s26 =	sadd.s32 $0x200, s26  }
0x19: {  	[tilespmem:s25+$0x16870] =	vst v0  }
0x1a: {  	[tilespmem:s25+$0x16800] =	vst v0  }
0x1b: {  	[tilespmem:s25+$0x16810] =	vst v0  }
0x1c: {  	[tilespmem:s25+$0x16820] =	vst v0  }
0x1d: {  	[tilespmem:s25+$0x16830] =	vst v0  }
0x1e: {  	[tilespmem:s25+$0x16840] =	vst v0  }
0x1f: {  	[tilespmem:s25+$0x16850] =	vst v0  }
0x20: {  	[tilespmem:s25+$0x16860] =	vst v0  }
0x21: {  	[spmem:s5] =	stream.linear.scatter [tilespmem:s13], [sflag:$0x3], $0x4000, $0x38;
	[tilespmem:$0x1E800] =	vst v63  }
0x22: {  	_ =	swait.ge [sflag:s14], $0x4000  }
0x23: {  	[sflag:s14] =	ssyncset.done $0x0  }
0x24: {  	[sflag:s14] =	ssyncadd.s32 $0xFFFFC000  }
0x25: {  	[spmem:s6] =	stream.linear.scatter [tilespmem:s13], [sflag:$0x3], $0x4000, $0x38;
	[tilespmem:$0x1E800] =	vst v63  }
0x26: {  	_ =	swait.ge [sflag:s14], $0x4000  }
0x27: {  	[sflag:s14] =	ssyncset.done $0x0  }
0x28: {  	[sflag:s14] =	ssyncadd.s32 $0xFFFFC000  }
0x29: {  	[spmem:s7] =	stream.linear.scatter [tilespmem:s13], [sflag:$0x3], $0x4000, $0x38;
	[tilespmem:$0x1E800] =	vst v63  }
0x2a: {  	_ =	swait.ge [sflag:s14], $0x4000  }
0x2b: {  	[sflag:s14] =	ssyncset.done $0x0  }
0x2c: {  	[sflag:s14] =	ssyncadd.s32 $0xFFFFC000  }
0x2d: {  	[spmem:s8] =	stream.linear.scatter [tilespmem:s13], [sflag:$0x3], $0x4000, $0x38;
	[tilespmem:$0x1E800] =	vst v63  }
0x2e: {  	_ =	swait.ge [sflag:s14], $0x4000  }
0x2f: {  	[sflag:s14] =	ssyncset.done $0x0  }
0x30: {  	[sflag:s14] =	ssyncadd.s32 $0xFFFFC000  }
0x31: {  	[spmem:s9] =	stream.linear.scatter [tilespmem:s13], [sflag:$0x3], $0x4000, $0x38;
	[tilespmem:$0x1E800] =	vst v63  }
0x32: {  	_ =	swait.ge [sflag:s14], $0x4000  }
0x33: {  	[sflag:s14] =	ssyncset.done $0x0  }
0x34: {  	[sflag:s14] =	ssyncadd.s32 $0xFFFFC000  }
0x35: {  	s28 =	simm.s32 $0x0;
	[bflag:$0x0] =	sbarrier.arrive $0xFFFF  }
0x36: {  	[tilespmem:s15], [sflag:$0x3] =	stream.linear.gather [hbm4b:s10+s28], $0x1400, $0x38;
	[tilespmem:$0x1E800] =	vst v63  }
0x37: {  	_ =	swait.ge [sflag:s14], $0x1400  }
0x38: {  	[sflag:s14] =	ssyncset.done $0x0  }
0x39: {  	[sflag:s14] =	ssyncadd.s32 $0xFFFFEC00  }
0x3a: {  	[tilespmem:s16], [sflag:$0x3] =	stream.linear.gather [hbm4b:s11+s28], $0x1400, $0x38;
	[tilespmem:$0x1E800] =	vst v63  }
0x3b: {  	_ =	swait.ge [sflag:s14], $0x1400  }
0x3c: {  	[sflag:s14] =	ssyncset.done $0x0  }
0x3d: {  	[sflag:s14] =	ssyncadd.s32 $0xFFFFEC00  }
0x3e: {  	[tilespmem:s13], [sflag:$0x1] =	stream.indirect.gather [hbm4b:s4+s17], $0x80, s15, s17, $0xb8;
	[tilespmem:$0x1E800] =	vst v63  }
0x3f: {  	_ = 	snop  }
0x40: {  	[tilespmem:s19], [sflag:$0x2] =	stream.indirect.gather [hbm4b:s4+s17], $0x80, s18, s17, $0xb8;
	[tilespmem:$0x1E800] =	vst v63  }
0x41: {  	_ =	swait.ge [sflag:s20], $0x4000  }
0x42: {  	[sflag:s20] =	ssyncset.done $0x0  }
0x43: {  	s29 =	simm.s32 $0x15400;
	[sflag:s20] =	ssyncadd.s32 $0xFFFFC000  }
0x44: {  	[spmem:s2] =	stream.indirect.scatter.add.f32 [tilespmem:s13], [sflag:$0x3], $0x80, s29, s17, $0xb8;
	[tilespmem:$0x1E800] =	vst v63  }
0x45: {  	_ =	swait.ge [sflag:s14], $0x4000  }
0x46: {  	[sflag:s14] =	ssyncset.done $0x0  }
0x47: {  	s30 =	simm.s32 $0x14100;
	[sflag:s14] =	ssyncadd.s32 $0xFFFFC000  }
0x48: {  	[tilespmem:s13], [sflag:$0x1] =	stream.indirect.gather [hbm4b:s4+s17], $0x80, s30, s17, $0xb8;
	[tilespmem:$0x1E800] =	vst v63  }
0x49: {  	_ =	swait.ge [sflag:s21], $0x4000  }
0x4a: {  	[sflag:s21] =	ssyncset.done $0x0  }
0x4b: {  	s31 =	simm.s32 $0x15480;
	[sflag:s21] =	ssyncadd.s32 $0xFFFFC000  }
0x4c: {  	[spmem:s2] =	stream.indirect.scatter.add.f32 [tilespmem:s19], [sflag:$0x3], $0x80, s31, s17, $0xb8;
	[tilespmem:$0x1E800] =	vst v63  }
0x4d: {  	_ =	swait.ge [sflag:s14], $0x4000  }
0x4e: {  	[sflag:s14] =	ssyncset.done $0x0  }
0x4f: {  	s25 =	simm.s32 $0x400;
	s26 =	simm.s32 $0x14180;
	[sflag:s14] =	ssyncadd.s32 $0xFFFFC000  }
.LBB2_4:
0x50: {  	[tilespmem:s19], [sflag:$0x2] =	stream.indirect.gather [hbm4b:s4+s17], $0x80, s26, s17, $0xb8;
	[tilespmem:$0x1E800] =	vst v63  }
0x51: {  	s26 =	smov.u32 s25  }
0x52: {  	p0 =	sne.s32 s25, $0x4800;
	s25 =	sadd.s32 $0x400, s25;
	_ =	swait.ge [sflag:s20], $0x4000  }
0x53: {  	s26 =	sshra.s32 s26, $0x2;
	[sflag:s20] =	ssyncset.done $0x0  }
0x54: {  	s28 =	sadd.s32 $0x15400, s26;
	[sflag:s20] =	ssyncadd.s32 $0xFFFFC000  }
0x55: {  	[spmem:s2] =	stream.indirect.scatter.add.f32 [tilespmem:s13], [sflag:$0x3], $0x80, s28, s17, $0xb8;
	[tilespmem:$0x1E800] =	vst v63  }
0x56: {  	_ =	swait.ge [sflag:s14], $0x4000  }
0x57: {  	[sflag:s14] =	ssyncset.done $0x0  }
0x58: {  	s28 =	sadd.s32 $0x14100, s26;
	[sflag:s14] =	ssyncadd.s32 $0xFFFFC000  }
0x59: {  	[tilespmem:s13], [sflag:$0x1] =	stream.indirect.gather [hbm4b:s4+s17], $0x80, s28, s17, $0xb8;
	[tilespmem:$0x1E800] =	vst v63  }
0x5a: {  	_ =	swait.ge [sflag:s21], $0x4000  }
0x5b: {  	[sflag:s21] =	ssyncset.done $0x0  }
.Ltmp1:
0x5c: {  	s28 =	sadd.s32 $0x15480, s26;
	[sflag:s21] =	ssyncadd.s32 $0xFFFFC000;
	(pc) =	sbr.rel @p0 .LBB2_4-.Ltmp1, $4  }
0x5d: {  	[spmem:s2] =	stream.indirect.scatter.add.f32 [tilespmem:s19], [sflag:$0x3], $0x80, s28, s17, $0xb8;
	[tilespmem:$0x1E800] =	vst v63  }
0x5e: {  	_ =	swait.ge [sflag:s14], $0x4000  }
0x5f: {  	[sflag:s14] =	ssyncset.done $0x0  }
0x60: {  	s26 =	sadd.s32 $0x14180, s26;
	[sflag:s14] =	ssyncadd.s32 $0xFFFFC000  }
0x61: {  	[tilespmem:s19], [sflag:$0x2] =	stream.indirect.gather [hbm4b:s4+s17], $0x80, s26, s17, $0xb8;
	[tilespmem:$0x1E800] =	vst v63  }
0x62: {  	_ =	swait.ge [sflag:s20], $0x4000  }
0x63: {  	[sflag:s20] =	ssyncset.done $0x0  }
0x64: {  	[sflag:s20] =	ssyncadd.s32 $0xFFFFC000  }
0x65: {  	[spmem:s2] =	stream.indirect.scatter.add.f32 [tilespmem:s13], [sflag:$0x3], $0x80, s22, s17, $0xb8;
	[tilespmem:$0x1E800] =	vst v63  }
0x66: {  	_ =	swait.ge [sflag:s14], $0x4000  }
0x67: {  	[sflag:s14] =	ssyncset.done $0x0  }
0x68: {  	[sflag:s14] =	ssyncadd.s32 $0xFFFFC000  }
0x69: {  	_ =	swait.ge [sflag:s21], $0x4000  }
0x6a: {  	[sflag:s21] =	ssyncset.done $0x0  }
0x6b: {  	[sflag:s21] =	ssyncadd.s32 $0xFFFFC000  }
0x6c: {  	[spmem:s2] =	stream.indirect.scatter.add.f32 [tilespmem:s19], [sflag:$0x3], $0x80, s23, s17, $0xb8;
	[tilespmem:$0x1E800] =	vst v63  }
0x6d: {  	_ =	swait.ge [sflag:s14], $0x4000  }
0x6e: {  	[sflag:s14] =	ssyncset.done $0x0  }
0x6f: {  	s25 =	sadd.s32 $0x280, s10;
	s31 =	simm.s32 $0x0;
	[sflag:s14] =	ssyncadd.s32 $0xFFFFC000  }
0x70: {  	[tilespmem:s15], [sflag:$0x3] =	stream.linear.gather [hbm4b:s25+s31], $0x1400, $0x38;
	[tilespmem:$0x1E800] =	vst v63  }
0x71: {  	_ =	swait.ge [sflag:s14], $0x1400  }
0x72: {  	[sflag:s14] =	ssyncset.done $0x0  }
0x73: {  	s28 =	sadd.s32 $0x280, s11;
	[sflag:s14] =	ssyncadd.s32 $0xFFFFEC00  }
0x74: {  	[tilespmem:s16], [sflag:$0x3] =	stream.linear.gather [hbm4b:s28+s31], $0x1400, $0x38;
	[tilespmem:$0x1E800] =	vst v63  }
0x75: {  	_ =	swait.ge [sflag:s14], $0x1400  }
0x76: {  	[sflag:s14] =	ssyncset.done $0x0  }
0x77: {  	[sflag:s14] =	ssyncadd.s32 $0xFFFFEC00  }
0x78: {  	[tilespmem:s13], [sflag:$0x1] =	stream.indirect.gather [hbm4b:s4+s17], $0x80, s15, s17, $0xb8;
	[tilespmem:$0x1E800] =	vst v63  }
0x79: {  	_ = 	snop  }
0x7a: {  	[tilespmem:s19], [sflag:$0x2] =	stream.indirect.gather [hbm4b:s4+s17], $0x80, s18, s17, $0xb8;
	[tilespmem:$0x1E800] =	vst v63  }
0x7b: {  	_ =	swait.ge [sflag:s20], $0x4000  }
0x7c: {  	[sflag:s20] =	ssyncset.done $0x0  }
0x7d: {  	s29 =	simm.s32 $0x15400;
	[sflag:s20] =	ssyncadd.s32 $0xFFFFC000  }
0x7e: {  	[spmem:s2] =	stream.indirect.scatter.add.f32 [tilespmem:s13], [sflag:$0x3], $0x80, s29, s17, $0xb8;
	[tilespmem:$0x1E800] =	vst v63  }
0x7f: {  	_ =	swait.ge [sflag:s14], $0x4000  }
0x80: {  	[sflag:s14] =	ssyncset.done $0x0  }
0x81: {  	s30 =	simm.s32 $0x14100;
	[sflag:s14] =	ssyncadd.s32 $0xFFFFC000  }
0x82: {  	[tilespmem:s13], [sflag:$0x1] =	stream.indirect.gather [hbm4b:s4+s17], $0x80, s30, s17, $0xb8;
	[tilespmem:$0x1E800] =	vst v63  }
0x83: {  	_ =	swait.ge [sflag:s21], $0x4000  }
0x84: {  	[sflag:s21] =	ssyncset.done $0x0  }
0x85: {  	s31 =	simm.s32 $0x15480;
	[sflag:s21] =	ssyncadd.s32 $0xFFFFC000  }
0x86: {  	[spmem:s2] =	stream.indirect.scatter.add.f32 [tilespmem:s19], [sflag:$0x3], $0x80, s31, s17, $0xb8;
	[tilespmem:$0x1E800] =	vst v63  }
0x87: {  	_ =	swait.ge [sflag:s14], $0x4000  }
0x88: {  	[sflag:s14] =	ssyncset.done $0x0  }
0x89: {  	s26 =	simm.s32 $0x14180;
	s25 =	simm.s32 $0x400;
	[sflag:s14] =	ssyncadd.s32 $0xFFFFC000  }
.LBB2_6:
0x8a: {  	[tilespmem:s19], [sflag:$0x2] =	stream.indirect.gather [hbm4b:s4+s17], $0x80, s26, s17, $0xb8;
	[tilespmem:$0x1E800] =	vst v63  }
0x8b: {  	s26 =	smov.u32 s25  }
0x8c: {  	p0 =	sne.s32 s25, $0x4800;
	s25 =	sadd.s32 $0x400, s25;
	_ =	swait.ge [sflag:s20], $0x4000  }
0x8d: {  	s26 =	sshra.s32 s26, $0x2;
	[sflag:s20] =	ssyncset.done $0x0  }
0x8e: {  	s28 =	sadd.s32 $0x15400, s26;
	[sflag:s20] =	ssyncadd.s32 $0xFFFFC000  }
0x8f: {  	[spmem:s2] =	stream.indirect.scatter.add.f32 [tilespmem:s13], [sflag:$0x3], $0x80, s28, s17, $0xb8;
	[tilespmem:$0x1E800] =	vst v63  }
0x90: {  	_ =	swait.ge [sflag:s14], $0x4000  }
0x91: {  	[sflag:s14] =	ssyncset.done $0x0  }
0x92: {  	s28 =	sadd.s32 $0x14100, s26;
	[sflag:s14] =	ssyncadd.s32 $0xFFFFC000  }
0x93: {  	[tilespmem:s13], [sflag:$0x1] =	stream.indirect.gather [hbm4b:s4+s17], $0x80, s28, s17, $0xb8;
	[tilespmem:$0x1E800] =	vst v63  }
0x94: {  	_ =	swait.ge [sflag:s21], $0x4000  }
0x95: {  	[sflag:s21] =	ssyncset.done $0x0  }
.Ltmp2:
0x96: {  	s28 =	sadd.s32 $0x15480, s26;
	[sflag:s21] =	ssyncadd.s32 $0xFFFFC000;
	(pc) =	sbr.rel @p0 .LBB2_6-.Ltmp2, $4  }
0x97: {  	[spmem:s2] =	stream.indirect.scatter.add.f32 [tilespmem:s19], [sflag:$0x3], $0x80, s28, s17, $0xb8;
	[tilespmem:$0x1E800] =	vst v63  }
0x98: {  	_ =	swait.ge [sflag:s14], $0x4000  }
0x99: {  	[sflag:s14] =	ssyncset.done $0x0  }
0x9a: {  	s26 =	sadd.s32 $0x14180, s26;
	[sflag:s14] =	ssyncadd.s32 $0xFFFFC000  }
0x9b: {  	[tilespmem:s19], [sflag:$0x2] =	stream.indirect.gather [hbm4b:s4+s17], $0x80, s26, s17, $0xb8;
	[tilespmem:$0x1E800] =	vst v63  }
0x9c: {  	_ =	swait.ge [sflag:s20], $0x4000  }
0x9d: {  	[sflag:s20] =	ssyncset.done $0x0  }
0x9e: {  	[sflag:s20] =	ssyncadd.s32 $0xFFFFC000  }
0x9f: {  	[spmem:s2] =	stream.indirect.scatter.add.f32 [tilespmem:s13], [sflag:$0x3], $0x80, s22, s17, $0xb8;
	[tilespmem:$0x1E800] =	vst v63  }
0xa0: {  	_ =	swait.ge [sflag:s14], $0x4000  }
0xa1: {  	[sflag:s14] =	ssyncset.done $0x0  }
0xa2: {  	[sflag:s14] =	ssyncadd.s32 $0xFFFFC000  }
0xa3: {  	_ =	swait.ge [sflag:s21], $0x4000  }
0xa4: {  	[sflag:s21] =	ssyncset.done $0x0  }
0xa5: {  	[sflag:s21] =	ssyncadd.s32 $0xFFFFC000  }
0xa6: {  	[spmem:s2] =	stream.indirect.scatter.add.f32 [tilespmem:s19], [sflag:$0x3], $0x80, s23, s17, $0xb8;
	[tilespmem:$0x1E800] =	vst v63  }
0xa7: {  	_ =	swait.ge [sflag:s14], $0x4000  }
0xa8: {  	s25 =	sshll.u32 s1, $0x6;
	s3 =	sadd.s32 $0x1, s3;
	[sflag:s14] =	ssyncset.done $0x0  }
0xa9: {  	s31 =	sshrl.u32 s5, $0x3;
	p0 =	sne.s32 s3, s12;
	[sflag:s14] =	ssyncadd.s32 $0xFFFFC000  }
.Ltmp3:
0xaa: {  	s25 =	sor.u32 $0x1C03, s25;
	[bflag:$0x0] =	sbarrier.arrive $0xFFFF;
	(pc) =	sbr.rel @p0 .LBB2_1-.Ltmp3, $4  }
0xab: {  	[hbm:s24], [sflag:s25] =	dma.local [spmem:s31], $0x2800  }
0xac: {  	_ =	swait.ge [sflag:s14], $0x2800  }
0xad: {  	[sflag:s14] =	ssyncset.done $0x0  }
0xae: {  	[sflag:s14] =	ssyncadd.s32 $0xFFFFD800  }
0xaf: {  	_ =	sfence.sel $0x180000  }
0xb0: {  	[bflag:$0x0] =	sbarrier.arrive $0xFFFF  }
0xb1: {  	p0 =	sne.s32 s1, $0x0;
	_ =	strace $0x9000004A  }
0xb2: {  	s0 =	sadd.s32 @!p0 $0x100000, s0;
	[bflag:$0x2] =	sbarrier.arrive $0xFFFF  }
0xb3: {  	[sflag:s0] =	ssyncadd.tile.s32 @!p0 $0x1;
	_ =	shalt  }
.Lfunc_end2:
_tile_overlayer_lowered:
.L_overlay_start_2:
0xb4: {  	(tag) =	ssettag $0x2  }
0xb5: {  	s0 =	rddreg [dreg:$0x0];
	s2 =	stileid.u32  }
0xb6: {  	s1 =	rddreg [dreg:$0x1];
	p0 =	sne.s32 s2, $0x0  }
0xb7: {  	s3 =	rddreg [dreg:$0x2];
	[bflag:$0x3] =	sbarrier.arrive $0xFFFF;
	s2 =	simm.s32 @!p0 $0x1C03  }
0xb8: {  	[timem:s3], [sflag:s2] =	dma.local @!p0 [hbm:s0], s1  }
0xb9: {  	s0 =	simm.s32 @!p0 $0x3  }
0xba: {  	_ =	swait.ge @!p0 [sflag:s0], s1  }
0xbb: {  	s1 =	ssub.s32 @!p0 $0x0, s1;
	[sflag:s0] =	ssyncset.done @!p0 $0x0  }
0xbc: {  	[sflag:s0] =	ssyncadd.s32 @!p0 s1  }
0xbd: {  	[bflag:$0x3] =	sbarrier.arrive $0xFFFF  }
0xbe: {  	_ =	shalt  }

// kernel: kernel.15.cloned.1.call-start
scs
__scs_entry_jumppad:
0x0: {  	(pc) =	sbr.rel $0x88, $3  }
0x1: {  	(tag) =	ssettag $0x0;
	lr =	simm.s32 $0x1  }
0x2: {  	[smem:$0x3F8A] =	sst lr;
	_ =	strace $0xD0000000  }
0x3: {  	_ = 	snop  }
0x4: {  	_ = 	snop  }
0x5: {  	_ = 	snop  }
0x6: {  	_ = 	snop  }
0x7: {  	_ = 	snop  }
__scs_overlays_trampoline_lowered:
0x8: {  	[smem:$0x3F99] =	sst s0  }
0x9: {  	[smem:$0x3F9A] =	sst s1  }
0xa: {  	[smem:$0x3F9B] =	sst s2  }
0xb: {  	[smem:$0x3F9C] =	sst s3  }
0xc: {  	[smem:$0x3F9D] =	sst s4  }
0xd: {  	[smem:$0x3F9E] =	sst s5  }
0xe: {  	[smem:$0x3F9F] =	sst s6  }
0xf: {  	[smem:$0x3FA0] =	sst s7  }
0x10: {  	[smem:$0x3FA1] =	sst s8  }
0x11: {  	[smem:$0x3FA2] =	sst s9;
	s0 =	simm.s32 @!p0 $0x0  }
0x12: {  	s1 =	sld [smem:$0x3F88];
	s0 =	simm.s32 @p0 $0x1  }
0x13: {  	[smem:$0x3FA3] =	sst s0;
	s0 =	simm.s32 @!p1 $0x0  }
0x14: {  	s2 =	sld [smem:$0x3F87];
	s0 =	simm.s32 @p1 $0x1  }
0x15: {  	[smem:$0x3FA4] =	sst s0;
	s0 =	simm.s32 @!p2 $0x0  }
0x16: {  	s3 =	sld [smem:$0x3FDB];
	s0 =	simm.s32 @p2 $0x1  }
0x17: {  	s4 =	simm.s32 $0x1BF5;
	[smem:$0x3FA6] =	sst s0  }
0x18: {  	s0 =	sld [smem:$0x3F89];
	_ =	swait.ge [sflag:s4], $0x0  }
0x19: {  	s7 =	sld [smem:$0x3F8A]  }
0x1a: {  	s8 =	sadd.s32 $0xFFFFE003, lr  }
0x1b: {  	s9 =	sadd.s32 $0xFFFFFEF7, lr;
	s5 =	simm.s32 $0xFFFFFFFF;
	p2 =	slt.u32 s8, $0xFFFFF086  }
0x1c: {  	p1 =	slt.u32 s9, $0xF7A;
	s5 =	simm.s32 @!p2 $0x0  }
0x1d: {  	s5 =	simm.s32 @p1 $0x1;
	p0 =	seq.s32 s7, s2  }
0x1e: {  	s7 =	smul.u32 @!p0 $0xF7A, s2;
	p2 =	seq.s32 @!p0 s5, $0x0  }
0x1f: {  	s9 =	smul.u32 $0xF7A, s1;
	s8 =	simm.s32 @!p0 $0x1BF5;
	p2 =	por !p2, p0  }
0x20: {  	[sflag:s8] =	ssyncset.s32 @!p0 $0xFFFFF086;
	s6 =	sadd.s32 @!p0 s3, s7;
	s7 =	simm.s32 @!p0 $0x108  }
0x21: {  	s3 =	sadd.s32 s3, s9;
	s6 =	sadd.s32 @!p0 $0x88, s6;
	s7 =	simm.s32 @p2 $0x1082  }
0x22: {  	[simem:s7], [sflag:s8] =	dma.local @!p0 [hbm:s6], $0xF7A  }
0x23: {  	s9 =	sor.u32 $0xD0000000, s2;
	s6 =	simm.s32 $0x108;
	_ =	swait.ge @!p0 [sflag:s8], $0x0  }
0x24: {  	s3 =	sadd.s32 $0x88, s3;
	s6 =	simm.s32 @!p1 $0x1082;
	[sflag:s4] =	ssyncset.s32 $0xFFFFF086  }
0x25: {  	[simem:s6], [sflag:s4] =	dma.local [hbm:s3], $0xF7A  }
0x26: {  	[smem:$0x3F8A] =	sst s1;
	(tag) =	ssettag s2;
	_ =	strace s9  }
0x27: {  	s1 =	sld [smem:$0x3F9A]  }
0x28: {  	s2 =	sld [smem:$0x3F9B]  }
0x29: {  	s4 =	sld [smem:$0x3F9D]  }
0x2a: {  	p0 =	seq.s32 s5, $0x0;
	s5 =	sld [smem:$0x3F9E]  }
0x2b: {  	s6 =	sld [smem:$0x3F9F]  }
0x2c: {  	s7 =	sld [smem:$0x3FA0]  }
0x2d: {  	s3 =	simm.s32 $0x108;
	s8 =	sld [smem:$0x3FA1]  }
0x2e: {  	s3 =	simm.s32 @!p0 $0x1082;
	s9 =	sld [smem:$0x3FA2]  }
0x2f: {  	lr =	sadd.s32 s0, s3;
	s0 =	sld [smem:$0x3F99]  }
0x30: {  	s3 =	sld [smem:$0x3F9C]  }
0x31: {  	[smem:$0x3FA5] =	sst s10  }
0x32: {  	s10 =	sld [smem:$0x3FA3];
	_ =	sdelay $0x3  }
0x33: {  	p0 =	seq.s32 s10, $0x1;
	s10 =	sld [smem:$0x3FA5];
	_ =	sdelay $0x3  }
0x34: {  	[smem:$0x3FA5] =	sst s10  }
0x35: {  	s10 =	sld [smem:$0x3FA4];
	_ =	sdelay $0x3  }
0x36: {  	p1 =	seq.s32 s10, $0x1;
	s10 =	sld [smem:$0x3FA5];
	_ =	sdelay $0x3  }
0x37: {  	[smem:$0x3FA5] =	sst s10  }
0x38: {  	s10 =	sld [smem:$0x3FA6]  }
0x39: {  	_ = 	snop;
	(pc) =	sbr.ind lr, $3  }
0x3a: {  	_ = 	snop  }
0x3b: {  	_ = 	snop  }
0x3c: {  	p2 =	seq.s32 s10, $0x1;
	s10 =	sld [smem:$0x3FA5]  }
0x3d: {  	_ =	shalt  }
0x3e: {  	_ =	shalt  }
0x3f: {  	_ =	shalt  }
0x40: {  	_ =	shalt  }
0x41: {  	_ =	shalt  }
0x42: {  	_ =	shalt  }
0x43: {  	_ =	shalt  }
0x44: {  	_ =	shalt  }
0x45: {  	_ =	shalt  }
0x46: {  	_ =	shalt  }
0x47: {  	_ =	shalt  }
0x48: {  	_ =	shalt  }
0x49: {  	_ =	shalt  }
0x4a: {  	_ =	shalt  }
0x4b: {  	_ =	shalt  }
0x4c: {  	_ =	shalt  }
0x4d: {  	_ =	shalt  }
0x4e: {  	_ =	shalt  }
0x4f: {  	_ =	shalt  }
0x50: {  	_ =	shalt  }
0x51: {  	_ =	shalt  }
0x52: {  	_ =	shalt  }
0x53: {  	_ =	shalt  }
0x54: {  	_ =	shalt  }
0x55: {  	_ =	shalt  }
0x56: {  	_ =	shalt  }
0x57: {  	_ =	shalt  }
0x58: {  	_ =	shalt  }
0x59: {  	_ =	shalt  }
0x5a: {  	_ =	shalt  }
0x5b: {  	_ =	shalt  }
0x5c: {  	_ =	shalt  }
0x5d: {  	_ =	shalt  }
0x5e: {  	_ =	shalt  }
0x5f: {  	_ =	shalt  }
0x60: {  	_ =	shalt  }
0x61: {  	_ =	shalt  }
0x62: {  	_ =	shalt  }
0x63: {  	_ =	shalt  }
0x64: {  	_ =	shalt  }
0x65: {  	_ =	shalt  }
0x66: {  	_ =	shalt  }
0x67: {  	_ =	shalt  }
0x68: {  	_ =	shalt  }
0x69: {  	_ =	shalt  }
0x6a: {  	_ =	shalt  }
0x6b: {  	_ =	shalt  }
0x6c: {  	_ =	shalt  }
0x6d: {  	_ =	shalt  }
0x6e: {  	_ =	shalt  }
0x6f: {  	_ =	shalt  }
0x70: {  	_ =	shalt  }
0x71: {  	_ =	shalt  }
0x72: {  	_ =	shalt  }
0x73: {  	_ =	shalt  }
0x74: {  	_ =	shalt  }
0x75: {  	_ =	shalt  }
0x76: {  	_ =	shalt  }
0x77: {  	_ =	shalt  }
0x78: {  	_ =	shalt  }
0x79: {  	_ =	shalt  }
0x7a: {  	_ =	shalt  }
0x7b: {  	_ =	shalt  }
0x7c: {  	_ =	shalt  }
0x7d: {  	_ =	shalt  }
0x7e: {  	_ =	shalt  }
0x7f: {  	_ =	shalt  }
0x80: {  	_ =	shalt  }
0x81: {  	_ =	shalt  }
0x82: {  	_ =	shalt  }
0x83: {  	_ =	shalt  }
0x84: {  	_ =	shalt  }
0x85: {  	_ =	shalt  }
0x86: {  	_ =	shalt  }
0x87: {  	_ =	shalt  }
.Lfunc_end0:
.L_simem_size_0:
called_computation.2_lowered:
.L_overlay_start_0:
0x88: {  	s2 =	sld [smem:$0x3FD9]  }
0x89: {  	s3 =	sld [smem:$0x3FFE];
	_ =	sdelay $0x1  }
0x8a: {  	s1 =	srdreg.scid  }
0x8b: {  	s0 =	sand.u32 $0x1, s1  }
0x8c: {  	s16 =	sshll.u32 s0, $0xA;
	s2 =	sadd.s32 s3, s2  }
0x8d: {  	s2 =	sadd.s32 s2, s16  }
0x8e: {  	[smem:$0x3FB1] =	sst s2  }
0x8f: {  	_ = 	snop  }
0x90: {  	(tm) =	ssettm $0x1  }
0x91: {  	s17 =	sld [smem:$0x3FFB];
	_ =	sdelay $0x3  }
0x92: {  	_ =	strace s17  }
0x93: {  	s2 =	sld [smem:$0x3FFC];
	_ =	sdelay $0x3  }
0x94: {  	_ =	strace s2  }
0x95: {  	s2 =	sld [smem:$0x3FFD];
	_ =	sdelay $0x3  }
0x96: {  	_ =	strace s2  }
0x97: {  	_ =	strace $0x8FFFFFFF  }
0x98: {  	s18 =	sld [smem:$0x3FDB];
	_ =	sdelay $0x1  }
0x99: {  	s19 =	simm.s32 $_scs_section_size  }
0x9a: {  	s4 =	simm.s32 $_size__tile_overlayer_lowered;
	s5 =	simm.s32 $_tile_overlayer_lowered  }
0x9b: {  	s22 =	simm.s32 $0x1BFF;
	s21 =	sshll.u32 s5, $0x1;
	s2 =	sadd.s32 s19, s18  }
0x9c: {  	s6 =	simm.s32 $0x0;
	s20 =	sshll.u32 s4, $0x1;
	s4 =	sadd.s32 s21, s2  }
0x9d: {  	[timem:s6], [sflag:s22] =	dma.local [hbm:s4], s20  }
0x9e: {  	_ =	swait.ge [sflag:s22], s20  }
0x9f: {  	s3 =	ssub.s32 $0x0, s20;
	[sflag:s22] =	ssyncset.done $0x0  }
0xa0: {  	[sflag:s22] =	ssyncadd.s32 s3;
	_ =	sdelay $0x1  }
0xa1: {  	s23 =	simm.s32 $0x1B8B  }
0xa2: {  	_ =	swait.ge [sflag:s23], $0x1  }
0xa3: {  	[sflag:s23] =	ssyncset.done $0x0  }
0xa4: {  	s25 =	simm.s32 $0x1B8E;
	s24 =	sld [smem:$0x3FFE];
	[sflag:s23] =	ssyncadd.s32 $0xFFFFFFFF  }
0xa5: {  	s26 =	simm.s32 $execute0_lowered;
	[smem:$0x3FD2] =	sst s25  }
0xa6: {  	s4 =	sshll.u32 s26, $0x1;
	_ =	strace $0x8000004C;
	[dreg:$0x1] =	wrdreg $0xFFFFFFFF  }
0xa7: {  	s28 =	simm.s32 $_size_execute0_lowered;
	s2 =	sadd.s32 s2, s4;
	[dreg:$0x0] =	wrdreg $0x0  }
0xa8: {  	s4 =	sshll.u32 s28, $0x1;
	[dreg:$0x2] =	wrdreg s2  }
0xa9: {  	[dreg:$0x3] =	wrdreg s4  }
0xaa: {  	[dreg:$0x4] =	wrdreg $0xC0  }
0xab: {  	_ =	task [dreg:s6], $0x5FFFF  }
0xac: {  	[dreg:$0x1] =	wrdreg $0xFFFFFFFF  }
0xad: {  	[dreg:$0x0] =	wrdreg $0x60  }
0xae: {  	[dreg:$0x2] =	wrdreg s24  }
0xaf: {  	[dreg:$0x3] =	wrdreg $0x0  }
0xb0: {  	[dreg:$0x4] =	wrdreg $0x9  }
0xb1: {  	_ =	task.clear_ibuf [dreg:s6], $0x5FFFF;
	_ =	strace $0x9000004C  }
0xb2: {  	s29 =	simm.s32 $0x9;
	_ =	strace $0x8000004E  }
0xb3: {  	_ =	swait.ge [sflag:s29], $0x1  }
0xb4: {  	[sflag:s29] =	ssyncadd.s32 $0xFFFFFFFF  }
0xb5: {  	_ =	strace $0x9000004E  }
0xb6: {  	_ =	sfence  }
0xb7: {  	s30 =	sld [smem:$0x0];
	_ =	sdelay $0x2  }
0xb8: {  	s31 =	sshll.u32 s1, $0xD;
	s1 =	sshrl.u32 s1, $0x2  }
0xb9: {  	s3 =	sand.u32 $0x4000, s31;
	s1 =	sadd.s32 s1, s30  }
0xba: {  	s0 =	sor.u32 s3, s0;
	s1 =	sshll.u32 s1, $0x11  }
0xbb: {  	s0 =	sor.u32 s1, s0  }
0xbc: {  	s0 =	sadd.s32 $0x8F2B, s0  }
0xbd: {  	[sflag:s0] =	ssyncadd.remote.s32 $0x1  }
0xbe: {  	_ =	sfence.sel $0xFFFF  }
0xbf: {  	[dreg:$0x0] =	wrdreg $0xFFFFFFFF;
	(pc) =	sbr.abs _section_cstart, $3  }
0xc0: {  	[dreg:$0x1] =	wrdreg $0xFFFFFFFF  }
0xc1: {  	_ =	task.clear_ibuf [dreg:s6], $0x2FFFF;
	_ =	strace $0x9FFFFFFF  }
0xc2: {  	(tm) =	ssettm $0x7FFFFFFF  }
0xc3: {  	_ =	shalt  }
tec
execute0_lowered:
.L_overlay_start_1:
0x0: {  	(tag) =	ssettag $0x1  }
0x1: {  	s0 =	srdreg.scid;
	s5 =	rddreg [dreg:$0x0]  }
0x2: {  	s2 =	rddreg [dreg:$0x1];
	s1 =	stileid.u32  }
0x3: {  	s3 =	simm.s32 $0x0;
	s14 =	simm.s32 $0x3;
	s15 =	simm.s32 $0x14000  }
0x4: {  	s16 =	simm.s32 $0x15400;
	s17 =	simm.s32 $0x80;
	s18 =	simm.s32 $0x14080  }
0x5: {  	s19 =	simm.s32 $0x1A800;
	s20 =	simm.s32 $0x1;
	s21 =	simm.s32 $0x2  }
0x6: {  	s22 =	simm.s32 $0x16700;
	s6 =	sand.u32 $0x1, s0;
	s0 =	rddreg [dreg:$0x2]  }
0x7: {  	s23 =	simm.s32 $0x16780;
	[smem:$0x7FF] =	sst s3;
	s8 =	smul.u32 $0x50000, s1  }
0x8: {  	s25 =	smul.u32 $0x2800, s1;
	s4 =	sshll.u32 s6, $0x4;
	_ =	strace $0x8000004D  }
0x9: {  	s9 =	smul.u32 $0x28000, s6;
	s6 =	ssub.s32 $0x2, s6;
	s4 =	sor.u32 s1, s4  }
0xa: {  	s31 =	sshrl.u32 s6, $0x1;
	s8 =	sshrl.u32 s8, $0x2;
	s7 =	smul.u32 $0x500, s4  }
0xb: {  	s4 =	sadd.s32 $0x1A200, s5;
	s12 =	sadd.s32 s9, s5;
	s13 =	ssub.s32 s6, s31  }
0xc: {  	s24 =	sadd.s32 $0x41400, s12;
	s12 =	smax.u32 s13, $0x1;
	s13 =	simm.s32 $0x16800  }
0xd: {  	s11 =	sadd.s32 s7, s5;
	s5 =	sadd.s32 s8, s2;
	s24 =	sadd.s32 s25, s24  }
0xe: {  	s6 =	sadd.s32 $0x4000, s5;
	s7 =	sadd.s32 $0x8000, s5;
	s8 =	sadd.s32 $0xC000, s5  }
0xf: {  	v0 =	vimm.f32 $0.0e+00;
	s9 =	sadd.s32 $0x10000, s5;
	s10 =	sadd.s32 $0x6200, s11;
	s11 =	sadd.s32 $0x10200, s11  }
.LBB2_1:
0x10: {  	s25 =	simm.s32 $0x0;
	s26 =	simm.s32 $0x200  }
.LBB2_2:
0x11: {  	p0 =	sne.s32 s26, $0xFE00;
	[tilespmem:s25+$0x16870] =	vst v0  }
0x12: {  	[tilespmem:s25+$0x16800] =	vst v0  }
0x13: {  	[tilespmem:s25+$0x16810] =	vst v0  }
.Ltmp0:
0x14: {  	[tilespmem:s25+$0x16820] =	vst v0;
	(pc) =	sbr.rel @p0 .LBB2_2-.Ltmp0, $4  }
0x15: {  	[tilespmem:s25+$0x16830] =	vst v0  }
0x16: {  	[tilespmem:s25+$0x16840] =	vst v0  }
0x17: {  	[tilespmem:s25+$0x16850] =	vst v0  }
0x18: {  	[tilespmem:s25+$0x16860] =	vst v0;
	s25 =	sshra.s32 s26, $0x2;
	s26 =	sadd.s32 $0x200, s26  }
0x19: {  	[tilespmem:s25+$0x16870] =	vst v0  }
0x1a: {  	[tilespmem:s25+$0x16800] =	vst v0  }
0x1b: {  	[tilespmem:s25+$0x16810] =	vst v0  }
0x1c: {  	[tilespmem:s25+$0x16820] =	vst v0  }
0x1d: {  	[tilespmem:s25+$0x16830] =	vst v0  }
0x1e: {  	[tilespmem:s25+$0x16840] =	vst v0  }
0x1f: {  	[tilespmem:s25+$0x16850] =	vst v0  }
0x20: {  	[tilespmem:s25+$0x16860] =	vst v0  }
0x21: {  	[spmem:s5] =	stream.linear.scatter [tilespmem:s13], [sflag:$0x3], $0x4000, $0x38;
	[tilespmem:$0x1E800] =	vst v63  }
0x22: {  	_ =	swait.ge [sflag:s14], $0x4000  }
0x23: {  	[sflag:s14] =	ssyncset.done $0x0  }
0x24: {  	[sflag:s14] =	ssyncadd.s32 $0xFFFFC000  }
0x25: {  	[spmem:s6] =	stream.linear.scatter [tilespmem:s13], [sflag:$0x3], $0x4000, $0x38;
	[tilespmem:$0x1E800] =	vst v63  }
0x26: {  	_ =	swait.ge [sflag:s14], $0x4000  }
0x27: {  	[sflag:s14] =	ssyncset.done $0x0  }
0x28: {  	[sflag:s14] =	ssyncadd.s32 $0xFFFFC000  }
0x29: {  	[spmem:s7] =	stream.linear.scatter [tilespmem:s13], [sflag:$0x3], $0x4000, $0x38;
	[tilespmem:$0x1E800] =	vst v63  }
0x2a: {  	_ =	swait.ge [sflag:s14], $0x4000  }
0x2b: {  	[sflag:s14] =	ssyncset.done $0x0  }
0x2c: {  	[sflag:s14] =	ssyncadd.s32 $0xFFFFC000  }
0x2d: {  	[spmem:s8] =	stream.linear.scatter [tilespmem:s13], [sflag:$0x3], $0x4000, $0x38;
	[tilespmem:$0x1E800] =	vst v63  }
0x2e: {  	_ =	swait.ge [sflag:s14], $0x4000  }
0x2f: {  	[sflag:s14] =	ssyncset.done $0x0  }
0x30: {  	[sflag:s14] =	ssyncadd.s32 $0xFFFFC000  }
0x31: {  	[spmem:s9] =	stream.linear.scatter [tilespmem:s13], [sflag:$0x3], $0x4000, $0x38;
	[tilespmem:$0x1E800] =	vst v63  }
0x32: {  	_ =	swait.ge [sflag:s14], $0x4000  }
0x33: {  	[sflag:s14] =	ssyncset.done $0x0  }
0x34: {  	[sflag:s14] =	ssyncadd.s32 $0xFFFFC000  }
0x35: {  	s28 =	simm.s32 $0x0;
	[bflag:$0x0] =	sbarrier.arrive $0xFFFF  }
0x36: {  	[tilespmem:s15], [sflag:$0x3] =	stream.linear.gather [hbm4b:s10+s28], $0x1400, $0x38;
	[tilespmem:$0x1E800] =	vst v63  }
0x37: {  	_ =	swait.ge [sflag:s14], $0x1400  }
0x38: {  	[sflag:s14] =	ssyncset.done $0x0  }
0x39: {  	[sflag:s14] =	ssyncadd.s32 $0xFFFFEC00  }
0x3a: {  	[tilespmem:s16], [sflag:$0x3] =	stream.linear.gather [hbm4b:s11+s28], $0x1400, $0x38;
	[tilespmem:$0x1E800] =	vst v63  }
0x3b: {  	_ =	swait.ge [sflag:s14], $0x1400  }
0x3c: {  	[sflag:s14] =	ssyncset.done $0x0  }
0x3d: {  	[sflag:s14] =	ssyncadd.s32 $0xFFFFEC00  }
0x3e: {  	[tilespmem:s13], [sflag:$0x1] =	stream.indirect.gather [hbm4b:s4+s17], $0x80, s15, s17, $0xb8;
	[tilespmem:$0x1E800] =	vst v63  }
0x3f: {  	_ = 	snop  }
0x40: {  	[tilespmem:s19], [sflag:$0x2] =	stream.indirect.gather [hbm4b:s4+s17], $0x80, s18, s17, $0xb8;
	[tilespmem:$0x1E800] =	vst v63  }
0x41: {  	_ =	swait.ge [sflag:s20], $0x4000  }
0x42: {  	[sflag:s20] =	ssyncset.done $0x0  }
0x43: {  	s29 =	simm.s32 $0x15400;
	[sflag:s20] =	ssyncadd.s32 $0xFFFFC000  }
0x44: {  	[spmem:s2] =	stream.indirect.scatter.add.f32 [tilespmem:s13], [sflag:$0x3], $0x80, s29, s17, $0xb8;
	[tilespmem:$0x1E800] =	vst v63  }
0x45: {  	_ =	swait.ge [sflag:s14], $0x4000  }
0x46: {  	[sflag:s14] =	ssyncset.done $0x0  }
0x47: {  	s30 =	simm.s32 $0x14100;
	[sflag:s14] =	ssyncadd.s32 $0xFFFFC000  }
0x48: {  	[tilespmem:s13], [sflag:$0x1] =	stream.indirect.gather [hbm4b:s4+s17], $0x80, s30, s17, $0xb8;
	[tilespmem:$0x1E800] =	vst v63  }
0x49: {  	_ =	swait.ge [sflag:s21], $0x4000  }
0x4a: {  	[sflag:s21] =	ssyncset.done $0x0  }
0x4b: {  	s31 =	simm.s32 $0x15480;
	[sflag:s21] =	ssyncadd.s32 $0xFFFFC000  }
0x4c: {  	[spmem:s2] =	stream.indirect.scatter.add.f32 [tilespmem:s19], [sflag:$0x3], $0x80, s31, s17, $0xb8;
	[tilespmem:$0x1E800] =	vst v63  }
0x4d: {  	_ =	swait.ge [sflag:s14], $0x4000  }
0x4e: {  	[sflag:s14] =	ssyncset.done $0x0  }
0x4f: {  	s25 =	simm.s32 $0x400;
	s26 =	simm.s32 $0x14180;
	[sflag:s14] =	ssyncadd.s32 $0xFFFFC000  }
.LBB2_4:
0x50: {  	[tilespmem:s19], [sflag:$0x2] =	stream.indirect.gather [hbm4b:s4+s17], $0x80, s26, s17, $0xb8;
	[tilespmem:$0x1E800] =	vst v63  }
0x51: {  	s26 =	smov.u32 s25  }
0x52: {  	p0 =	sne.s32 s25, $0x4800;
	s25 =	sadd.s32 $0x400, s25;
	_ =	swait.ge [sflag:s20], $0x4000  }
0x53: {  	s26 =	sshra.s32 s26, $0x2;
	[sflag:s20] =	ssyncset.done $0x0  }
0x54: {  	s28 =	sadd.s32 $0x15400, s26;
	[sflag:s20] =	ssyncadd.s32 $0xFFFFC000  }
0x55: {  	[spmem:s2] =	stream.indirect.scatter.add.f32 [tilespmem:s13], [sflag:$0x3], $0x80, s28, s17, $0xb8;
	[tilespmem:$0x1E800] =	vst v63  }
0x56: {  	_ =	swait.ge [sflag:s14], $0x4000  }
0x57: {  	[sflag:s14] =	ssyncset.done $0x0  }
0x58: {  	s28 =	sadd.s32 $0x14100, s26;
	[sflag:s14] =	ssyncadd.s32 $0xFFFFC000  }
0x59: {  	[tilespmem:s13], [sflag:$0x1] =	stream.indirect.gather [hbm4b:s4+s17], $0x80, s28, s17, $0xb8;
	[tilespmem:$0x1E800] =	vst v63  }
0x5a: {  	_ =	swait.ge [sflag:s21], $0x4000  }
0x5b: {  	[sflag:s21] =	ssyncset.done $0x0  }
.Ltmp1:
0x5c: {  	s28 =	sadd.s32 $0x15480, s26;
	[sflag:s21] =	ssyncadd.s32 $0xFFFFC000;
	(pc) =	sbr.rel @p0 .LBB2_4-.Ltmp1, $4  }
0x5d: {  	[spmem:s2] =	stream.indirect.scatter.add.f32 [tilespmem:s19], [sflag:$0x3], $0x80, s28, s17, $0xb8;
	[tilespmem:$0x1E800] =	vst v63  }
0x5e: {  	_ =	swait.ge [sflag:s14], $0x4000  }
0x5f: {  	[sflag:s14] =	ssyncset.done $0x0  }
0x60: {  	s26 =	sadd.s32 $0x14180, s26;
	[sflag:s14] =	ssyncadd.s32 $0xFFFFC000  }
0x61: {  	[tilespmem:s19], [sflag:$0x2] =	stream.indirect.gather [hbm4b:s4+s17], $0x80, s26, s17, $0xb8;
	[tilespmem:$0x1E800] =	vst v63  }
0x62: {  	_ =	swait.ge [sflag:s20], $0x4000  }
0x63: {  	[sflag:s20] =	ssyncset.done $0x0  }
0x64: {  	[sflag:s20] =	ssyncadd.s32 $0xFFFFC000  }
0x65: {  	[spmem:s2] =	stream.indirect.scatter.add.f32 [tilespmem:s13], [sflag:$0x3], $0x80, s22, s17, $0xb8;
	[tilespmem:$0x1E800] =	vst v63  }
0x66: {  	_ =	swait.ge [sflag:s14], $0x4000  }
0x67: {  	[sflag:s14] =	ssyncset.done $0x0  }
0x68: {  	[sflag:s14] =	ssyncadd.s32 $0xFFFFC000  }
0x69: {  	_ =	swait.ge [sflag:s21], $0x4000  }
0x6a: {  	[sflag:s21] =	ssyncset.done $0x0  }
0x6b: {  	[sflag:s21] =	ssyncadd.s32 $0xFFFFC000  }
0x6c: {  	[spmem:s2] =	stream.indirect.scatter.add.f32 [tilespmem:s19], [sflag:$0x3], $0x80, s23, s17, $0xb8;
	[tilespmem:$0x1E800] =	vst v63  }
0x6d: {  	_ =	swait.ge [sflag:s14], $0x4000  }
0x6e: {  	[sflag:s14] =	ssyncset.done $0x0  }
0x6f: {  	s25 =	sadd.s32 $0x280, s10;
	s31 =	simm.s32 $0x0;
	[sflag:s14] =	ssyncadd.s32 $0xFFFFC000  }
0x70: {  	[tilespmem:s15], [sflag:$0x3] =	stream.linear.gather [hbm4b:s25+s31], $0x1400, $0x38;
	[tilespmem:$0x1E800] =	vst v63  }
0x71: {  	_ =	swait.ge [sflag:s14], $0x1400  }
0x72: {  	[sflag:s14] =	ssyncset.done $0x0  }
0x73: {  	s28 =	sadd.s32 $0x280, s11;
	[sflag:s14] =	ssyncadd.s32 $0xFFFFEC00  }
0x74: {  	[tilespmem:s16], [sflag:$0x3] =	stream.linear.gather [hbm4b:s28+s31], $0x1400, $0x38;
	[tilespmem:$0x1E800] =	vst v63  }
0x75: {  	_ =	swait.ge [sflag:s14], $0x1400  }
0x76: {  	[sflag:s14] =	ssyncset.done $0x0  }
0x77: {  	[sflag:s14] =	ssyncadd.s32 $0xFFFFEC00  }
0x78: {  	[tilespmem:s13], [sflag:$0x1] =	stream.indirect.gather [hbm4b:s4+s17], $0x80, s15, s17, $0xb8;
	[tilespmem:$0x1E800] =	vst v63  }
0x79: {  	_ = 	snop  }
0x7a: {  	[tilespmem:s19], [sflag:$0x2] =	stream.indirect.gather [hbm4b:s4+s17], $0x80, s18, s17, $0xb8;
	[tilespmem:$0x1E800] =	vst v63  }
0x7b: {  	_ =	swait.ge [sflag:s20], $0x4000  }
0x7c: {  	[sflag:s20] =	ssyncset.done $0x0  }
0x7d: {  	s29 =	simm.s32 $0x15400;
	[sflag:s20] =	ssyncadd.s32 $0xFFFFC000  }
0x7e: {  	[spmem:s2] =	stream.indirect.scatter.add.f32 [tilespmem:s13], [sflag:$0x3], $0x80, s29, s17, $0xb8;
	[tilespmem:$0x1E800] =	vst v63  }
0x7f: {  	_ =	swait.ge [sflag:s14], $0x4000  }
0x80: {  	[sflag:s14] =	ssyncset.done $0x0  }
0x81: {  	s30 =	simm.s32 $0x14100;
	[sflag:s14] =	ssyncadd.s32 $0xFFFFC000  }
0x82: {  	[tilespmem:s13], [sflag:$0x1] =	stream.indirect.gather [hbm4b:s4+s17], $0x80, s30, s17, $0xb8;
	[tilespmem:$0x1E800] =	vst v63  }
0x83: {  	_ =	swait.ge [sflag:s21], $0x4000  }
0x84: {  	[sflag:s21] =	ssyncset.done $0x0  }
0x85: {  	s31 =	simm.s32 $0x15480;
	[sflag:s21] =	ssyncadd.s32 $0xFFFFC000  }
0x86: {  	[spmem:s2] =	stream.indirect.scatter.add.f32 [tilespmem:s19], [sflag:$0x3], $0x80, s31, s17, $0xb8;
	[tilespmem:$0x1E800] =	vst v63  }
0x87: {  	_ =	swait.ge [sflag:s14], $0x4000  }
0x88: {  	[sflag:s14] =	ssyncset.done $0x0  }
0x89: {  	s26 =	simm.s32 $0x14180;
	s25 =	simm.s32 $0x400;
	[sflag:s14] =	ssyncadd.s32 $0xFFFFC000  }
.LBB2_6:
0x8a: {  	[tilespmem:s19], [sflag:$0x2] =	stream.indirect.gather [hbm4b:s4+s17], $0x80, s26, s17, $0xb8;
	[tilespmem:$0x1E800] =	vst v63  }
0x8b: {  	s26 =	smov.u32 s25  }
0x8c: {  	p0 =	sne.s32 s25, $0x4800;
	s25 =	sadd.s32 $0x400, s25;
	_ =	swait.ge [sflag:s20], $0x4000  }
0x8d: {  	s26 =	sshra.s32 s26, $0x2;
	[sflag:s20] =	ssyncset.done $0x0  }
0x8e: {  	s28 =	sadd.s32 $0x15400, s26;
	[sflag:s20] =	ssyncadd.s32 $0xFFFFC000  }
0x8f: {  	[spmem:s2] =	stream.indirect.scatter.add.f32 [tilespmem:s13], [sflag:$0x3], $0x80, s28, s17, $0xb8;
	[tilespmem:$0x1E800] =	vst v63  }
0x90: {  	_ =	swait.ge [sflag:s14], $0x4000  }
0x91: {  	[sflag:s14] =	ssyncset.done $0x0  }
0x92: {  	s28 =	sadd.s32 $0x14100, s26;
	[sflag:s14] =	ssyncadd.s32 $0xFFFFC000  }
0x93: {  	[tilespmem:s13], [sflag:$0x1] =	stream.indirect.gather [hbm4b:s4+s17], $0x80, s28, s17, $0xb8;
	[tilespmem:$0x1E800] =	vst v63  }
0x94: {  	_ =	swait.ge [sflag:s21], $0x4000  }
0x95: {  	[sflag:s21] =	ssyncset.done $0x0  }
.Ltmp2:
0x96: {  	s28 =	sadd.s32 $0x15480, s26;
	[sflag:s21] =	ssyncadd.s32 $0xFFFFC000;
	(pc) =	sbr.rel @p0 .LBB2_6-.Ltmp2, $4  }
0x97: {  	[spmem:s2] =	stream.indirect.scatter.add.f32 [tilespmem:s19], [sflag:$0x3], $0x80, s28, s17, $0xb8;
	[tilespmem:$0x1E800] =	vst v63  }
0x98: {  	_ =	swait.ge [sflag:s14], $0x4000  }
0x99: {  	[sflag:s14] =	ssyncset.done $0x0  }
0x9a: {  	s26 =	sadd.s32 $0x14180, s26;
	[sflag:s14] =	ssyncadd.s32 $0xFFFFC000  }
0x9b: {  	[tilespmem:s19], [sflag:$0x2] =	stream.indirect.gather [hbm4b:s4+s17], $0x80, s26, s17, $0xb8;
	[tilespmem:$0x1E800] =	vst v63  }
0x9c: {  	_ =	swait.ge [sflag:s20], $0x4000  }
0x9d: {  	[sflag:s20] =	ssyncset.done $0x0  }
0x9e: {  	[sflag:s20] =	ssyncadd.s32 $0xFFFFC000  }
0x9f: {  	[spmem:s2] =	stream.indirect.scatter.add.f32 [tilespmem:s13], [sflag:$0x3], $0x80, s22, s17, $0xb8;
	[tilespmem:$0x1E800] =	vst v63  }
0xa0: {  	_ =	swait.ge [sflag:s14], $0x4000  }
0xa1: {  	[sflag:s14] =	ssyncset.done $0x0  }
0xa2: {  	[sflag:s14] =	ssyncadd.s32 $0xFFFFC000  }
0xa3: {  	_ =	swait.ge [sflag:s21], $0x4000  }
0xa4: {  	[sflag:s21] =	ssyncset.done $0x0  }
0xa5: {  	[sflag:s21] =	ssyncadd.s32 $0xFFFFC000  }
0xa6: {  	[spmem:s2] =	stream.indirect.scatter.add.f32 [tilespmem:s19], [sflag:$0x3], $0x80, s23, s17, $0xb8;
	[tilespmem:$0x1E800] =	vst v63  }
0xa7: {  	_ =	swait.ge [sflag:s14], $0x4000  }
0xa8: {  	s25 =	sshll.u32 s1, $0x6;
	s3 =	sadd.s32 $0x1, s3;
	[sflag:s14] =	ssyncset.done $0x0  }
0xa9: {  	s31 =	sshrl.u32 s5, $0x3;
	p0 =	sne.s32 s3, s12;
	[sflag:s14] =	ssyncadd.s32 $0xFFFFC000  }
.Ltmp3:
0xaa: {  	s25 =	sor.u32 $0x1C03, s25;
	[bflag:$0x0] =	sbarrier.arrive $0xFFFF;
	(pc) =	sbr.rel @p0 .LBB2_1-.Ltmp3, $4  }
0xab: {  	[hbm:s24], [sflag:s25] =	dma.local [spmem:s31], $0x2800  }
0xac: {  	_ =	swait.ge [sflag:s14], $0x2800  }
0xad: {  	[sflag:s14] =	ssyncset.done $0x0  }
0xae: {  	[sflag:s14] =	ssyncadd.s32 $0xFFFFD800  }
0xaf: {  	_ =	sfence.sel $0x180000  }
0xb0: {  	[bflag:$0x0] =	sbarrier.arrive $0xFFFF  }
0xb1: {  	p0 =	sne.s32 s1, $0x0;
	_ =	strace $0x9000004D  }
0xb2: {  	s0 =	sadd.s32 @!p0 $0x100000, s0;
	[bflag:$0x2] =	sbarrier.arrive $0xFFFF  }
0xb3: {  	[sflag:s0] =	ssyncadd.tile.s32 @!p0 $0x1;
	_ =	shalt  }
.Lfunc_end2:
_tile_overlayer_lowered:
.L_overlay_start_2:
0xb4: {  	(tag) =	ssettag $0x2  }
0xb5: {  	s0 =	rddreg [dreg:$0x0];
	s2 =	stileid.u32  }
0xb6: {  	s1 =	rddreg [dreg:$0x1];
	p0 =	sne.s32 s2, $0x0  }
0xb7: {  	s3 =	rddreg [dreg:$0x2];
	[bflag:$0x3] =	sbarrier.arrive $0xFFFF;
	s2 =	simm.s32 @!p0 $0x1C03  }
0xb8: {  	[timem:s3], [sflag:s2] =	dma.local @!p0 [hbm:s0], s1  }
0xb9: {  	s0 =	simm.s32 @!p0 $0x3  }
0xba: {  	_ =	swait.ge @!p0 [sflag:s0], s1  }
0xbb: {  	s1 =	ssub.s32 @!p0 $0x0, s1;
	[sflag:s0] =	ssyncset.done @!p0 $0x0  }
0xbc: {  	[sflag:s0] =	ssyncadd.s32 @!p0 s1  }
0xbd: {  	[bflag:$0x3] =	sbarrier.arrive $0xFFFF  }
0xbe: {  	_ =	shalt  }

// kernel: kernel.9.cloned.1.call-start
scs
__scs_entry_jumppad:
0x0: {  	(pc) =	sbr.rel $0x88, $3  }
0x1: {  	(tag) =	ssettag $0x0;
	lr =	simm.s32 $0x1  }
0x2: {  	[smem:$0x3F8A] =	sst lr;
	_ =	strace $0xD0000000  }
0x3: {  	_ = 	snop  }
0x4: {  	_ = 	snop  }
0x5: {  	_ = 	snop  }
0x6: {  	_ = 	snop  }
0x7: {  	_ = 	snop  }
__scs_overlays_trampoline_lowered:
0x8: {  	[smem:$0x3F99] =	sst s0  }
0x9: {  	[smem:$0x3F9A] =	sst s1  }
0xa: {  	[smem:$0x3F9B] =	sst s2  }
0xb: {  	[smem:$0x3F9C] =	sst s3  }
0xc: {  	[smem:$0x3F9D] =	sst s4  }
0xd: {  	[smem:$0x3F9E] =	sst s5  }
0xe: {  	[smem:$0x3F9F] =	sst s6  }
0xf: {  	[smem:$0x3FA0] =	sst s7  }
0x10: {  	[smem:$0x3FA1] =	sst s8  }
0x11: {  	[smem:$0x3FA2] =	sst s9;
	s0 =	simm.s32 @!p0 $0x0  }
0x12: {  	s1 =	sld [smem:$0x3F88];
	s0 =	simm.s32 @p0 $0x1  }
0x13: {  	[smem:$0x3FA3] =	sst s0;
	s0 =	simm.s32 @!p1 $0x0  }
0x14: {  	s2 =	sld [smem:$0x3F87];
	s0 =	simm.s32 @p1 $0x1  }
0x15: {  	[smem:$0x3FA4] =	sst s0;
	s0 =	simm.s32 @!p2 $0x0  }
0x16: {  	s3 =	sld [smem:$0x3FDB];
	s0 =	simm.s32 @p2 $0x1  }
0x17: {  	s4 =	simm.s32 $0x1BF5;
	[smem:$0x3FA6] =	sst s0  }
0x18: {  	s0 =	sld [smem:$0x3F89];
	_ =	swait.ge [sflag:s4], $0x0  }
0x19: {  	s7 =	sld [smem:$0x3F8A]  }
0x1a: {  	s8 =	sadd.s32 $0xFFFFE003, lr  }
0x1b: {  	s9 =	sadd.s32 $0xFFFFFEF7, lr;
	s5 =	simm.s32 $0xFFFFFFFF;
	p2 =	slt.u32 s8, $0xFFFFF086  }
0x1c: {  	p1 =	slt.u32 s9, $0xF7A;
	s5 =	simm.s32 @!p2 $0x0  }
0x1d: {  	s5 =	simm.s32 @p1 $0x1;
	p0 =	seq.s32 s7, s2  }
0x1e: {  	s7 =	smul.u32 @!p0 $0xF7A, s2;
	p2 =	seq.s32 @!p0 s5, $0x0  }
0x1f: {  	s9 =	smul.u32 $0xF7A, s1;
	s8 =	simm.s32 @!p0 $0x1BF5;
	p2 =	por !p2, p0  }
0x20: {  	[sflag:s8] =	ssyncset.s32 @!p0 $0xFFFFF086;
	s6 =	sadd.s32 @!p0 s3, s7;
	s7 =	simm.s32 @!p0 $0x108  }
0x21: {  	s3 =	sadd.s32 s3, s9;
	s6 =	sadd.s32 @!p0 $0x88, s6;
	s7 =	simm.s32 @p2 $0x1082  }
0x22: {  	[simem:s7], [sflag:s8] =	dma.local @!p0 [hbm:s6], $0xF7A  }
0x23: {  	s9 =	sor.u32 $0xD0000000, s2;
	s6 =	simm.s32 $0x108;
	_ =	swait.ge @!p0 [sflag:s8], $0x0  }
0x24: {  	s3 =	sadd.s32 $0x88, s3;
	s6 =	simm.s32 @!p1 $0x1082;
	[sflag:s4] =	ssyncset.s32 $0xFFFFF086  }
0x25: {  	[simem:s6], [sflag:s4] =	dma.local [hbm:s3], $0xF7A  }
0x26: {  	[smem:$0x3F8A] =	sst s1;
	(tag) =	ssettag s2;
	_ =	strace s9  }
0x27: {  	s1 =	sld [smem:$0x3F9A]  }
0x28: {  	s2 =	sld [smem:$0x3F9B]  }
0x29: {  	s4 =	sld [smem:$0x3F9D]  }
0x2a: {  	p0 =	seq.s32 s5, $0x0;
	s5 =	sld [smem:$0x3F9E]  }
0x2b: {  	s6 =	sld [smem:$0x3F9F]  }
0x2c: {  	s7 =	sld [smem:$0x3FA0]  }
0x2d: {  	s3 =	simm.s32 $0x108;
	s8 =	sld [smem:$0x3FA1]  }
0x2e: {  	s3 =	simm.s32 @!p0 $0x1082;
	s9 =	sld [smem:$0x3FA2]  }
0x2f: {  	lr =	sadd.s32 s0, s3;
	s0 =	sld [smem:$0x3F99]  }
0x30: {  	s3 =	sld [smem:$0x3F9C]  }
0x31: {  	[smem:$0x3FA5] =	sst s10  }
0x32: {  	s10 =	sld [smem:$0x3FA3];
	_ =	sdelay $0x3  }
0x33: {  	p0 =	seq.s32 s10, $0x1;
	s10 =	sld [smem:$0x3FA5];
	_ =	sdelay $0x3  }
0x34: {  	[smem:$0x3FA5] =	sst s10  }
0x35: {  	s10 =	sld [smem:$0x3FA4];
	_ =	sdelay $0x3  }
0x36: {  	p1 =	seq.s32 s10, $0x1;
	s10 =	sld [smem:$0x3FA5];
	_ =	sdelay $0x3  }
0x37: {  	[smem:$0x3FA5] =	sst s10  }
0x38: {  	s10 =	sld [smem:$0x3FA6]  }
0x39: {  	_ = 	snop;
	(pc) =	sbr.ind lr, $3  }
0x3a: {  	_ = 	snop  }
0x3b: {  	_ = 	snop  }
0x3c: {  	p2 =	seq.s32 s10, $0x1;
	s10 =	sld [smem:$0x3FA5]  }
0x3d: {  	_ =	shalt  }
0x3e: {  	_ =	shalt  }
0x3f: {  	_ =	shalt  }
0x40: {  	_ =	shalt  }
0x41: {  	_ =	shalt  }
0x42: {  	_ =	shalt  }
0x43: {  	_ =	shalt  }
0x44: {  	_ =	shalt  }
0x45: {  	_ =	shalt  }
0x46: {  	_ =	shalt  }
0x47: {  	_ =	shalt  }
0x48: {  	_ =	shalt  }
0x49: {  	_ =	shalt  }
0x4a: {  	_ =	shalt  }
0x4b: {  	_ =	shalt  }
0x4c: {  	_ =	shalt  }
0x4d: {  	_ =	shalt  }
0x4e: {  	_ =	shalt  }
0x4f: {  	_ =	shalt  }
0x50: {  	_ =	shalt  }
0x51: {  	_ =	shalt  }
0x52: {  	_ =	shalt  }
0x53: {  	_ =	shalt  }
0x54: {  	_ =	shalt  }
0x55: {  	_ =	shalt  }
0x56: {  	_ =	shalt  }
0x57: {  	_ =	shalt  }
0x58: {  	_ =	shalt  }
0x59: {  	_ =	shalt  }
0x5a: {  	_ =	shalt  }
0x5b: {  	_ =	shalt  }
0x5c: {  	_ =	shalt  }
0x5d: {  	_ =	shalt  }
0x5e: {  	_ =	shalt  }
0x5f: {  	_ =	shalt  }
0x60: {  	_ =	shalt  }
0x61: {  	_ =	shalt  }
0x62: {  	_ =	shalt  }
0x63: {  	_ =	shalt  }
0x64: {  	_ =	shalt  }
0x65: {  	_ =	shalt  }
0x66: {  	_ =	shalt  }
0x67: {  	_ =	shalt  }
0x68: {  	_ =	shalt  }
0x69: {  	_ =	shalt  }
0x6a: {  	_ =	shalt  }
0x6b: {  	_ =	shalt  }
0x6c: {  	_ =	shalt  }
0x6d: {  	_ =	shalt  }
0x6e: {  	_ =	shalt  }
0x6f: {  	_ =	shalt  }
0x70: {  	_ =	shalt  }
0x71: {  	_ =	shalt  }
0x72: {  	_ =	shalt  }
0x73: {  	_ =	shalt  }
0x74: {  	_ =	shalt  }
0x75: {  	_ =	shalt  }
0x76: {  	_ =	shalt  }
0x77: {  	_ =	shalt  }
0x78: {  	_ =	shalt  }
0x79: {  	_ =	shalt  }
0x7a: {  	_ =	shalt  }
0x7b: {  	_ =	shalt  }
0x7c: {  	_ =	shalt  }
0x7d: {  	_ =	shalt  }
0x7e: {  	_ =	shalt  }
0x7f: {  	_ =	shalt  }
0x80: {  	_ =	shalt  }
0x81: {  	_ =	shalt  }
0x82: {  	_ =	shalt  }
0x83: {  	_ =	shalt  }
0x84: {  	_ =	shalt  }
0x85: {  	_ =	shalt  }
0x86: {  	_ =	shalt  }
0x87: {  	_ =	shalt  }
.Lfunc_end0:
.L_simem_size_0:
called_computation_lowered:
.L_overlay_start_0:
0x88: {  	s2 =	sld [smem:$0x3FD9]  }
0x89: {  	s3 =	sld [smem:$0x3FFE];
	_ =	sdelay $0x1  }
0x8a: {  	s1 =	srdreg.scid  }
0x8b: {  	s0 =	sand.u32 $0x1, s1  }
0x8c: {  	s17 =	sshll.u32 s0, $0xA;
	s2 =	sadd.s32 s3, s2  }
0x8d: {  	s2 =	sadd.s32 s2, s17  }
0x8e: {  	[smem:$0x3FB1] =	sst s2  }
0x8f: {  	_ = 	snop  }
0x90: {  	s2 =	sld [smem:$0x3FC9];
	(tm) =	ssettm $0x1  }
0x91: {  	s18 =	sld [smem:$0x3FFB];
	_ =	sdelay $0x3  }
0x92: {  	_ =	strace s18  }
0x93: {  	s3 =	sld [smem:$0x3FFC];
	_ =	sdelay $0x3  }
0x94: {  	_ =	strace s3  }
0x95: {  	s3 =	sld [smem:$0x3FFD];
	_ =	sdelay $0x3  }
0x96: {  	_ =	strace s3  }
0x97: {  	_ =	strace $0x8FFFFFFF  }
0x98: {  	s19 =	sld [smem:$0x3FDB];
	_ =	sdelay $0x1  }
0x99: {  	s4 =	simm.s32 $_scs_section_size  }
0x9a: {  	s5 =	simm.s32 $_size__tile_overlayer_lowered;
	s6 =	simm.s32 $_tile_overlayer_lowered  }
0x9b: {  	s22 =	simm.s32 $0x1BFF;
	s21 =	sshll.u32 s6, $0x1;
	s3 =	sadd.s32 s4, s19  }
0x9c: {  	s7 =	simm.s32 $0x0;
	s20 =	sshll.u32 s5, $0x1;
	s5 =	sadd.s32 s21, s3  }
0x9d: {  	[timem:s7], [sflag:s22] =	dma.local [hbm:s5], s20  }
0x9e: {  	_ =	swait.ge [sflag:s22], s20  }
0x9f: {  	s4 =	ssub.s32 $0x0, s20;
	[sflag:s22] =	ssyncset.done $0x0  }
0xa0: {  	[sflag:s22] =	ssyncadd.s32 s4;
	_ =	sdelay $0x1  }
0xa1: {  	s23 =	simm.s32 $0x1B8B  }
0xa2: {  	_ =	swait.ge [sflag:s23], $0x1  }
0xa3: {  	[sflag:s23] =	ssyncset.done $0x0  }
0xa4: {  	s25 =	simm.s32 $0x1B8E;
	s24 =	sld [smem:$0x3FFE];
	[sflag:s23] =	ssyncadd.s32 $0xFFFFFFFF  }
0xa5: {  	s26 =	simm.s32 $execute0_lowered;
	[smem:$0x3FD2] =	sst s25  }
0xa6: {  	s5 =	sshll.u32 s26, $0x1;
	_ =	strace $0x80000046;
	[dreg:$0x1] =	wrdreg $0xFFFFFFFF  }
0xa7: {  	s28 =	simm.s32 $_size_execute0_lowered;
	s3 =	sadd.s32 s3, s5;
	[dreg:$0x0] =	wrdreg $0x0  }
0xa8: {  	s5 =	sshll.u32 s28, $0x1;
	[dreg:$0x2] =	wrdreg s3  }
0xa9: {  	[dreg:$0x3] =	wrdreg s5  }
0xaa: {  	[dreg:$0x4] =	wrdreg $0xC0  }
0xab: {  	_ =	task [dreg:s7], $0x5FFFF  }
0xac: {  	[dreg:$0x1] =	wrdreg $0xFFFFFFFF  }
0xad: {  	[dreg:$0x0] =	wrdreg $0x60  }
0xae: {  	[dreg:$0x2] =	wrdreg s2  }
0xaf: {  	[dreg:$0x3] =	wrdreg s24  }
0xb0: {  	[dreg:$0x4] =	wrdreg $0x0  }
0xb1: {  	[dreg:$0x5] =	wrdreg $0x9  }
0xb2: {  	_ =	task.clear_ibuf [dreg:s7], $0x6FFFF;
	_ =	strace $0x90000046  }
0xb3: {  	s29 =	simm.s32 $0x9;
	_ =	strace $0x80000048  }
0xb4: {  	_ =	swait.ge [sflag:s29], $0x1  }
0xb5: {  	[sflag:s29] =	ssyncadd.s32 $0xFFFFFFFF  }
0xb6: {  	_ =	strace $0x90000048  }
0xb7: {  	_ =	sfence  }
0xb8: {  	s30 =	sld [smem:$0x0];
	_ =	sdelay $0x2  }
0xb9: {  	s31 =	sshll.u32 s1, $0xD;
	s1 =	sshrl.u32 s1, $0x2  }
0xba: {  	s3 =	sand.u32 $0x4000, s31;
	s1 =	sadd.s32 s1, s30  }
0xbb: {  	s0 =	sor.u32 s3, s0;
	s1 =	sshll.u32 s1, $0x11  }
0xbc: {  	s0 =	sor.u32 s1, s0  }
0xbd: {  	s0 =	sadd.s32 $0x8F2B, s0  }
0xbe: {  	[sflag:s0] =	ssyncadd.remote.s32 $0x1  }
0xbf: {  	_ =	sfence.sel $0xFFFF  }
0xc0: {  	[dreg:$0x0] =	wrdreg $0xFFFFFFFF;
	(pc) =	sbr.abs _section_cstart, $3  }
0xc1: {  	[dreg:$0x1] =	wrdreg $0xFFFFFFFF  }
0xc2: {  	_ =	task.clear_ibuf [dreg:s7], $0x2FFFF;
	_ =	strace $0x9FFFFFFF  }
0xc3: {  	(tm) =	ssettm $0x7FFFFFFF  }
tec
execute0_lowered:
.L_overlay_start_1:
0x0: {  	(tag) =	ssettag $0x1  }
0x1: {  	s1 =	rddreg [dreg:$0x0]  }
0x2: {  	s6 =	rddreg [dreg:$0x1]  }
0x3: {  	s0 =	srdreg.scid;
	s3 =	rddreg [dreg:$0x2]  }
0x4: {  	s4 =	simm.s32 $0x0;
	s14 =	simm.s32 $0x3;
	s15 =	simm.s32 $0x14000  }
0x5: {  	s16 =	simm.s32 $0x15400;
	s17 =	simm.s32 $0x80;
	s18 =	simm.s32 $0x14080  }
0x6: {  	s19 =	simm.s32 $0x1A800;
	s20 =	simm.s32 $0x1;
	s21 =	simm.s32 $0x2  }
0x7: {  	s22 =	simm.s32 $0x16700;
	s5 =	sand.u32 $0x1, s0;
	s0 =	stileid.u32  }
0x8: {  	s23 =	simm.s32 $0x16780;
	[smem:$0x7FF] =	sst s4;
	s8 =	smul.u32 $0x50000, s0  }
0x9: {  	s2 =	sshll.u32 s5, $0x4;
	s9 =	smul.u32 $0x28000, s5;
	s5 =	ssub.s32 $0x2, s5  }
0xa: {  	s25 =	smul.u32 $0x2800, s0;
	s7 =	sor.u32 s0, s2;
	s2 =	rddreg [dreg:$0x3]  }
0xb: {  	_ =	strace $0x80000047;
	s31 =	sshrl.u32 s5, $0x1;
	s7 =	smul.u32 $0x500, s7  }
0xc: {  	s8 =	sshrl.u32 s8, $0x2;
	s12 =	sadd.s32 s9, s6;
	s13 =	ssub.s32 s5, s31  }
0xd: {  	s5 =	sadd.s32 s8, s3;
	s24 =	sadd.s32 $0x1A200, s12;
	s12 =	smax.u32 s13, $0x1  }
0xe: {  	s13 =	simm.s32 $0x16800;
	s11 =	sadd.s32 s7, s6;
	s6 =	sadd.s32 $0x4000, s5  }
0xf: {  	s7 =	sadd.s32 $0x8000, s5;
	s8 =	sadd.s32 $0xC000, s5;
	s9 =	sadd.s32 $0x10000, s5  }
0x10: {  	v0 =	vimm.f32 $0.0e+00;
	s24 =	sadd.s32 s25, s24;
	s10 =	sadd.s32 $0x6200, s11;
	s11 =	sadd.s32 $0x10200, s11  }
.LBB2_1:
0x11: {  	s25 =	simm.s32 $0x0;
	s26 =	simm.s32 $0x200  }
.LBB2_2:
0x12: {  	p0 =	sne.s32 s26, $0xFE00;
	[tilespmem:s25+$0x16870] =	vst v0  }
0x13: {  	[tilespmem:s25+$0x16800] =	vst v0  }
0x14: {  	[tilespmem:s25+$0x16810] =	vst v0  }
.Ltmp0:
0x15: {  	[tilespmem:s25+$0x16820] =	vst v0;
	(pc) =	sbr.rel @p0 .LBB2_2-.Ltmp0, $4  }
0x16: {  	[tilespmem:s25+$0x16830] =	vst v0  }
0x17: {  	[tilespmem:s25+$0x16840] =	vst v0  }
0x18: {  	[tilespmem:s25+$0x16850] =	vst v0  }
0x19: {  	[tilespmem:s25+$0x16860] =	vst v0;
	s25 =	sshra.s32 s26, $0x2;
	s26 =	sadd.s32 $0x200, s26  }
0x1a: {  	[tilespmem:s25+$0x16870] =	vst v0  }
0x1b: {  	[tilespmem:s25+$0x16800] =	vst v0  }
0x1c: {  	[tilespmem:s25+$0x16810] =	vst v0  }
0x1d: {  	[tilespmem:s25+$0x16820] =	vst v0  }
0x1e: {  	[tilespmem:s25+$0x16830] =	vst v0  }
0x1f: {  	[tilespmem:s25+$0x16840] =	vst v0  }
0x20: {  	[tilespmem:s25+$0x16850] =	vst v0  }
0x21: {  	[tilespmem:s25+$0x16860] =	vst v0  }
0x22: {  	[spmem:s5] =	stream.linear.scatter [tilespmem:s13], [sflag:$0x3], $0x4000, $0x38;
	[tilespmem:$0x1E800] =	vst v63  }
0x23: {  	_ =	swait.ge [sflag:s14], $0x4000  }
0x24: {  	[sflag:s14] =	ssyncset.done $0x0  }
0x25: {  	[sflag:s14] =	ssyncadd.s32 $0xFFFFC000  }
0x26: {  	[spmem:s6] =	stream.linear.scatter [tilespmem:s13], [sflag:$0x3], $0x4000, $0x38;
	[tilespmem:$0x1E800] =	vst v63  }
0x27: {  	_ =	swait.ge [sflag:s14], $0x4000  }
0x28: {  	[sflag:s14] =	ssyncset.done $0x0  }
0x29: {  	[sflag:s14] =	ssyncadd.s32 $0xFFFFC000  }
0x2a: {  	[spmem:s7] =	stream.linear.scatter [tilespmem:s13], [sflag:$0x3], $0x4000, $0x38;
	[tilespmem:$0x1E800] =	vst v63  }
0x2b: {  	_ =	swait.ge [sflag:s14], $0x4000  }
0x2c: {  	[sflag:s14] =	ssyncset.done $0x0  }
0x2d: {  	[sflag:s14] =	ssyncadd.s32 $0xFFFFC000  }
0x2e: {  	[spmem:s8] =	stream.linear.scatter [tilespmem:s13], [sflag:$0x3], $0x4000, $0x38;
	[tilespmem:$0x1E800] =	vst v63  }
0x2f: {  	_ =	swait.ge [sflag:s14], $0x4000  }
0x30: {  	[sflag:s14] =	ssyncset.done $0x0  }
0x31: {  	[sflag:s14] =	ssyncadd.s32 $0xFFFFC000  }
0x32: {  	[spmem:s9] =	stream.linear.scatter [tilespmem:s13], [sflag:$0x3], $0x4000, $0x38;
	[tilespmem:$0x1E800] =	vst v63  }
0x33: {  	_ =	swait.ge [sflag:s14], $0x4000  }
0x34: {  	[sflag:s14] =	ssyncset.done $0x0  }
0x35: {  	[sflag:s14] =	ssyncadd.s32 $0xFFFFC000  }
0x36: {  	s28 =	simm.s32 $0x0;
	[bflag:$0x0] =	sbarrier.arrive $0xFFFF  }
0x37: {  	[tilespmem:s15], [sflag:$0x3] =	stream.linear.gather [hbm4b:s10+s28], $0x1400, $0x38;
	[tilespmem:$0x1E800] =	vst v63  }
0x38: {  	_ =	swait.ge [sflag:s14], $0x1400  }
0x39: {  	[sflag:s14] =	ssyncset.done $0x0  }
0x3a: {  	[sflag:s14] =	ssyncadd.s32 $0xFFFFEC00  }
0x3b: {  	[tilespmem:s16], [sflag:$0x3] =	stream.linear.gather [hbm4b:s11+s28], $0x1400, $0x38;
	[tilespmem:$0x1E800] =	vst v63  }
0x3c: {  	_ =	swait.ge [sflag:s14], $0x1400  }
0x3d: {  	[sflag:s14] =	ssyncset.done $0x0  }
0x3e: {  	[sflag:s14] =	ssyncadd.s32 $0xFFFFEC00  }
0x3f: {  	[tilespmem:s13], [sflag:$0x1] =	stream.indirect.gather [hbm4b:s1+s17], $0x80, s15, s17, $0xb8;
	[tilespmem:$0x1E800] =	vst v63  }
0x40: {  	_ = 	snop  }
0x41: {  	[tilespmem:s19], [sflag:$0x2] =	stream.indirect.gather [hbm4b:s1+s17], $0x80, s18, s17, $0xb8;
	[tilespmem:$0x1E800] =	vst v63  }
0x42: {  	_ =	swait.ge [sflag:s20], $0x4000  }
0x43: {  	[sflag:s20] =	ssyncset.done $0x0  }
0x44: {  	s29 =	simm.s32 $0x15400;
	[sflag:s20] =	ssyncadd.s32 $0xFFFFC000  }
0x45: {  	[spmem:s3] =	stream.indirect.scatter.add.f32 [tilespmem:s13], [sflag:$0x3], $0x80, s29, s17, $0xb8;
	[tilespmem:$0x1E800] =	vst v63  }
0x46: {  	_ =	swait.ge [sflag:s14], $0x4000  }
0x47: {  	[sflag:s14] =	ssyncset.done $0x0  }
0x48: {  	s30 =	simm.s32 $0x14100;
	[sflag:s14] =	ssyncadd.s32 $0xFFFFC000  }
0x49: {  	[tilespmem:s13], [sflag:$0x1] =	stream.indirect.gather [hbm4b:s1+s17], $0x80, s30, s17, $0xb8;
	[tilespmem:$0x1E800] =	vst v63  }
0x4a: {  	_ =	swait.ge [sflag:s21], $0x4000  }
0x4b: {  	[sflag:s21] =	ssyncset.done $0x0  }
0x4c: {  	s31 =	simm.s32 $0x15480;
	[sflag:s21] =	ssyncadd.s32 $0xFFFFC000  }
0x4d: {  	[spmem:s3] =	stream.indirect.scatter.add.f32 [tilespmem:s19], [sflag:$0x3], $0x80, s31, s17, $0xb8;
	[tilespmem:$0x1E800] =	vst v63  }
0x4e: {  	_ =	swait.ge [sflag:s14], $0x4000  }
0x4f: {  	[sflag:s14] =	ssyncset.done $0x0  }
0x50: {  	s25 =	simm.s32 $0x400;
	s26 =	simm.s32 $0x14180;
	[sflag:s14] =	ssyncadd.s32 $0xFFFFC000  }
.LBB2_4:
0x51: {  	[tilespmem:s19], [sflag:$0x2] =	stream.indirect.gather [hbm4b:s1+s17], $0x80, s26, s17, $0xb8;
	[tilespmem:$0x1E800] =	vst v63  }
0x52: {  	s26 =	smov.u32 s25  }
0x53: {  	p0 =	sne.s32 s25, $0x4800;
	s25 =	sadd.s32 $0x400, s25;
	_ =	swait.ge [sflag:s20], $0x4000  }
0x54: {  	s26 =	sshra.s32 s26, $0x2;
	[sflag:s20] =	ssyncset.done $0x0  }
0x55: {  	s28 =	sadd.s32 $0x15400, s26;
	[sflag:s20] =	ssyncadd.s32 $0xFFFFC000  }
0x56: {  	[spmem:s3] =	stream.indirect.scatter.add.f32 [tilespmem:s13], [sflag:$0x3], $0x80, s28, s17, $0xb8;
	[tilespmem:$0x1E800] =	vst v63  }
0x57: {  	_ =	swait.ge [sflag:s14], $0x4000  }
0x58: {  	[sflag:s14] =	ssyncset.done $0x0  }
0x59: {  	s28 =	sadd.s32 $0x14100, s26;
	[sflag:s14] =	ssyncadd.s32 $0xFFFFC000  }
0x5a: {  	[tilespmem:s13], [sflag:$0x1] =	stream.indirect.gather [hbm4b:s1+s17], $0x80, s28, s17, $0xb8;
	[tilespmem:$0x1E800] =	vst v63  }
0x5b: {  	_ =	swait.ge [sflag:s21], $0x4000  }
0x5c: {  	[sflag:s21] =	ssyncset.done $0x0  }
.Ltmp1:
0x5d: {  	s28 =	sadd.s32 $0x15480, s26;
	[sflag:s21] =	ssyncadd.s32 $0xFFFFC000;
	(pc) =	sbr.rel @p0 .LBB2_4-.Ltmp1, $4  }
0x5e: {  	[spmem:s3] =	stream.indirect.scatter.add.f32 [tilespmem:s19], [sflag:$0x3], $0x80, s28, s17, $0xb8;
	[tilespmem:$0x1E800] =	vst v63  }
0x5f: {  	_ =	swait.ge [sflag:s14], $0x4000  }
0x60: {  	[sflag:s14] =	ssyncset.done $0x0  }
0x61: {  	s26 =	sadd.s32 $0x14180, s26;
	[sflag:s14] =	ssyncadd.s32 $0xFFFFC000  }
0x62: {  	[tilespmem:s19], [sflag:$0x2] =	stream.indirect.gather [hbm4b:s1+s17], $0x80, s26, s17, $0xb8;
	[tilespmem:$0x1E800] =	vst v63  }
0x63: {  	_ =	swait.ge [sflag:s20], $0x4000  }
0x64: {  	[sflag:s20] =	ssyncset.done $0x0  }
0x65: {  	[sflag:s20] =	ssyncadd.s32 $0xFFFFC000  }
0x66: {  	[spmem:s3] =	stream.indirect.scatter.add.f32 [tilespmem:s13], [sflag:$0x3], $0x80, s22, s17, $0xb8;
	[tilespmem:$0x1E800] =	vst v63  }
0x67: {  	_ =	swait.ge [sflag:s14], $0x4000  }
0x68: {  	[sflag:s14] =	ssyncset.done $0x0  }
0x69: {  	[sflag:s14] =	ssyncadd.s32 $0xFFFFC000  }
0x6a: {  	_ =	swait.ge [sflag:s21], $0x4000  }
0x6b: {  	[sflag:s21] =	ssyncset.done $0x0  }
0x6c: {  	[sflag:s21] =	ssyncadd.s32 $0xFFFFC000  }
0x6d: {  	[spmem:s3] =	stream.indirect.scatter.add.f32 [tilespmem:s19], [sflag:$0x3], $0x80, s23, s17, $0xb8;
	[tilespmem:$0x1E800] =	vst v63  }
0x6e: {  	_ =	swait.ge [sflag:s14], $0x4000  }
0x6f: {  	[sflag:s14] =	ssyncset.done $0x0  }
0x70: {  	s25 =	sadd.s32 $0x280, s10;
	s31 =	simm.s32 $0x0;
	[sflag:s14] =	ssyncadd.s32 $0xFFFFC000  }
0x71: {  	[tilespmem:s15], [sflag:$0x3] =	stream.linear.gather [hbm4b:s25+s31], $0x1400, $0x38;
	[tilespmem:$0x1E800] =	vst v63  }
0x72: {  	_ =	swait.ge [sflag:s14], $0x1400  }
0x73: {  	[sflag:s14] =	ssyncset.done $0x0  }
0x74: {  	s28 =	sadd.s32 $0x280, s11;
	[sflag:s14] =	ssyncadd.s32 $0xFFFFEC00  }
0x75: {  	[tilespmem:s16], [sflag:$0x3] =	stream.linear.gather [hbm4b:s28+s31], $0x1400, $0x38;
	[tilespmem:$0x1E800] =	vst v63  }
0x76: {  	_ =	swait.ge [sflag:s14], $0x1400  }
0x77: {  	[sflag:s14] =	ssyncset.done $0x0  }
0x78: {  	[sflag:s14] =	ssyncadd.s32 $0xFFFFEC00  }
0x79: {  	[tilespmem:s13], [sflag:$0x1] =	stream.indirect.gather [hbm4b:s1+s17], $0x80, s15, s17, $0xb8;
	[tilespmem:$0x1E800] =	vst v63  }
0x7a: {  	_ = 	snop  }
0x7b: {  	[tilespmem:s19], [sflag:$0x2] =	stream.indirect.gather [hbm4b:s1+s17], $0x80, s18, s17, $0xb8;
	[tilespmem:$0x1E800] =	vst v63  }
0x7c: {  	_ =	swait.ge [sflag:s20], $0x4000  }
0x7d: {  	[sflag:s20] =	ssyncset.done $0x0  }
0x7e: {  	s29 =	simm.s32 $0x15400;
	[sflag:s20] =	ssyncadd.s32 $0xFFFFC000  }
0x7f: {  	[spmem:s3] =	stream.indirect.scatter.add.f32 [tilespmem:s13], [sflag:$0x3], $0x80, s29, s17, $0xb8;
	[tilespmem:$0x1E800] =	vst v63  }
0x80: {  	_ =	swait.ge [sflag:s14], $0x4000  }
0x81: {  	[sflag:s14] =	ssyncset.done $0x0  }
0x82: {  	s30 =	simm.s32 $0x14100;
	[sflag:s14] =	ssyncadd.s32 $0xFFFFC000  }
0x83: {  	[tilespmem:s13], [sflag:$0x1] =	stream.indirect.gather [hbm4b:s1+s17], $0x80, s30, s17, $0xb8;
	[tilespmem:$0x1E800] =	vst v63  }
0x84: {  	_ =	swait.ge [sflag:s21], $0x4000  }
0x85: {  	[sflag:s21] =	ssyncset.done $0x0  }
0x86: {  	s31 =	simm.s32 $0x15480;
	[sflag:s21] =	ssyncadd.s32 $0xFFFFC000  }
0x87: {  	[spmem:s3] =	stream.indirect.scatter.add.f32 [tilespmem:s19], [sflag:$0x3], $0x80, s31, s17, $0xb8;
	[tilespmem:$0x1E800] =	vst v63  }
0x88: {  	_ =	swait.ge [sflag:s14], $0x4000  }
0x89: {  	[sflag:s14] =	ssyncset.done $0x0  }
0x8a: {  	s26 =	simm.s32 $0x14180;
	s25 =	simm.s32 $0x400;
	[sflag:s14] =	ssyncadd.s32 $0xFFFFC000  }
.LBB2_6:
0x8b: {  	[tilespmem:s19], [sflag:$0x2] =	stream.indirect.gather [hbm4b:s1+s17], $0x80, s26, s17, $0xb8;
	[tilespmem:$0x1E800] =	vst v63  }
0x8c: {  	s26 =	smov.u32 s25  }
0x8d: {  	p0 =	sne.s32 s25, $0x4800;
	s25 =	sadd.s32 $0x400, s25;
	_ =	swait.ge [sflag:s20], $0x4000  }
0x8e: {  	s26 =	sshra.s32 s26, $0x2;
	[sflag:s20] =	ssyncset.done $0x0  }
0x8f: {  	s28 =	sadd.s32 $0x15400, s26;
	[sflag:s20] =	ssyncadd.s32 $0xFFFFC000  }
0x90: {  	[spmem:s3] =	stream.indirect.scatter.add.f32 [tilespmem:s13], [sflag:$0x3], $0x80, s28, s17, $0xb8;
	[tilespmem:$0x1E800] =	vst v63  }
0x91: {  	_ =	swait.ge [sflag:s14], $0x4000  }
0x92: {  	[sflag:s14] =	ssyncset.done $0x0  }
0x93: {  	s28 =	sadd.s32 $0x14100, s26;
	[sflag:s14] =	ssyncadd.s32 $0xFFFFC000  }
0x94: {  	[tilespmem:s13], [sflag:$0x1] =	stream.indirect.gather [hbm4b:s1+s17], $0x80, s28, s17, $0xb8;
	[tilespmem:$0x1E800] =	vst v63  }
0x95: {  	_ =	swait.ge [sflag:s21], $0x4000  }
0x96: {  	[sflag:s21] =	ssyncset.done $0x0  }
.Ltmp2:
0x97: {  	s28 =	sadd.s32 $0x15480, s26;
	[sflag:s21] =	ssyncadd.s32 $0xFFFFC000;
	(pc) =	sbr.rel @p0 .LBB2_6-.Ltmp2, $4  }
0x98: {  	[spmem:s3] =	stream.indirect.scatter.add.f32 [tilespmem:s19], [sflag:$0x3], $0x80, s28, s17, $0xb8;
	[tilespmem:$0x1E800] =	vst v63  }
0x99: {  	_ =	swait.ge [sflag:s14], $0x4000  }
0x9a: {  	[sflag:s14] =	ssyncset.done $0x0  }
0x9b: {  	s26 =	sadd.s32 $0x14180, s26;
	[sflag:s14] =	ssyncadd.s32 $0xFFFFC000  }
0x9c: {  	[tilespmem:s19], [sflag:$0x2] =	stream.indirect.gather [hbm4b:s1+s17], $0x80, s26, s17, $0xb8;
	[tilespmem:$0x1E800] =	vst v63  }
0x9d: {  	_ =	swait.ge [sflag:s20], $0x4000  }
0x9e: {  	[sflag:s20] =	ssyncset.done $0x0  }
0x9f: {  	[sflag:s20] =	ssyncadd.s32 $0xFFFFC000  }
0xa0: {  	[spmem:s3] =	stream.indirect.scatter.add.f32 [tilespmem:s13], [sflag:$0x3], $0x80, s22, s17, $0xb8;
	[tilespmem:$0x1E800] =	vst v63  }
0xa1: {  	_ =	swait.ge [sflag:s14], $0x4000  }
0xa2: {  	[sflag:s14] =	ssyncset.done $0x0  }
0xa3: {  	[sflag:s14] =	ssyncadd.s32 $0xFFFFC000  }
0xa4: {  	_ =	swait.ge [sflag:s21], $0x4000  }
0xa5: {  	[sflag:s21] =	ssyncset.done $0x0  }
0xa6: {  	[sflag:s21] =	ssyncadd.s32 $0xFFFFC000  }
0xa7: {  	[spmem:s3] =	stream.indirect.scatter.add.f32 [tilespmem:s19], [sflag:$0x3], $0x80, s23, s17, $0xb8;
	[tilespmem:$0x1E800] =	vst v63  }
0xa8: {  	_ =	swait.ge [sflag:s14], $0x4000  }
0xa9: {  	s25 =	sshll.u32 s0, $0x6;
	s4 =	sadd.s32 $0x1, s4;
	[sflag:s14] =	ssyncset.done $0x0  }
0xaa: {  	s31 =	sshrl.u32 s5, $0x3;
	p0 =	sne.s32 s4, s12;
	[sflag:s14] =	ssyncadd.s32 $0xFFFFC000  }
.Ltmp3:
0xab: {  	s25 =	sor.u32 $0x1C03, s25;
	[bflag:$0x0] =	sbarrier.arrive $0xFFFF;
	(pc) =	sbr.rel @p0 .LBB2_1-.Ltmp3, $4  }
0xac: {  	[hbm:s24], [sflag:s25] =	dma.local [spmem:s31], $0x2800  }
0xad: {  	_ =	swait.ge [sflag:s14], $0x2800  }
0xae: {  	[sflag:s14] =	ssyncset.done $0x0  }
0xaf: {  	[sflag:s14] =	ssyncadd.s32 $0xFFFFD800  }
0xb0: {  	_ =	sfence.sel $0x180000  }
0xb1: {  	[bflag:$0x0] =	sbarrier.arrive $0xFFFF  }
0xb2: {  	p0 =	sne.s32 s0, $0x0;
	_ =	strace $0x90000047  }
0xb3: {  	s0 =	sadd.s32 @!p0 $0x100000, s2;
	[bflag:$0x2] =	sbarrier.arrive $0xFFFF  }
0xb4: {  	[sflag:s0] =	ssyncadd.tile.s32 @!p0 $0x1;
	_ =	shalt  }
.Lfunc_end2:
_tile_overlayer_lowered:
.L_overlay_start_2:
0xb5: {  	(tag) =	ssettag $0x2  }
0xb6: {  	s0 =	rddreg [dreg:$0x0];
	s2 =	stileid.u32  }
0xb7: {  	s1 =	rddreg [dreg:$0x1];
	p0 =	sne.s32 s2, $0x0  }
0xb8: {  	s3 =	rddreg [dreg:$0x2];
	[bflag:$0x3] =	sbarrier.arrive $0xFFFF;
	s2 =	simm.s32 @!p0 $0x1C03  }
0xb9: {  	[timem:s3], [sflag:s2] =	dma.local @!p0 [hbm:s0], s1  }
0xba: {  	s0 =	simm.s32 @!p0 $0x3  }
0xbb: {  	_ =	swait.ge @!p0 [sflag:s0], s1  }
0xbc: {  	s1 =	ssub.s32 @!p0 $0x0, s1;
	[sflag:s0] =	ssyncset.done @!p0 $0x0  }
0xbd: {  	[sflag:s0] =	ssyncadd.s32 @!p0 s1  }
0xbe: {  	[bflag:$0x3] =	sbarrier.arrive $0xFFFF  }
0xbf: {  	_ =	shalt  }

</sc_bundles>
